<compile_context>
chip_gen: v7x
topology: tpu7x:2x2x1
jax: 0.10.2.dev20260603
libtpu: 0.0.44.dev20260713+nightly
codegen_flags: <defaults>
</compile_context>

<pallas_src>
import functools

import jax
import jax.numpy as jnp
from jax import lax
from jax.experimental import pallas as pl
from jax.experimental.pallas import tpu as pltpu
from jax.experimental.pallas import tpu_sc as plsc

D = 128
N = 10000
E = 320000
NC, NS = 2, 16
K = 128
NCHUNK = E // K
CPT = 78
NEXTRA = NCHUNK - NC * NS * CPT
ROWS_PER_TILE = 632
NPAD = NS * ROWS_PER_TILE


def _sc_aggregate_body(ei, xl, out, cidx, ridx, rows, msg_sh,
                       isem, rsem, gsem, ssem):
    cid = lax.axis_index("c")
    sid = lax.axis_index("s")
    c0 = (cid * NS + sid) * CPT

    zero = jnp.zeros((16,), jnp.float32)

    def zrow(r, carry):
        for l in range(D // 16):
            rows[0][r, pl.ds(l * 16, 16)] = zero
        return carry
    lax.fori_loop(0, K, zrow, 0)
    for c in range(ROWS_PER_TILE // K):
        pltpu.sync_copy(rows[0],
                        msg_sh.at[pl.ds(sid * ROWS_PER_TILE + c * K, K)])
    rem = ROWS_PER_TILE % K
    if rem:
        base = sid * ROWS_PER_TILE + (ROWS_PER_TILE // K) * K
        pltpu.sync_copy(rows[0].at[pl.ds(0, rem)],
                        msg_sh.at[pl.ds(base, rem)])
    plsc.subcore_barrier()

    def load_cidx(j, b):
        pltpu.async_copy(ei.at[1, pl.ds(j * K, K)], cidx[b], isem[b])

    def wait_cidx(j, b):
        pltpu.make_async_copy(ei.at[1, pl.ds(j * K, K)], cidx[b],
                              isem[b]).wait()

    def load_ridx(j, b):
        pltpu.async_copy(ei.at[0, pl.ds(j * K, K)], ridx[b], rsem[b])

    def wait_ridx(j, b):
        pltpu.make_async_copy(ei.at[0, pl.ds(j * K, K)], ridx[b],
                              rsem[b]).wait()

    def wait_gather(b):
        pltpu.make_async_copy(xl.at[cidx[b]], rows[b], gsem[b]).wait()

    def wait_scatter(b):
        pltpu.make_async_copy(rows[b], msg_sh.at[ridx[b]], ssem[b]).wait()

    def seg_sync(j, o):
        b3, b2 = o % 3, (o + 2) % 3
        wait_cidx(j + 2, b2)
        load_ridx(j + 2, b2)
        pltpu.async_copy(xl.at[cidx[b2]], rows[b2], gsem[b2])
        wait_gather(b3)
        wait_ridx(j, b3)
        pltpu.sync_copy(rows[b3], msg_sh.at[ridx[b3]], add=True)
        load_cidx(j + 3, b3)

    def seg_async(j, o, first=False):
        b3, b2 = o % 3, (o + 2) % 3
        wait_cidx(j + 2, b2)
        if not first:
            wait_scatter(b2)
        load_ridx(j + 2, b2)
        pltpu.async_copy(xl.at[cidx[b2]], rows[b2], gsem[b2])
        wait_gather(b3)
        wait_ridx(j, b3)
        pltpu.async_copy(rows[b3], msg_sh.at[ridx[b3]], ssem[b3], add=True)
        load_cidx(j + 3, b3)

    for o in range(2):
        load_cidx(c0 + o, o)
        load_ridx(c0 + o, o)
    for o in range(2):
        wait_cidx(c0 + o, o)
        pltpu.async_copy(xl.at[cidx[o]], rows[o], gsem[o])
    load_cidx(c0 + 2, 2)
    for o in range(3):
        seg_sync(c0 + o, o)

    for s in range(6):
        seg_async(c0 + 3 + s, 3 + s, first=(s == 0))

    def acc_body(t, carry):
        j = c0 + 9 + 6 * t
        for s in range(6):
            seg_async(j + s, 9 + s)
        return carry
    lax.fori_loop(0, (CPT - 9 - 3) // 6, acc_body, 0)

    bl = (CPT - 1) % 3
    wait_cidx(c0 + CPT - 1, bl)
    wait_scatter(bl)
    load_ridx(c0 + CPT - 1, bl)
    pltpu.async_copy(xl.at[cidx[bl]], rows[bl], gsem[bl])
    for s in range(3):
        o = CPT - 3 + s
        b = o % 3
        wait_gather(b)
        wait_ridx(c0 + o, b)
        pltpu.sync_copy(rows[b], msg_sh.at[ridx[b]], add=True)

    @pl.when(jnp.logical_and(cid == 0, sid < NEXTRA))
    def _extra():
        j = NC * NS * CPT + sid
        load_cidx(j, 0)
        load_ridx(j, 0)
        wait_cidx(j, 0)
        wait_ridx(j, 0)
        pltpu.async_copy(xl.at[cidx[0]], rows[0], gsem[0])
        wait_gather(0)
        pltpu.sync_copy(rows[0], msg_sh.at[ridx[0]], add=True)

    plsc.subcore_barrier()

    pltpu.sync_copy(msg_sh.at[pl.ds(sid * ROWS_PER_TILE, ROWS_PER_TILE)],
                    out.at[cid, pl.ds(sid * ROWS_PER_TILE, ROWS_PER_TILE)])


_sc_aggregate = functools.partial(
    pl.kernel,
    out_type=jax.ShapeDtypeStruct((NC, NPAD, D), jnp.float32),
    mesh=plsc.VectorSubcoreMesh(core_axis_name="c", subcore_axis_name="s",
                                num_cores=NC, num_subcores=NS),
    scratch_types=[
        [pltpu.VMEM((K,), jnp.int32) for _ in range(3)],
        [pltpu.VMEM((K,), jnp.int32) for _ in range(3)],
        [pltpu.VMEM((K, D), jnp.float32) for _ in range(3)],
        pltpu.VMEM_SHARED((NPAD, D), jnp.float32),
        [pltpu.SemaphoreType.DMA for _ in range(3)],
        [pltpu.SemaphoreType.DMA for _ in range(3)],
        [pltpu.SemaphoreType.DMA for _ in range(3)],
        [pltpu.SemaphoreType.DMA for _ in range(3)],
    ],
)(_sc_aggregate_body)


def _lstm_body(msgp_ref, h0_ref, c0_ref, wih_ref, whh_ref, bih_ref, bhh_ref,
               h_ref, c_ref):
    msg = msgp_ref[0] + msgp_ref[1]
    dn = (((1,), (1,)), ((), ()))
    gates = (lax.dot_general(msg, wih_ref[...], dn,
                             preferred_element_type=jnp.float32)
             + lax.dot_general(h0_ref[...], whh_ref[...], dn,
                               preferred_element_type=jnp.float32)
             + bih_ref[...] + bhh_ref[...])
    i = jax.nn.sigmoid(gates[:, 0 * D:1 * D])
    f = jax.nn.sigmoid(gates[:, 1 * D:2 * D])
    g = jnp.tanh(gates[:, 2 * D:3 * D])
    o = jax.nn.sigmoid(gates[:, 3 * D:4 * D])
    c_new = f * c0_ref[...] + i * g
    c_ref[...] = c_new
    h_ref[...] = o * jnp.tanh(c_new)


def _lstm_call(msgp, h0, c0, wih, whh, bih, bhh):
    R = 1000
    grid = N // R
    return pl.pallas_call(
        _lstm_body,
        grid=(grid,),
        in_specs=[
            pl.BlockSpec((NC, R, D), lambda i: (0, i, 0)),
            pl.BlockSpec((R, D), lambda i: (i, 0)),
            pl.BlockSpec((R, D), lambda i: (i, 0)),
            pl.BlockSpec((4 * D, D), lambda i: (0, 0)),
            pl.BlockSpec((4 * D, D), lambda i: (0, 0)),
            pl.BlockSpec((1, 4 * D), lambda i: (0, 0)),
            pl.BlockSpec((1, 4 * D), lambda i: (0, 0)),
        ],
        out_specs=[
            pl.BlockSpec((R, D), lambda i: (i, 0)),
            pl.BlockSpec((R, D), lambda i: (i, 0)),
        ],
        out_shape=[
            jax.ShapeDtypeStruct((N, D), jnp.float32),
            jax.ShapeDtypeStruct((N, D), jnp.float32),
        ],
    )(msgp, h0, c0, wih, whh, bih, bhh)


def kernel(edge_index, x_l, h0, c0, W_ih, W_hh, b_ih, b_hh):
    ei = edge_index.astype(jnp.int32)

    msgp = _sc_aggregate(ei, x_l)

    h_new, c_new = _lstm_call(msgp, h0, c0, W_ih, W_hh,
                              b_ih.reshape(1, 4 * D), b_hh.reshape(1, 4 * D))
    return (h_new, c_new)

# --- scband reference (transcript-rebuilt; emitter-appended) ---
"""Pipeline reference for scband-lit-to-clause-layer-13597866459547 (READ-ONLY COPY).

The authoritative reference and input builder live on the scoring server;
editing this copy changes nothing except your own understanding.
"""

import jax, jax.numpy as jnp
import numpy as np

D_MODEL = 128
N_NODES = 10000
N_EDGES = 320000


def setup_inputs(seed: int = 0) -> dict:
    key = jax.random.key(seed)
    k_ei, k_x, k_h, k_c, k_wih, k_whh, k_bih, k_bhh = jax.random.split(key, 8)
    edge_index = jax.random.randint(k_ei, (2, N_EDGES), 0, N_NODES, dtype=jnp.int64)
    x_l = jax.random.normal(k_x, (N_NODES, D_MODEL), dtype=jnp.float32)
    h0 = jax.random.normal(k_h, (N_NODES, D_MODEL), dtype=jnp.float32)
    c0 = jax.random.normal(k_c, (N_NODES, D_MODEL), dtype=jnp.float32)
    scale = 1.0 / np.sqrt(D_MODEL)
    W_ih = jax.random.uniform(k_wih, (4 * D_MODEL, D_MODEL), dtype=jnp.float32, minval=-scale, maxval=scale)
    W_hh = jax.random.uniform(k_whh, (4 * D_MODEL, D_MODEL), dtype=jnp.float32, minval=-scale, maxval=scale)
    b_ih = jax.random.uniform(k_bih, (4 * D_MODEL,), dtype=jnp.float32, minval=-scale, maxval=scale)
    b_hh = jax.random.uniform(k_bhh, (4 * D_MODEL,), dtype=jnp.float32, minval=-scale, maxval=scale)
    return {"edge_index": edge_index, "x_l": x_l, "h0": h0, "c0": c0,
            "W_ih": W_ih, "W_hh": W_hh, "b_ih": b_ih, "b_hh": b_hh}


def reference(edge_index, x_l, h0, c0, W_ih, W_hh, b_ih, b_hh):
    # msg = matmul(adj_t, x_l): sparse (clause x literal) adjacency applied as
    # gather of literal embeddings + scatter-add into clause rows.
    row = edge_index[0]  # destination clause index
    col = edge_index[1]  # source literal index
    n_clauses = h0.shape[0]
    msg = jnp.zeros((n_clauses, x_l.shape[1]), dtype=x_l.dtype).at[row].add(x_l[col])
    # Single-step LSTM cell (seq_len=1), PyTorch gate order: i, f, g, o
    gates = msg @ W_ih.T + b_ih + h0 @ W_hh.T + b_hh
    i, f, g, o = jnp.split(gates, 4, axis=-1)
    i = jax.nn.sigmoid(i)
    f = jax.nn.sigmoid(f)
    g = jnp.tanh(g)
    o = jax.nn.sigmoid(o)
    c_new = f * c0 + i * g
    h_new = o * jnp.tanh(c_new)
    return (h_new, c_new)

if __name__ == "__main__":
    import jax
    _d = setup_inputs()
    print(jax.jit(kernel)(*tuple(_d.values())))

</pallas_src>

<mosaic_0001>
#map = affine_map<(d0, d1) -> (0, 0)>
#map1 = affine_map<(d0, d1) -> (0, 0, 0)>
module attributes {stable_mosaic.version = 14 : i64} {
  func.func @_sc_aggregate_body(%arg0: i32, %arg1: i32, %arg2: memref<2x320000xi32, #tpu.memory_space<hbm>>, %arg3: memref<10000x128xf32, #tpu.memory_space<hbm>>, %arg4: memref<2x10112x128xf32, #tpu.memory_space<hbm>>, %arg5: memref<128xi32, #tpu.memory_space<vmem>>, %arg6: memref<128xi32, #tpu.memory_space<vmem>>, %arg7: memref<128xi32, #tpu.memory_space<vmem>>, %arg8: memref<128xi32, #tpu.memory_space<vmem>>, %arg9: memref<128xi32, #tpu.memory_space<vmem>>, %arg10: memref<128xi32, #tpu.memory_space<vmem>>, %arg11: memref<128x128xf32, #tpu.memory_space<vmem>>, %arg12: memref<128x128xf32, #tpu.memory_space<vmem>>, %arg13: memref<128x128xf32, #tpu.memory_space<vmem>>, %arg14: memref<10112x128xf32, #tpu.memory_space<vmem_shared>>, %arg15: memref<!tpu.dma_semaphore, #tpu.memory_space<semaphore_mem>>, %arg16: memref<!tpu.dma_semaphore, #tpu.memory_space<semaphore_mem>>, %arg17: memref<!tpu.dma_semaphore, #tpu.memory_space<semaphore_mem>>, %arg18: memref<!tpu.dma_semaphore, #tpu.memory_space<semaphore_mem>>, %arg19: memref<!tpu.dma_semaphore, #tpu.memory_space<semaphore_mem>>, %arg20: memref<!tpu.dma_semaphore, #tpu.memory_space<semaphore_mem>>, %arg21: memref<!tpu.dma_semaphore, #tpu.memory_space<semaphore_mem>>, %arg22: memref<!tpu.dma_semaphore, #tpu.memory_space<semaphore_mem>>, %arg23: memref<!tpu.dma_semaphore, #tpu.memory_space<semaphore_mem>>, %arg24: memref<!tpu.dma_semaphore, #tpu.memory_space<semaphore_mem>>, %arg25: memref<!tpu.dma_semaphore, #tpu.memory_space<semaphore_mem>>, %arg26: memref<!tpu.dma_semaphore, #tpu.memory_space<semaphore_mem>>) attributes {dimension_semantics = [#tpu.dimension_semantics<core_parallel>, #tpu.dimension_semantics<subcore_parallel>], iteration_bounds = array<i64: 2, 16>, scalar_prefetch = 0 : i64, scratch_operands = 22 : i64, tpu.core_type = #tpu.core_type<sc_vector_subcore>, window_params = [{transform_indices = #map}, {transform_indices = #map}, {transform_indices = #map1}]} {
    %mul3A = arith.constant 16 : i32
    %mul3A_0 = arith.muli %arg0, %mul3A : i32
    %add3A = arith.addi %mul3A_0, %arg1 : i32
    %mul3A_1 = arith.constant 78 : i32
    %mul3A_2 = arith.muli %add3A, %mul3A_1 : i32
    %broadcast_in_dim3A = arith.constant 0.000000e+00 : f32
    %broadcast_in_dim3A_3 = vector.broadcast %broadcast_in_dim3A : f32 to vector<16xf32>
    %scan3A = arith.constant 0 : i32
    %scan3A_4 = arith.constant 0 : i32
    %scan3A_5 = arith.constant 128 : i32
    %scan3A_6 = arith.addi %scan3A_4, %scan3A_5 : i32
    %scan3A_7 = arith.constant 1 : i32
    scf.for %scan3A_596 = %scan3A_4 to %scan3A_6 step %scan3A_7  : i32 {
      %swap3A = arith.index_cast %scan3A_596 : i32 to index
      %swap3A_597 = arith.constant 0 : index
      %swap3A_598 = tpu.vector_load %arg11[%swap3A, %swap3A_597] {strides = array<i32>} : memref<128x128xf32, #tpu.memory_space<vmem>>, vector<1x16xf32>,
      %swap3A_599 = vector.shape_cast %swap3A_598 : vector<1x16xf32> to vector<16xf32>
      %swap3A_600 = vector.shape_cast %broadcast_in_dim3A_3 : vector<16xf32> to vector<1x16xf32>
      tpu.vector_store %arg11[%swap3A, %swap3A_597], %swap3A_600 {strides = array<i32>} : memref<128x128xf32, #tpu.memory_space<vmem>>, vector<1x16xf32>,
      %swap3A_601 = arith.index_cast %scan3A_596 : i32 to index
      %swap3A_602 = arith.constant 16 : index
      %swap3A_603 = tpu.vector_load %arg11[%swap3A_601, %swap3A_602] {strides = array<i32>} : memref<128x128xf32, #tpu.memory_space<vmem>>, vector<1x16xf32>,
      %swap3A_604 = vector.shape_cast %swap3A_603 : vector<1x16xf32> to vector<16xf32>
      %swap3A_605 = vector.shape_cast %broadcast_in_dim3A_3 : vector<16xf32> to vector<1x16xf32>
      tpu.vector_store %arg11[%swap3A_601, %swap3A_602], %swap3A_605 {strides = array<i32>} : memref<128x128xf32, #tpu.memory_space<vmem>>, vector<1x16xf32>,
      %swap3A_606 = arith.index_cast %scan3A_596 : i32 to index
      %swap3A_607 = arith.constant 32 : index
      %swap3A_608 = tpu.vector_load %arg11[%swap3A_606, %swap3A_607] {strides = array<i32>} : memref<128x128xf32, #tpu.memory_space<vmem>>, vector<1x16xf32>,
      %swap3A_609 = vector.shape_cast %swap3A_608 : vector<1x16xf32> to vector<16xf32>
      %swap3A_610 = vector.shape_cast %broadcast_in_dim3A_3 : vector<16xf32> to vector<1x16xf32>
      tpu.vector_store %arg11[%swap3A_606, %swap3A_607], %swap3A_610 {strides = array<i32>} : memref<128x128xf32, #tpu.memory_space<vmem>>, vector<1x16xf32>,
      %swap3A_611 = arith.index_cast %scan3A_596 : i32 to index
      %swap3A_612 = arith.constant 48 : index
      %swap3A_613 = tpu.vector_load %arg11[%swap3A_611, %swap3A_612] {strides = array<i32>} : memref<128x128xf32, #tpu.memory_space<vmem>>, vector<1x16xf32>,
      %swap3A_614 = vector.shape_cast %swap3A_613 : vector<1x16xf32> to vector<16xf32>
      %swap3A_615 = vector.shape_cast %broadcast_in_dim3A_3 : vector<16xf32> to vector<1x16xf32>
      tpu.vector_store %arg11[%swap3A_611, %swap3A_612], %swap3A_615 {strides = array<i32>} : memref<128x128xf32, #tpu.memory_space<vmem>>, vector<1x16xf32>,
      %swap3A_616 = arith.index_cast %scan3A_596 : i32 to index
      %swap3A_617 = arith.constant 64 : index
      %swap3A_618 = tpu.vector_load %arg11[%swap3A_616, %swap3A_617] {strides = array<i32>} : memref<128x128xf32, #tpu.memory_space<vmem>>, vector<1x16xf32>,
      %swap3A_619 = vector.shape_cast %swap3A_618 : vector<1x16xf32> to vector<16xf32>
      %swap3A_620 = vector.shape_cast %broadcast_in_dim3A_3 : vector<16xf32> to vector<1x16xf32>
      tpu.vector_store %arg11[%swap3A_616, %swap3A_617], %swap3A_620 {strides = array<i32>} : memref<128x128xf32, #tpu.memory_space<vmem>>, vector<1x16xf32>,
      %swap3A_621 = arith.index_cast %scan3A_596 : i32 to index
      %swap3A_622 = arith.constant 80 : index
      %swap3A_623 = tpu.vector_load %arg11[%swap3A_621, %swap3A_622] {strides = array<i32>} : memref<128x128xf32, #tpu.memory_space<vmem>>, vector<1x16xf32>,
      %swap3A_624 = vector.shape_cast %swap3A_623 : vector<1x16xf32> to vector<16xf32>
      %swap3A_625 = vector.shape_cast %broadcast_in_dim3A_3 : vector<16xf32> to vector<1x16xf32>
      tpu.vector_store %arg11[%swap3A_621, %swap3A_622], %swap3A_625 {strides = array<i32>} : memref<128x128xf32, #tpu.memory_space<vmem>>, vector<1x16xf32>,
      %swap3A_626 = arith.index_cast %scan3A_596 : i32 to index
      %swap3A_627 = arith.constant 96 : index
      %swap3A_628 = tpu.vector_load %arg11[%swap3A_626, %swap3A_627] {strides = array<i32>} : memref<128x128xf32, #tpu.memory_space<vmem>>, vector<1x16xf32>,
      %swap3A_629 = vector.shape_cast %swap3A_628 : vector<1x16xf32> to vector<16xf32>
      %swap3A_630 = vector.shape_cast %broadcast_in_dim3A_3 : vector<16xf32> to vector<1x16xf32>
      tpu.vector_store %arg11[%swap3A_626, %swap3A_627], %swap3A_630 {strides = array<i32>} : memref<128x128xf32, #tpu.memory_space<vmem>>, vector<1x16xf32>,
      %swap3A_631 = arith.index_cast %scan3A_596 : i32 to index
      %swap3A_632 = arith.constant 112 : index
      %swap3A_633 = tpu.vector_load %arg11[%swap3A_631, %swap3A_632] {strides = array<i32>} : memref<128x128xf32, #tpu.memory_space<vmem>>, vector<1x16xf32>,
      %swap3A_634 = vector.shape_cast %swap3A_633 : vector<1x16xf32> to vector<16xf32>
      %swap3A_635 = vector.shape_cast %broadcast_in_dim3A_3 : vector<16xf32> to vector<1x16xf32>
      tpu.vector_store %arg11[%swap3A_631, %swap3A_632], %swap3A_635 {strides = array<i32>} : memref<128x128xf32, #tpu.memory_space<vmem>>, vector<1x16xf32>,
    }
    %scan3A_8 = arith.constant 128 : i32
    %mul3A_9 = arith.constant 632 : i32
    %mul3A_10 = arith.muli %arg1, %mul3A_9 : i32
    %add3A_11 = arith.constant 0 : i32
    %add3A_12 = arith.addi %mul3A_10, %add3A_11 : i32
    "tpu.region"() ({
      %run_scoped3A = tpu.sem_alloc : memref<!tpu.dma_semaphore, #tpu.memory_space<semaphore_mem>>
      %dma_start3A_596 = arith.constant 0 : i32
      %dma_start3A_597 = tpu.memref_slice %arg14[%add3A_12, %dma_start3A_596] : memref<10112x128xf32, #tpu.memory_space<vmem_shared>> -> memref<128x128xf32, #tpu.memory_space<vmem_shared>>
      %dma_start3A_598 = arith.constant 0 : i32
      %dma_start3A_599 = tpu.memref_slice %arg14[%add3A_12, %dma_start3A_598] : memref<10112x128xf32, #tpu.memory_space<vmem_shared>> -> memref<128x128xf32, #tpu.memory_space<vmem_shared>>
      tpu.enqueue_dma source(%arg11 : memref<128x128xf32, #tpu.memory_space<vmem>>) target(%dma_start3A_599 : memref<128x128xf32, #tpu.memory_space<vmem_shared>>) target_semaphore(%run_scoped3A : memref<!tpu.dma_semaphore, #tpu.memory_space<semaphore_mem>>)
      %dma_wait3A_600 = arith.constant 0 : i32
      %dma_wait3A_601 = tpu.memref_slice %arg14[%add3A_12, %dma_wait3A_600] : memref<10112x128xf32, #tpu.memory_space<vmem_shared>> -> memref<128x128xf32, #tpu.memory_space<vmem_shared>>
      %dma_wait3A_602 = arith.constant 0 : i32
      %dma_wait3A_603 = tpu.memref_slice %arg14[%add3A_12, %dma_wait3A_602] : memref<10112x128xf32, #tpu.memory_space<vmem_shared>> -> memref<128x128xf32, #tpu.memory_space<vmem_shared>>
      tpu.wait_dma2 semaphore(%run_scoped3A : memref<!tpu.dma_semaphore, #tpu.memory_space<semaphore_mem>>) src(%arg11 : memref<128x128xf32, #tpu.memory_space<vmem>>) dst(%dma_wait3A_603 : memref<128x128xf32, #tpu.memory_space<vmem_shared>>)
      tpu.yield
    }) : () -> ()
    %mul3A_13 = arith.constant 632 : i32
    %mul3A_14 = arith.muli %arg1, %mul3A_13 : i32
    %add3A_15 = arith.constant 128 : i32
    %add3A_16 = arith.addi %mul3A_14, %add3A_15 : i32
    "tpu.region"() ({
      %run_scoped3A = tpu.sem_alloc : memref<!tpu.dma_semaphore, #tpu.memory_space<semaphore_mem>>
      %dma_start3A_596 = arith.constant 0 : i32
      %dma_start3A_597 = tpu.memref_slice %arg14[%add3A_16, %dma_start3A_596] : memref<10112x128xf32, #tpu.memory_space<vmem_shared>> -> memref<128x128xf32, #tpu.memory_space<vmem_shared>>
      %dma_start3A_598 = arith.constant 0 : i32
      %dma_start3A_599 = tpu.memref_slice %arg14[%add3A_16, %dma_start3A_598] : memref<10112x128xf32, #tpu.memory_space<vmem_shared>> -> memref<128x128xf32, #tpu.memory_space<vmem_shared>>
      tpu.enqueue_dma source(%arg11 : memref<128x128xf32, #tpu.memory_space<vmem>>) target(%dma_start3A_599 : memref<128x128xf32, #tpu.memory_space<vmem_shared>>) target_semaphore(%run_scoped3A : memref<!tpu.dma_semaphore, #tpu.memory_space<semaphore_mem>>)
      %dma_wait3A_600 = arith.constant 0 : i32
      %dma_wait3A_601 = tpu.memref_slice %arg14[%add3A_16, %dma_wait3A_600] : memref<10112x128xf32, #tpu.memory_space<vmem_shared>> -> memref<128x128xf32, #tpu.memory_space<vmem_shared>>
      %dma_wait3A_602 = arith.constant 0 : i32
      %dma_wait3A_603 = tpu.memref_slice %arg14[%add3A_16, %dma_wait3A_602] : memref<10112x128xf32, #tpu.memory_space<vmem_shared>> -> memref<128x128xf32, #tpu.memory_space<vmem_shared>>
      tpu.wait_dma2 semaphore(%run_scoped3A : memref<!tpu.dma_semaphore, #tpu.memory_space<semaphore_mem>>) src(%arg11 : memref<128x128xf32, #tpu.memory_space<vmem>>) dst(%dma_wait3A_603 : memref<128x128xf32, #tpu.memory_space<vmem_shared>>)
      tpu.yield
    }) : () -> ()
    %mul3A_17 = arith.constant 632 : i32
    %mul3A_18 = arith.muli %arg1, %mul3A_17 : i32
    %add3A_19 = arith.constant 256 : i32
    %add3A_20 = arith.addi %mul3A_18, %add3A_19 : i32
    "tpu.region"() ({
      %run_scoped3A = tpu.sem_alloc : memref<!tpu.dma_semaphore, #tpu.memory_space<semaphore_mem>>
      %dma_start3A_596 = arith.constant 0 : i32
      %dma_start3A_597 = tpu.memref_slice %arg14[%add3A_20, %dma_start3A_596] : memref<10112x128xf32, #tpu.memory_space<vmem_shared>> -> memref<128x128xf32, #tpu.memory_space<vmem_shared>>
      %dma_start3A_598 = arith.constant 0 : i32
      %dma_start3A_599 = tpu.memref_slice %arg14[%add3A_20, %dma_start3A_598] : memref<10112x128xf32, #tpu.memory_space<vmem_shared>> -> memref<128x128xf32, #tpu.memory_space<vmem_shared>>
      tpu.enqueue_dma source(%arg11 : memref<128x128xf32, #tpu.memory_space<vmem>>) target(%dma_start3A_599 : memref<128x128xf32, #tpu.memory_space<vmem_shared>>) target_semaphore(%run_scoped3A : memref<!tpu.dma_semaphore, #tpu.memory_space<semaphore_mem>>)
      %dma_wait3A_600 = arith.constant 0 : i32
      %dma_wait3A_601 = tpu.memref_slice %arg14[%add3A_20, %dma_wait3A_600] : memref<10112x128xf32, #tpu.memory_space<vmem_shared>> -> memref<128x128xf32, #tpu.memory_space<vmem_shared>>
      %dma_wait3A_602 = arith.constant 0 : i32
      %dma_wait3A_603 = tpu.memref_slice %arg14[%add3A_20, %dma_wait3A_602] : memref<10112x128xf32, #tpu.memory_space<vmem_shared>> -> memref<128x128xf32, #tpu.memory_space<vmem_shared>>
      tpu.wait_dma2 semaphore(%run_scoped3A : memref<!tpu.dma_semaphore, #tpu.memory_space<semaphore_mem>>) src(%arg11 : memref<128x128xf32, #tpu.memory_space<vmem>>) dst(%dma_wait3A_603 : memref<128x128xf32, #tpu.memory_space<vmem_shared>>)
      tpu.yield
    }) : () -> ()
    %mul3A_21 = arith.constant 632 : i32
    %mul3A_22 = arith.muli %arg1, %mul3A_21 : i32
    %add3A_23 = arith.constant 384 : i32
    %add3A_24 = arith.addi %mul3A_22, %add3A_23 : i32
    "tpu.region"() ({
      %run_scoped3A = tpu.sem_alloc : memref<!tpu.dma_semaphore, #tpu.memory_space<semaphore_mem>>
      %dma_start3A_596 = arith.constant 0 : i32
      %dma_start3A_597 = tpu.memref_slice %arg14[%add3A_24, %dma_start3A_596] : memref<10112x128xf32, #tpu.memory_space<vmem_shared>> -> memref<128x128xf32, #tpu.memory_space<vmem_shared>>
      %dma_start3A_598 = arith.constant 0 : i32
      %dma_start3A_599 = tpu.memref_slice %arg14[%add3A_24, %dma_start3A_598] : memref<10112x128xf32, #tpu.memory_space<vmem_shared>> -> memref<128x128xf32, #tpu.memory_space<vmem_shared>>
      tpu.enqueue_dma source(%arg11 : memref<128x128xf32, #tpu.memory_space<vmem>>) target(%dma_start3A_599 : memref<128x128xf32, #tpu.memory_space<vmem_shared>>) target_semaphore(%run_scoped3A : memref<!tpu.dma_semaphore, #tpu.memory_space<semaphore_mem>>)
      %dma_wait3A_600 = arith.constant 0 : i32
      %dma_wait3A_601 = tpu.memref_slice %arg14[%add3A_24, %dma_wait3A_600] : memref<10112x128xf32, #tpu.memory_space<vmem_shared>> -> memref<128x128xf32, #tpu.memory_space<vmem_shared>>
      %dma_wait3A_602 = arith.constant 0 : i32
      %dma_wait3A_603 = tpu.memref_slice %arg14[%add3A_24, %dma_wait3A_602] : memref<10112x128xf32, #tpu.memory_space<vmem_shared>> -> memref<128x128xf32, #tpu.memory_space<vmem_shared>>
      tpu.wait_dma2 semaphore(%run_scoped3A : memref<!tpu.dma_semaphore, #tpu.memory_space<semaphore_mem>>) src(%arg11 : memref<128x128xf32, #tpu.memory_space<vmem>>) dst(%dma_wait3A_603 : memref<128x128xf32, #tpu.memory_space<vmem_shared>>)
      tpu.yield
    }) : () -> ()
    %mul3A_25 = arith.constant 632 : i32
    %mul3A_26 = arith.muli %arg1, %mul3A_25 : i32
    %add3A_27 = arith.constant 512 : i32
    %add3A_28 = arith.addi %mul3A_26, %add3A_27 : i32
    "tpu.region"() ({
      %run_scoped3A = tpu.sem_alloc : memref<!tpu.dma_semaphore, #tpu.memory_space<semaphore_mem>>
      %dma_start3A_596 = arith.constant 0 : i32
      %dma_start3A_597 = arith.constant 0 : i32
      %dma_start3A_598 = tpu.memref_slice %arg11[%dma_start3A_596, %dma_start3A_597] : memref<128x128xf32, #tpu.memory_space<vmem>> -> memref<120x128xf32, #tpu.memory_space<vmem>>
      %dma_start3A_599 = arith.constant 0 : i32
      %dma_start3A_600 = tpu.memref_slice %arg14[%add3A_28, %dma_start3A_599] : memref<10112x128xf32, #tpu.memory_space<vmem_shared>> -> memref<120x128xf32, #tpu.memory_space<vmem_shared>>
      %dma_start3A_601 = arith.constant 0 : i32
      %dma_start3A_602 = tpu.memref_slice %arg14[%add3A_28, %dma_start3A_601] : memref<10112x128xf32, #tpu.memory_space<vmem_shared>> -> memref<120x128xf32, #tpu.memory_space<vmem_shared>>
      %dma_start3A_603 = arith.constant 0 : i32
      %dma_start3A_604 = arith.constant 0 : i32
      %dma_start3A_605 = tpu.memref_slice %arg11[%dma_start3A_603, %dma_start3A_604] : memref<128x128xf32, #tpu.memory_space<vmem>> -> memref<120x128xf32, #tpu.memory_space<vmem>>
      tpu.enqueue_dma source(%dma_start3A_605 : memref<120x128xf32, #tpu.memory_space<vmem>>) target(%dma_start3A_602 : memref<120x128xf32, #tpu.memory_space<vmem_shared>>) target_semaphore(%run_scoped3A : memref<!tpu.dma_semaphore, #tpu.memory_space<semaphore_mem>>)
      %dma_wait3A_606 = arith.constant 0 : i32
      %dma_wait3A_607 = arith.constant 0 : i32
      %dma_wait3A_608 = tpu.memref_slice %arg11[%dma_wait3A_606, %dma_wait3A_607] : memref<128x128xf32, #tpu.memory_space<vmem>> -> memref<120x128xf32, #tpu.memory_space<vmem>>
      %dma_wait3A_609 = arith.constant 0 : i32
      %dma_wait3A_610 = tpu.memref_slice %arg14[%add3A_28, %dma_wait3A_609] : memref<10112x128xf32, #tpu.memory_space<vmem_shared>> -> memref<120x128xf32, #tpu.memory_space<vmem_shared>>
      %dma_wait3A_611 = arith.constant 0 : i32
      %dma_wait3A_612 = tpu.memref_slice %arg14[%add3A_28, %dma_wait3A_611] : memref<10112x128xf32, #tpu.memory_space<vmem_shared>> -> memref<120x128xf32, #tpu.memory_space<vmem_shared>>
      %dma_wait3A_613 = arith.constant 0 : i32
      %dma_wait3A_614 = arith.constant 0 : i32
      %dma_wait3A_615 = tpu.memref_slice %arg11[%dma_wait3A_613, %dma_wait3A_614] : memref<128x128xf32, #tpu.memory_space<vmem>> -> memref<120x128xf32, #tpu.memory_space<vmem>>
      tpu.wait_dma2 semaphore(%run_scoped3A : memref<!tpu.dma_semaphore, #tpu.memory_space<semaphore_mem>>) src(%dma_wait3A_615 : memref<120x128xf32, #tpu.memory_space<vmem>>) dst(%dma_wait3A_612 : memref<120x128xf32, #tpu.memory_space<vmem_shared>>)
      tpu.yield
    }) : () -> ()
    %barrier3A = arith.constant 0 : index
    tpu.barrier barrier_id(%barrier3A)
    %add3A_29 = arith.constant 0 : i32
    %add3A_30 = arith.addi %mul3A_2, %add3A_29 : i32
    %mul3A_31 = arith.constant 128 : i32
    %mul3A_32 = arith.muli %add3A_30, %mul3A_31 : i32
    %dma_start3A = arith.constant 1 : i32
    %dma_start3A_33 = tpu.memref_slice %arg2[%dma_start3A, %mul3A_32] : memref<2x320000xi32, #tpu.memory_space<hbm>> -> memref<1x128xi32, #tpu.memory_space<hbm>>
    %dma_start3A_34 = tpu.memref_squeeze %dma_start3A_33 : memref<1x128xi32, #tpu.memory_space<hbm>> -> memref<128xi32, #tpu.memory_space<hbm>>
    %dma_start3A_35 = tpu.memref_slice %arg2[%dma_start3A, %mul3A_32] : memref<2x320000xi32, #tpu.memory_space<hbm>> -> memref<1x128xi32, #tpu.memory_space<hbm>>
    %dma_start3A_36 = tpu.memref_squeeze %dma_start3A_35 : memref<1x128xi32, #tpu.memory_space<hbm>> -> memref<128xi32, #tpu.memory_space<hbm>>
    tpu.enqueue_dma source(%dma_start3A_36 : memref<128xi32, #tpu.memory_space<hbm>>) target(%arg5 : memref<128xi32, #tpu.memory_space<vmem>>) target_semaphore(%arg15 : memref<!tpu.dma_semaphore, #tpu.memory_space<semaphore_mem>>)
    %add3A_37 = arith.constant 0 : i32
    %add3A_38 = arith.addi %mul3A_2, %add3A_37 : i32
    %mul3A_39 = arith.constant 128 : i32
    %mul3A_40 = arith.muli %add3A_38, %mul3A_39 : i32
    %dma_start3A_41 = arith.constant 0 : i32
    %dma_start3A_42 = tpu.memref_slice %arg2[%dma_start3A_41, %mul3A_40] : memref<2x320000xi32, #tpu.memory_space<hbm>> -> memref<1x128xi32, #tpu.memory_space<hbm>>
    %dma_start3A_43 = tpu.memref_squeeze %dma_start3A_42 : memref<1x128xi32, #tpu.memory_space<hbm>> -> memref<128xi32, #tpu.memory_space<hbm>>
    %dma_start3A_44 = tpu.memref_slice %arg2[%dma_start3A_41, %mul3A_40] : memref<2x320000xi32, #tpu.memory_space<hbm>> -> memref<1x128xi32, #tpu.memory_space<hbm>>
    %dma_start3A_45 = tpu.memref_squeeze %dma_start3A_44 : memref<1x128xi32, #tpu.memory_space<hbm>> -> memref<128xi32, #tpu.memory_space<hbm>>
    tpu.enqueue_dma source(%dma_start3A_45 : memref<128xi32, #tpu.memory_space<hbm>>) target(%arg8 : memref<128xi32, #tpu.memory_space<vmem>>) target_semaphore(%arg18 : memref<!tpu.dma_semaphore, #tpu.memory_space<semaphore_mem>>)
    %add3A_46 = arith.constant 1 : i32
    %add3A_47 = arith.addi %mul3A_2, %add3A_46 : i32
    %mul3A_48 = arith.constant 128 : i32
    %mul3A_49 = arith.muli %add3A_47, %mul3A_48 : i32
    %dma_start3A_50 = arith.constant 1 : i32
    %dma_start3A_51 = tpu.memref_slice %arg2[%dma_start3A_50, %mul3A_49] : memref<2x320000xi32, #tpu.memory_space<hbm>> -> memref<1x128xi32, #tpu.memory_space<hbm>>
    %dma_start3A_52 = tpu.memref_squeeze %dma_start3A_51 : memref<1x128xi32, #tpu.memory_space<hbm>> -> memref<128xi32, #tpu.memory_space<hbm>>
    %dma_start3A_53 = tpu.memref_slice %arg2[%dma_start3A_50, %mul3A_49] : memref<2x320000xi32, #tpu.memory_space<hbm>> -> memref<1x128xi32, #tpu.memory_space<hbm>>
    %dma_start3A_54 = tpu.memref_squeeze %dma_start3A_53 : memref<1x128xi32, #tpu.memory_space<hbm>> -> memref<128xi32, #tpu.memory_space<hbm>>
    tpu.enqueue_dma source(%dma_start3A_54 : memref<128xi32, #tpu.memory_space<hbm>>) target(%arg6 : memref<128xi32, #tpu.memory_space<vmem>>) target_semaphore(%arg16 : memref<!tpu.dma_semaphore, #tpu.memory_space<semaphore_mem>>)
    %add3A_55 = arith.constant 1 : i32
    %add3A_56 = arith.addi %mul3A_2, %add3A_55 : i32
    %mul3A_57 = arith.constant 128 : i32
    %mul3A_58 = arith.muli %add3A_56, %mul3A_57 : i32
    %dma_start3A_59 = arith.constant 0 : i32
    %dma_start3A_60 = tpu.memref_slice %arg2[%dma_start3A_59, %mul3A_58] : memref<2x320000xi32, #tpu.memory_space<hbm>> -> memref<1x128xi32, #tpu.memory_space<hbm>>
    %dma_start3A_61 = tpu.memref_squeeze %dma_start3A_60 : memref<1x128xi32, #tpu.memory_space<hbm>> -> memref<128xi32, #tpu.memory_space<hbm>>
    %dma_start3A_62 = tpu.memref_slice %arg2[%dma_start3A_59, %mul3A_58] : memref<2x320000xi32, #tpu.memory_space<hbm>> -> memref<1x128xi32, #tpu.memory_space<hbm>>
    %dma_start3A_63 = tpu.memref_squeeze %dma_start3A_62 : memref<1x128xi32, #tpu.memory_space<hbm>> -> memref<128xi32, #tpu.memory_space<hbm>>
    tpu.enqueue_dma source(%dma_start3A_63 : memref<128xi32, #tpu.memory_space<hbm>>) target(%arg9 : memref<128xi32, #tpu.memory_space<vmem>>) target_semaphore(%arg19 : memref<!tpu.dma_semaphore, #tpu.memory_space<semaphore_mem>>)
    %add3A_64 = arith.constant 0 : i32
    %add3A_65 = arith.addi %mul3A_2, %add3A_64 : i32
    %mul3A_66 = arith.constant 128 : i32
    %mul3A_67 = arith.muli %add3A_65, %mul3A_66 : i32
    %dma_wait3A = arith.constant 1 : i32
    %dma_wait3A_68 = tpu.memref_slice %arg2[%dma_wait3A, %mul3A_67] : memref<2x320000xi32, #tpu.memory_space<hbm>> -> memref<1x128xi32, #tpu.memory_space<hbm>>
    %dma_wait3A_69 = tpu.memref_squeeze %dma_wait3A_68 : memref<1x128xi32, #tpu.memory_space<hbm>> -> memref<128xi32, #tpu.memory_space<hbm>>
    %dma_wait3A_70 = tpu.memref_slice %arg2[%dma_wait3A, %mul3A_67] : memref<2x320000xi32, #tpu.memory_space<hbm>> -> memref<1x128xi32, #tpu.memory_space<hbm>>
    %dma_wait3A_71 = tpu.memref_squeeze %dma_wait3A_70 : memref<1x128xi32, #tpu.memory_space<hbm>> -> memref<128xi32, #tpu.memory_space<hbm>>
    tpu.wait_dma2 semaphore(%arg15 : memref<!tpu.dma_semaphore, #tpu.memory_space<semaphore_mem>>) src(%dma_wait3A_71 : memref<128xi32, #tpu.memory_space<hbm>>) dst(%arg5 : memref<128xi32, #tpu.memory_space<vmem>>)
    %dma_start3A_72 = arith.constant 0 : i32
    %dma_start3A_73 = arith.constant 0 : i32
    %dma_start3A_74 = tpu.memref_slice %arg3[%dma_start3A_72, %dma_start3A_73] : memref<10000x128xf32, #tpu.memory_space<hbm>> -> memref<10000x128xf32, #tpu.memory_space<hbm>>
    tpu.enqueue_indirect_dma source(%dma_start3A_74 : memref<10000x128xf32, #tpu.memory_space<hbm>>) target(%arg11 : memref<128x128xf32, #tpu.memory_space<vmem>>) offsets(%arg5 : memref<128xi32, #tpu.memory_space<vmem>>) semaphore(%arg21 : memref<!tpu.dma_semaphore, #tpu.memory_space<semaphore_mem>>)
    %add3A_75 = arith.constant 1 : i32
    %add3A_76 = arith.addi %mul3A_2, %add3A_75 : i32
    %mul3A_77 = arith.constant 128 : i32
    %mul3A_78 = arith.muli %add3A_76, %mul3A_77 : i32
    %dma_wait3A_79 = arith.constant 1 : i32
    %dma_wait3A_80 = tpu.memref_slice %arg2[%dma_wait3A_79, %mul3A_78] : memref<2x320000xi32, #tpu.memory_space<hbm>> -> memref<1x128xi32, #tpu.memory_space<hbm>>
    %dma_wait3A_81 = tpu.memref_squeeze %dma_wait3A_80 : memref<1x128xi32, #tpu.memory_space<hbm>> -> memref<128xi32, #tpu.memory_space<hbm>>
    %dma_wait3A_82 = tpu.memref_slice %arg2[%dma_wait3A_79, %mul3A_78] : memref<2x320000xi32, #tpu.memory_space<hbm>> -> memref<1x128xi32, #tpu.memory_space<hbm>>
    %dma_wait3A_83 = tpu.memref_squeeze %dma_wait3A_82 : memref<1x128xi32, #tpu.memory_space<hbm>> -> memref<128xi32, #tpu.memory_space<hbm>>
    tpu.wait_dma2 semaphore(%arg16 : memref<!tpu.dma_semaphore, #tpu.memory_space<semaphore_mem>>) src(%dma_wait3A_83 : memref<128xi32, #tpu.memory_space<hbm>>) dst(%arg6 : memref<128xi32, #tpu.memory_space<vmem>>)
    %dma_start3A_84 = arith.constant 0 : i32
    %dma_start3A_85 = arith.constant 0 : i32
    %dma_start3A_86 = tpu.memref_slice %arg3[%dma_start3A_84, %dma_start3A_85] : memref<10000x128xf32, #tpu.memory_space<hbm>> -> memref<10000x128xf32, #tpu.memory_space<hbm>>
    tpu.enqueue_indirect_dma source(%dma_start3A_86 : memref<10000x128xf32, #tpu.memory_space<hbm>>) target(%arg12 : memref<128x128xf32, #tpu.memory_space<vmem>>) offsets(%arg6 : memref<128xi32, #tpu.memory_space<vmem>>) semaphore(%arg22 : memref<!tpu.dma_semaphore, #tpu.memory_space<semaphore_mem>>)
    %add3A_87 = arith.constant 2 : i32
    %add3A_88 = arith.addi %mul3A_2, %add3A_87 : i32
    %mul3A_89 = arith.constant 128 : i32
    %mul3A_90 = arith.muli %add3A_88, %mul3A_89 : i32
    %dma_start3A_91 = arith.constant 1 : i32
    %dma_start3A_92 = tpu.memref_slice %arg2[%dma_start3A_91, %mul3A_90] : memref<2x320000xi32, #tpu.memory_space<hbm>> -> memref<1x128xi32, #tpu.memory_space<hbm>>
    %dma_start3A_93 = tpu.memref_squeeze %dma_start3A_92 : memref<1x128xi32, #tpu.memory_space<hbm>> -> memref<128xi32, #tpu.memory_space<hbm>>
    %dma_start3A_94 = tpu.memref_slice %arg2[%dma_start3A_91, %mul3A_90] : memref<2x320000xi32, #tpu.memory_space<hbm>> -> memref<1x128xi32, #tpu.memory_space<hbm>>
    %dma_start3A_95 = tpu.memref_squeeze %dma_start3A_94 : memref<1x128xi32, #tpu.memory_space<hbm>> -> memref<128xi32, #tpu.memory_space<hbm>>
    tpu.enqueue_dma source(%dma_start3A_95 : memref<128xi32, #tpu.memory_space<hbm>>) target(%arg7 : memref<128xi32, #tpu.memory_space<vmem>>) target_semaphore(%arg17 : memref<!tpu.dma_semaphore, #tpu.memory_space<semaphore_mem>>)
    %add3A_96 = arith.constant 0 : i32
    %add3A_97 = arith.addi %mul3A_2, %add3A_96 : i32
    %add3A_98 = arith.constant 2 : i32
    %add3A_99 = arith.addi %add3A_97, %add3A_98 : i32
    %mul3A_100 = arith.constant 128 : i32
    %mul3A_101 = arith.muli %add3A_99, %mul3A_100 : i32
    %dma_wait3A_102 = arith.constant 1 : i32
    %dma_wait3A_103 = tpu.memref_slice %arg2[%dma_wait3A_102, %mul3A_101] : memref<2x320000xi32, #tpu.memory_space<hbm>> -> memref<1x128xi32, #tpu.memory_space<hbm>>
    %dma_wait3A_104 = tpu.memref_squeeze %dma_wait3A_103 : memref<1x128xi32, #tpu.memory_space<hbm>> -> memref<128xi32, #tpu.memory_space<hbm>>
    %dma_wait3A_105 = tpu.memref_slice %arg2[%dma_wait3A_102, %mul3A_101] : memref<2x320000xi32, #tpu.memory_space<hbm>> -> memref<1x128xi32, #tpu.memory_space<hbm>>
    %dma_wait3A_106 = tpu.memref_squeeze %dma_wait3A_105 : memref<1x128xi32, #tpu.memory_space<hbm>> -> memref<128xi32, #tpu.memory_space<hbm>>
    tpu.wait_dma2 semaphore(%arg17 : memref<!tpu.dma_semaphore, #tpu.memory_space<semaphore_mem>>) src(%dma_wait3A_106 : memref<128xi32, #tpu.memory_space<hbm>>) dst(%arg7 : memref<128xi32, #tpu.memory_space<vmem>>)
    %add3A_107 = arith.constant 2 : i32
    %add3A_108 = arith.addi %add3A_97, %add3A_107 : i32
    %mul3A_109 = arith.constant 128 : i32
    %mul3A_110 = arith.muli %add3A_108, %mul3A_109 : i32
    %dma_start3A_111 = arith.constant 0 : i32
    %dma_start3A_112 = tpu.memref_slice %arg2[%dma_start3A_111, %mul3A_110] : memref<2x320000xi32, #tpu.memory_space<hbm>> -> memref<1x128xi32, #tpu.memory_space<hbm>>
    %dma_start3A_113 = tpu.memref_squeeze %dma_start3A_112 : memref<1x128xi32, #tpu.memory_space<hbm>> -> memref<128xi32, #tpu.memory_space<hbm>>
    %dma_start3A_114 = tpu.memref_slice %arg2[%dma_start3A_111, %mul3A_110] : memref<2x320000xi32, #tpu.memory_space<hbm>> -> memref<1x128xi32, #tpu.memory_space<hbm>>
    %dma_start3A_115 = tpu.memref_squeeze %dma_start3A_114 : memref<1x128xi32, #tpu.memory_space<hbm>> -> memref<128xi32, #tpu.memory_space<hbm>>
    tpu.enqueue_dma source(%dma_start3A_115 : memref<128xi32, #tpu.memory_space<hbm>>) target(%arg10 : memref<128xi32, #tpu.memory_space<vmem>>) target_semaphore(%arg20 : memref<!tpu.dma_semaphore, #tpu.memory_space<semaphore_mem>>)
    %dma_start3A_116 = arith.constant 0 : i32
    %dma_start3A_117 = arith.constant 0 : i32
    %dma_start3A_118 = tpu.memref_slice %arg3[%dma_start3A_116, %dma_start3A_117] : memref<10000x128xf32, #tpu.memory_space<hbm>> -> memref<10000x128xf32, #tpu.memory_space<hbm>>
    tpu.enqueue_indirect_dma source(%dma_start3A_118 : memref<10000x128xf32, #tpu.memory_space<hbm>>) target(%arg13 : memref<128x128xf32, #tpu.memory_space<vmem>>) offsets(%arg7 : memref<128xi32, #tpu.memory_space<vmem>>) semaphore(%arg23 : memref<!tpu.dma_semaphore, #tpu.memory_space<semaphore_mem>>)
    %dma_wait3A_119 = arith.constant 0 : i32
    %dma_wait3A_120 = arith.constant 0 : i32
    %dma_wait3A_121 = tpu.memref_slice %arg3[%dma_wait3A_119, %dma_wait3A_120] : memref<10000x128xf32, #tpu.memory_space<hbm>> -> memref<10000x128xf32, #tpu.memory_space<hbm>>
    tpu.wait_indirect_dma semaphore(%arg21 : memref<!tpu.dma_semaphore, #tpu.memory_space<semaphore_mem>>) src(%dma_wait3A_121 : memref<10000x128xf32, #tpu.memory_space<hbm>>) dst(%arg11 : memref<128x128xf32, #tpu.memory_space<vmem>>)
    %mul3A_122 = arith.constant 128 : i32
    %mul3A_123 = arith.muli %add3A_97, %mul3A_122 : i32
    %dma_wait3A_124 = arith.constant 0 : i32
    %dma_wait3A_125 = tpu.memref_slice %arg2[%dma_wait3A_124, %mul3A_123] : memref<2x320000xi32, #tpu.memory_space<hbm>> -> memref<1x128xi32, #tpu.memory_space<hbm>>
    %dma_wait3A_126 = tpu.memref_squeeze %dma_wait3A_125 : memref<1x128xi32, #tpu.memory_space<hbm>> -> memref<128xi32, #tpu.memory_space<hbm>>
    %dma_wait3A_127 = tpu.memref_slice %arg2[%dma_wait3A_124, %mul3A_123] : memref<2x320000xi32, #tpu.memory_space<hbm>> -> memref<1x128xi32, #tpu.memory_space<hbm>>
    %dma_wait3A_128 = tpu.memref_squeeze %dma_wait3A_127 : memref<1x128xi32, #tpu.memory_space<hbm>> -> memref<128xi32, #tpu.memory_space<hbm>>
    tpu.wait_dma2 semaphore(%arg18 : memref<!tpu.dma_semaphore, #tpu.memory_space<semaphore_mem>>) src(%dma_wait3A_128 : memref<128xi32, #tpu.memory_space<hbm>>) dst(%arg8 : memref<128xi32, #tpu.memory_space<vmem>>)
    "tpu.region"() ({
      %run_scoped3A = tpu.sem_alloc : memref<!tpu.dma_semaphore, #tpu.memory_space<semaphore_mem>>
      %dma_start3A_596 = arith.constant 0 : i32
      %dma_start3A_597 = arith.constant 0 : i32
      %dma_start3A_598 = tpu.memref_slice %arg14[%dma_start3A_596, %dma_start3A_597] : memref<10112x128xf32, #tpu.memory_space<vmem_shared>> -> memref<10112x128xf32, #tpu.memory_space<vmem_shared>>
      tpu.enqueue_indirect_dma source(%arg11 : memref<128x128xf32, #tpu.memory_space<vmem>>) target(%dma_start3A_598 : memref<10112x128xf32, #tpu.memory_space<vmem_shared>>) offsets(%arg8 : memref<128xi32, #tpu.memory_space<vmem>>) semaphore(%run_scoped3A : memref<!tpu.dma_semaphore, #tpu.memory_space<semaphore_mem>>) {add = true}
      %dma_wait3A_599 = arith.constant 0 : i32
      %dma_wait3A_600 = arith.constant 0 : i32
      %dma_wait3A_601 = tpu.memref_slice %arg14[%dma_wait3A_599, %dma_wait3A_600] : memref<10112x128xf32, #tpu.memory_space<vmem_shared>> -> memref<10112x128xf32, #tpu.memory_space<vmem_shared>>
      tpu.wait_indirect_dma semaphore(%run_scoped3A : memref<!tpu.dma_semaphore, #tpu.memory_space<semaphore_mem>>) src(%arg11 : memref<128x128xf32, #tpu.memory_space<vmem>>) dst(%dma_wait3A_601 : memref<10112x128xf32, #tpu.memory_space<vmem_shared>>)
      tpu.yield
    }) : () -> ()
    %add3A_129 = arith.constant 3 : i32
    %add3A_130 = arith.addi %add3A_97, %add3A_129 : i32
    %mul3A_131 = arith.constant 128 : i32
    %mul3A_132 = arith.muli %add3A_130, %mul3A_131 : i32
    %dma_start3A_133 = arith.constant 1 : i32
    %dma_start3A_134 = tpu.memref_slice %arg2[%dma_start3A_133, %mul3A_132] : memref<2x320000xi32, #tpu.memory_space<hbm>> -> memref<1x128xi32, #tpu.memory_space<hbm>>
    %dma_start3A_135 = tpu.memref_squeeze %dma_start3A_134 : memref<1x128xi32, #tpu.memory_space<hbm>> -> memref<128xi32, #tpu.memory_space<hbm>>
    %dma_start3A_136 = tpu.memref_slice %arg2[%dma_start3A_133, %mul3A_132] : memref<2x320000xi32, #tpu.memory_space<hbm>> -> memref<1x128xi32, #tpu.memory_space<hbm>>
    %dma_start3A_137 = tpu.memref_squeeze %dma_start3A_136 : memref<1x128xi32, #tpu.memory_space<hbm>> -> memref<128xi32, #tpu.memory_space<hbm>>
    tpu.enqueue_dma source(%dma_start3A_137 : memref<128xi32, #tpu.memory_space<hbm>>) target(%arg5 : memref<128xi32, #tpu.memory_space<vmem>>) target_semaphore(%arg15 : memref<!tpu.dma_semaphore, #tpu.memory_space<semaphore_mem>>)
    %add3A_138 = arith.constant 1 : i32
    %add3A_139 = arith.addi %mul3A_2, %add3A_138 : i32
    %add3A_140 = arith.constant 2 : i32
    %add3A_141 = arith.addi %add3A_139, %add3A_140 : i32
    %mul3A_142 = arith.constant 128 : i32
    %mul3A_143 = arith.muli %add3A_141, %mul3A_142 : i32
    %dma_wait3A_144 = arith.constant 1 : i32
    %dma_wait3A_145 = tpu.memref_slice %arg2[%dma_wait3A_144, %mul3A_143] : memref<2x320000xi32, #tpu.memory_space<hbm>> -> memref<1x128xi32, #tpu.memory_space<hbm>>
    %dma_wait3A_146 = tpu.memref_squeeze %dma_wait3A_145 : memref<1x128xi32, #tpu.memory_space<hbm>> -> memref<128xi32, #tpu.memory_space<hbm>>
    %dma_wait3A_147 = tpu.memref_slice %arg2[%dma_wait3A_144, %mul3A_143] : memref<2x320000xi32, #tpu.memory_space<hbm>> -> memref<1x128xi32, #tpu.memory_space<hbm>>
    %dma_wait3A_148 = tpu.memref_squeeze %dma_wait3A_147 : memref<1x128xi32, #tpu.memory_space<hbm>> -> memref<128xi32, #tpu.memory_space<hbm>>
    tpu.wait_dma2 semaphore(%arg15 : memref<!tpu.dma_semaphore, #tpu.memory_space<semaphore_mem>>) src(%dma_wait3A_148 : memref<128xi32, #tpu.memory_space<hbm>>) dst(%arg5 : memref<128xi32, #tpu.memory_space<vmem>>)
    %add3A_149 = arith.constant 2 : i32
    %add3A_150 = arith.addi %add3A_139, %add3A_149 : i32
    %mul3A_151 = arith.constant 128 : i32
    %mul3A_152 = arith.muli %add3A_150, %mul3A_151 : i32
    %dma_start3A_153 = arith.constant 0 : i32
    %dma_start3A_154 = tpu.memref_slice %arg2[%dma_start3A_153, %mul3A_152] : memref<2x320000xi32, #tpu.memory_space<hbm>> -> memref<1x128xi32, #tpu.memory_space<hbm>>
    %dma_start3A_155 = tpu.memref_squeeze %dma_start3A_154 : memref<1x128xi32, #tpu.memory_space<hbm>> -> memref<128xi32, #tpu.memory_space<hbm>>
    %dma_start3A_156 = tpu.memref_slice %arg2[%dma_start3A_153, %mul3A_152] : memref<2x320000xi32, #tpu.memory_space<hbm>> -> memref<1x128xi32, #tpu.memory_space<hbm>>
    %dma_start3A_157 = tpu.memref_squeeze %dma_start3A_156 : memref<1x128xi32, #tpu.memory_space<hbm>> -> memref<128xi32, #tpu.memory_space<hbm>>
    tpu.enqueue_dma source(%dma_start3A_157 : memref<128xi32, #tpu.memory_space<hbm>>) target(%arg8 : memref<128xi32, #tpu.memory_space<vmem>>) target_semaphore(%arg18 : memref<!tpu.dma_semaphore, #tpu.memory_space<semaphore_mem>>)
    %dma_start3A_158 = arith.constant 0 : i32
    %dma_start3A_159 = arith.constant 0 : i32
    %dma_start3A_160 = tpu.memref_slice %arg3[%dma_start3A_158, %dma_start3A_159] : memref<10000x128xf32, #tpu.memory_space<hbm>> -> memref<10000x128xf32, #tpu.memory_space<hbm>>
    tpu.enqueue_indirect_dma source(%dma_start3A_160 : memref<10000x128xf32, #tpu.memory_space<hbm>>) target(%arg11 : memref<128x128xf32, #tpu.memory_space<vmem>>) offsets(%arg5 : memref<128xi32, #tpu.memory_space<vmem>>) semaphore(%arg21 : memref<!tpu.dma_semaphore, #tpu.memory_space<semaphore_mem>>)
    %dma_wait3A_161 = arith.constant 0 : i32
    %dma_wait3A_162 = arith.constant 0 : i32
    %dma_wait3A_163 = tpu.memref_slice %arg3[%dma_wait3A_161, %dma_wait3A_162] : memref<10000x128xf32, #tpu.memory_space<hbm>> -> memref<10000x128xf32, #tpu.memory_space<hbm>>
    tpu.wait_indirect_dma semaphore(%arg22 : memref<!tpu.dma_semaphore, #tpu.memory_space<semaphore_mem>>) src(%dma_wait3A_163 : memref<10000x128xf32, #tpu.memory_space<hbm>>) dst(%arg12 : memref<128x128xf32, #tpu.memory_space<vmem>>)
    %mul3A_164 = arith.constant 128 : i32
    %mul3A_165 = arith.muli %add3A_139, %mul3A_164 : i32
    %dma_wait3A_166 = arith.constant 0 : i32
    %dma_wait3A_167 = tpu.memref_slice %arg2[%dma_wait3A_166, %mul3A_165] : memref<2x320000xi32, #tpu.memory_space<hbm>> -> memref<1x128xi32, #tpu.memory_space<hbm>>
    %dma_wait3A_168 = tpu.memref_squeeze %dma_wait3A_167 : memref<1x128xi32, #tpu.memory_space<hbm>> -> memref<128xi32, #tpu.memory_space<hbm>>
    %dma_wait3A_169 = tpu.memref_slice %arg2[%dma_wait3A_166, %mul3A_165] : memref<2x320000xi32, #tpu.memory_space<hbm>> -> memref<1x128xi32, #tpu.memory_space<hbm>>
    %dma_wait3A_170 = tpu.memref_squeeze %dma_wait3A_169 : memref<1x128xi32, #tpu.memory_space<hbm>> -> memref<128xi32, #tpu.memory_space<hbm>>
    tpu.wait_dma2 semaphore(%arg19 : memref<!tpu.dma_semaphore, #tpu.memory_space<semaphore_mem>>) src(%dma_wait3A_170 : memref<128xi32, #tpu.memory_space<hbm>>) dst(%arg9 : memref<128xi32, #tpu.memory_space<vmem>>)
    "tpu.region"() ({
      %run_scoped3A = tpu.sem_alloc : memref<!tpu.dma_semaphore, #tpu.memory_space<semaphore_mem>>
      %dma_start3A_596 = arith.constant 0 : i32
      %dma_start3A_597 = arith.constant 0 : i32
      %dma_start3A_598 = tpu.memref_slice %arg14[%dma_start3A_596, %dma_start3A_597] : memref<10112x128xf32, #tpu.memory_space<vmem_shared>> -> memref<10112x128xf32, #tpu.memory_space<vmem_shared>>
      tpu.enqueue_indirect_dma source(%arg12 : memref<128x128xf32, #tpu.memory_space<vmem>>) target(%dma_start3A_598 : memref<10112x128xf32, #tpu.memory_space<vmem_shared>>) offsets(%arg9 : memref<128xi32, #tpu.memory_space<vmem>>) semaphore(%run_scoped3A : memref<!tpu.dma_semaphore, #tpu.memory_space<semaphore_mem>>) {add = true}
      %dma_wait3A_599 = arith.constant 0 : i32
      %dma_wait3A_600 = arith.constant 0 : i32
      %dma_wait3A_601 = tpu.memref_slice %arg14[%dma_wait3A_599, %dma_wait3A_600] : memref<10112x128xf32, #tpu.memory_space<vmem_shared>> -> memref<10112x128xf32, #tpu.memory_space<vmem_shared>>
      tpu.wait_indirect_dma semaphore(%run_scoped3A : memref<!tpu.dma_semaphore, #tpu.memory_space<semaphore_mem>>) src(%arg12 : memref<128x128xf32, #tpu.memory_space<vmem>>) dst(%dma_wait3A_601 : memref<10112x128xf32, #tpu.memory_space<vmem_shared>>)
      tpu.yield
    }) : () -> ()
    %add3A_171 = arith.constant 3 : i32
    %add3A_172 = arith.addi %add3A_139, %add3A_171 : i32
    %mul3A_173 = arith.constant 128 : i32
    %mul3A_174 = arith.muli %add3A_172, %mul3A_173 : i32
    %dma_start3A_175 = arith.constant 1 : i32
    %dma_start3A_176 = tpu.memref_slice %arg2[%dma_start3A_175, %mul3A_174] : memref<2x320000xi32, #tpu.memory_space<hbm>> -> memref<1x128xi32, #tpu.memory_space<hbm>>
    %dma_start3A_177 = tpu.memref_squeeze %dma_start3A_176 : memref<1x128xi32, #tpu.memory_space<hbm>> -> memref<128xi32, #tpu.memory_space<hbm>>
    %dma_start3A_178 = tpu.memref_slice %arg2[%dma_start3A_175, %mul3A_174] : memref<2x320000xi32, #tpu.memory_space<hbm>> -> memref<1x128xi32, #tpu.memory_space<hbm>>
    %dma_start3A_179 = tpu.memref_squeeze %dma_start3A_178 : memref<1x128xi32, #tpu.memory_space<hbm>> -> memref<128xi32, #tpu.memory_space<hbm>>
    tpu.enqueue_dma source(%dma_start3A_179 : memref<128xi32, #tpu.memory_space<hbm>>) target(%arg6 : memref<128xi32, #tpu.memory_space<vmem>>) target_semaphore(%arg16 : memref<!tpu.dma_semaphore, #tpu.memory_space<semaphore_mem>>)
    %add3A_180 = arith.constant 2 : i32
    %add3A_181 = arith.addi %mul3A_2, %add3A_180 : i32
    %add3A_182 = arith.constant 2 : i32
    %add3A_183 = arith.addi %add3A_181, %add3A_182 : i32
    %mul3A_184 = arith.constant 128 : i32
    %mul3A_185 = arith.muli %add3A_183, %mul3A_184 : i32
    %dma_wait3A_186 = arith.constant 1 : i32
    %dma_wait3A_187 = tpu.memref_slice %arg2[%dma_wait3A_186, %mul3A_185] : memref<2x320000xi32, #tpu.memory_space<hbm>> -> memref<1x128xi32, #tpu.memory_space<hbm>>
    %dma_wait3A_188 = tpu.memref_squeeze %dma_wait3A_187 : memref<1x128xi32, #tpu.memory_space<hbm>> -> memref<128xi32, #tpu.memory_space<hbm>>
    %dma_wait3A_189 = tpu.memref_slice %arg2[%dma_wait3A_186, %mul3A_185] : memref<2x320000xi32, #tpu.memory_space<hbm>> -> memref<1x128xi32, #tpu.memory_space<hbm>>
    %dma_wait3A_190 = tpu.memref_squeeze %dma_wait3A_189 : memref<1x128xi32, #tpu.memory_space<hbm>> -> memref<128xi32, #tpu.memory_space<hbm>>
    tpu.wait_dma2 semaphore(%arg16 : memref<!tpu.dma_semaphore, #tpu.memory_space<semaphore_mem>>) src(%dma_wait3A_190 : memref<128xi32, #tpu.memory_space<hbm>>) dst(%arg6 : memref<128xi32, #tpu.memory_space<vmem>>)
    %add3A_191 = arith.constant 2 : i32
    %add3A_192 = arith.addi %add3A_181, %add3A_191 : i32
    %mul3A_193 = arith.constant 128 : i32
    %mul3A_194 = arith.muli %add3A_192, %mul3A_193 : i32
    %dma_start3A_195 = arith.constant 0 : i32
    %dma_start3A_196 = tpu.memref_slice %arg2[%dma_start3A_195, %mul3A_194] : memref<2x320000xi32, #tpu.memory_space<hbm>> -> memref<1x128xi32, #tpu.memory_space<hbm>>
    %dma_start3A_197 = tpu.memref_squeeze %dma_start3A_196 : memref<1x128xi32, #tpu.memory_space<hbm>> -> memref<128xi32, #tpu.memory_space<hbm>>
    %dma_start3A_198 = tpu.memref_slice %arg2[%dma_start3A_195, %mul3A_194] : memref<2x320000xi32, #tpu.memory_space<hbm>> -> memref<1x128xi32, #tpu.memory_space<hbm>>
    %dma_start3A_199 = tpu.memref_squeeze %dma_start3A_198 : memref<1x128xi32, #tpu.memory_space<hbm>> -> memref<128xi32, #tpu.memory_space<hbm>>
    tpu.enqueue_dma source(%dma_start3A_199 : memref<128xi32, #tpu.memory_space<hbm>>) target(%arg9 : memref<128xi32, #tpu.memory_space<vmem>>) target_semaphore(%arg19 : memref<!tpu.dma_semaphore, #tpu.memory_space<semaphore_mem>>)
    %dma_start3A_200 = arith.constant 0 : i32
    %dma_start3A_201 = arith.constant 0 : i32
    %dma_start3A_202 = tpu.memref_slice %arg3[%dma_start3A_200, %dma_start3A_201] : memref<10000x128xf32, #tpu.memory_space<hbm>> -> memref<10000x128xf32, #tpu.memory_space<hbm>>
    tpu.enqueue_indirect_dma source(%dma_start3A_202 : memref<10000x128xf32, #tpu.memory_space<hbm>>) target(%arg12 : memref<128x128xf32, #tpu.memory_space<vmem>>) offsets(%arg6 : memref<128xi32, #tpu.memory_space<vmem>>) semaphore(%arg22 : memref<!tpu.dma_semaphore, #tpu.memory_space<semaphore_mem>>)
    %dma_wait3A_203 = arith.constant 0 : i32
    %dma_wait3A_204 = arith.constant 0 : i32
    %dma_wait3A_205 = tpu.memref_slice %arg3[%dma_wait3A_203, %dma_wait3A_204] : memref<10000x128xf32, #tpu.memory_space<hbm>> -> memref<10000x128xf32, #tpu.memory_space<hbm>>
    tpu.wait_indirect_dma semaphore(%arg23 : memref<!tpu.dma_semaphore, #tpu.memory_space<semaphore_mem>>) src(%dma_wait3A_205 : memref<10000x128xf32, #tpu.memory_space<hbm>>) dst(%arg13 : memref<128x128xf32, #tpu.memory_space<vmem>>)
    %mul3A_206 = arith.constant 128 : i32
    %mul3A_207 = arith.muli %add3A_181, %mul3A_206 : i32
    %dma_wait3A_208 = arith.constant 0 : i32
    %dma_wait3A_209 = tpu.memref_slice %arg2[%dma_wait3A_208, %mul3A_207] : memref<2x320000xi32, #tpu.memory_space<hbm>> -> memref<1x128xi32, #tpu.memory_space<hbm>>
    %dma_wait3A_210 = tpu.memref_squeeze %dma_wait3A_209 : memref<1x128xi32, #tpu.memory_space<hbm>> -> memref<128xi32, #tpu.memory_space<hbm>>
    %dma_wait3A_211 = tpu.memref_slice %arg2[%dma_wait3A_208, %mul3A_207] : memref<2x320000xi32, #tpu.memory_space<hbm>> -> memref<1x128xi32, #tpu.memory_space<hbm>>
    %dma_wait3A_212 = tpu.memref_squeeze %dma_wait3A_211 : memref<1x128xi32, #tpu.memory_space<hbm>> -> memref<128xi32, #tpu.memory_space<hbm>>
    tpu.wait_dma2 semaphore(%arg20 : memref<!tpu.dma_semaphore, #tpu.memory_space<semaphore_mem>>) src(%dma_wait3A_212 : memref<128xi32, #tpu.memory_space<hbm>>) dst(%arg10 : memref<128xi32, #tpu.memory_space<vmem>>)
    "tpu.region"() ({
      %run_scoped3A = tpu.sem_alloc : memref<!tpu.dma_semaphore, #tpu.memory_space<semaphore_mem>>
      %dma_start3A_596 = arith.constant 0 : i32
      %dma_start3A_597 = arith.constant 0 : i32
      %dma_start3A_598 = tpu.memref_slice %arg14[%dma_start3A_596, %dma_start3A_597] : memref<10112x128xf32, #tpu.memory_space<vmem_shared>> -> memref<10112x128xf32, #tpu.memory_space<vmem_shared>>
      tpu.enqueue_indirect_dma source(%arg13 : memref<128x128xf32, #tpu.memory_space<vmem>>) target(%dma_start3A_598 : memref<10112x128xf32, #tpu.memory_space<vmem_shared>>) offsets(%arg10 : memref<128xi32, #tpu.memory_space<vmem>>) semaphore(%run_scoped3A : memref<!tpu.dma_semaphore, #tpu.memory_space<semaphore_mem>>) {add = true}
      %dma_wait3A_599 = arith.constant 0 : i32
      %dma_wait3A_600 = arith.constant 0 : i32
      %dma_wait3A_601 = tpu.memref_slice %arg14[%dma_wait3A_599, %dma_wait3A_600] : memref<10112x128xf32, #tpu.memory_space<vmem_shared>> -> memref<10112x128xf32, #tpu.memory_space<vmem_shared>>
      tpu.wait_indirect_dma semaphore(%run_scoped3A : memref<!tpu.dma_semaphore, #tpu.memory_space<semaphore_mem>>) src(%arg13 : memref<128x128xf32, #tpu.memory_space<vmem>>) dst(%dma_wait3A_601 : memref<10112x128xf32, #tpu.memory_space<vmem_shared>>)
      tpu.yield
    }) : () -> ()
    %add3A_213 = arith.constant 3 : i32
    %add3A_214 = arith.addi %add3A_181, %add3A_213 : i32
    %mul3A_215 = arith.constant 128 : i32
    %mul3A_216 = arith.muli %add3A_214, %mul3A_215 : i32
    %dma_start3A_217 = arith.constant 1 : i32
    %dma_start3A_218 = tpu.memref_slice %arg2[%dma_start3A_217, %mul3A_216] : memref<2x320000xi32, #tpu.memory_space<hbm>> -> memref<1x128xi32, #tpu.memory_space<hbm>>
    %dma_start3A_219 = tpu.memref_squeeze %dma_start3A_218 : memref<1x128xi32, #tpu.memory_space<hbm>> -> memref<128xi32, #tpu.memory_space<hbm>>
    %dma_start3A_220 = tpu.memref_slice %arg2[%dma_start3A_217, %mul3A_216] : memref<2x320000xi32, #tpu.memory_space<hbm>> -> memref<1x128xi32, #tpu.memory_space<hbm>>
    %dma_start3A_221 = tpu.memref_squeeze %dma_start3A_220 : memref<1x128xi32, #tpu.memory_space<hbm>> -> memref<128xi32, #tpu.memory_space<hbm>>
    tpu.enqueue_dma source(%dma_start3A_221 : memref<128xi32, #tpu.memory_space<hbm>>) target(%arg7 : memref<128xi32, #tpu.memory_space<vmem>>) target_semaphore(%arg17 : memref<!tpu.dma_semaphore, #tpu.memory_space<semaphore_mem>>)
    %add3A_222 = arith.constant 3 : i32
    %add3A_223 = arith.addi %mul3A_2, %add3A_222 : i32
    %add3A_224 = arith.constant 0 : i32
    %add3A_225 = arith.addi %add3A_223, %add3A_224 : i32
    %add3A_226 = arith.constant 2 : i32
    %add3A_227 = arith.addi %add3A_225, %add3A_226 : i32
    %mul3A_228 = arith.constant 128 : i32
    %mul3A_229 = arith.muli %add3A_227, %mul3A_228 : i32
    %dma_wait3A_230 = arith.constant 1 : i32
    %dma_wait3A_231 = tpu.memref_slice %arg2[%dma_wait3A_230, %mul3A_229] : memref<2x320000xi32, #tpu.memory_space<hbm>> -> memref<1x128xi32, #tpu.memory_space<hbm>>
    %dma_wait3A_232 = tpu.memref_squeeze %dma_wait3A_231 : memref<1x128xi32, #tpu.memory_space<hbm>> -> memref<128xi32, #tpu.memory_space<hbm>>
    %dma_wait3A_233 = tpu.memref_slice %arg2[%dma_wait3A_230, %mul3A_229] : memref<2x320000xi32, #tpu.memory_space<hbm>> -> memref<1x128xi32, #tpu.memory_space<hbm>>
    %dma_wait3A_234 = tpu.memref_squeeze %dma_wait3A_233 : memref<1x128xi32, #tpu.memory_space<hbm>> -> memref<128xi32, #tpu.memory_space<hbm>>
    tpu.wait_dma2 semaphore(%arg17 : memref<!tpu.dma_semaphore, #tpu.memory_space<semaphore_mem>>) src(%dma_wait3A_234 : memref<128xi32, #tpu.memory_space<hbm>>) dst(%arg7 : memref<128xi32, #tpu.memory_space<vmem>>)
    %add3A_235 = arith.constant 2 : i32
    %add3A_236 = arith.addi %add3A_225, %add3A_235 : i32
    %mul3A_237 = arith.constant 128 : i32
    %mul3A_238 = arith.muli %add3A_236, %mul3A_237 : i32
    %dma_start3A_239 = arith.constant 0 : i32
    %dma_start3A_240 = tpu.memref_slice %arg2[%dma_start3A_239, %mul3A_238] : memref<2x320000xi32, #tpu.memory_space<hbm>> -> memref<1x128xi32, #tpu.memory_space<hbm>>
    %dma_start3A_241 = tpu.memref_squeeze %dma_start3A_240 : memref<1x128xi32, #tpu.memory_space<hbm>> -> memref<128xi32, #tpu.memory_space<hbm>>
    %dma_start3A_242 = tpu.memref_slice %arg2[%dma_start3A_239, %mul3A_238] : memref<2x320000xi32, #tpu.memory_space<hbm>> -> memref<1x128xi32, #tpu.memory_space<hbm>>
    %dma_start3A_243 = tpu.memref_squeeze %dma_start3A_242 : memref<1x128xi32, #tpu.memory_space<hbm>> -> memref<128xi32, #tpu.memory_space<hbm>>
    tpu.enqueue_dma source(%dma_start3A_243 : memref<128xi32, #tpu.memory_space<hbm>>) target(%arg10 : memref<128xi32, #tpu.memory_space<vmem>>) target_semaphore(%arg20 : memref<!tpu.dma_semaphore, #tpu.memory_space<semaphore_mem>>)
    %dma_start3A_244 = arith.constant 0 : i32
    %dma_start3A_245 = arith.constant 0 : i32
    %dma_start3A_246 = tpu.memref_slice %arg3[%dma_start3A_244, %dma_start3A_245] : memref<10000x128xf32, #tpu.memory_space<hbm>> -> memref<10000x128xf32, #tpu.memory_space<hbm>>
    tpu.enqueue_indirect_dma source(%dma_start3A_246 : memref<10000x128xf32, #tpu.memory_space<hbm>>) target(%arg13 : memref<128x128xf32, #tpu.memory_space<vmem>>) offsets(%arg7 : memref<128xi32, #tpu.memory_space<vmem>>) semaphore(%arg23 : memref<!tpu.dma_semaphore, #tpu.memory_space<semaphore_mem>>)
    %dma_wait3A_247 = arith.constant 0 : i32
    %dma_wait3A_248 = arith.constant 0 : i32
    %dma_wait3A_249 = tpu.memref_slice %arg3[%dma_wait3A_247, %dma_wait3A_248] : memref<10000x128xf32, #tpu.memory_space<hbm>> -> memref<10000x128xf32, #tpu.memory_space<hbm>>
    tpu.wait_indirect_dma semaphore(%arg21 : memref<!tpu.dma_semaphore, #tpu.memory_space<semaphore_mem>>) src(%dma_wait3A_249 : memref<10000x128xf32, #tpu.memory_space<hbm>>) dst(%arg11 : memref<128x128xf32, #tpu.memory_space<vmem>>)
    %mul3A_250 = arith.constant 128 : i32
    %mul3A_251 = arith.muli %add3A_225, %mul3A_250 : i32
    %dma_wait3A_252 = arith.constant 0 : i32
    %dma_wait3A_253 = tpu.memref_slice %arg2[%dma_wait3A_252, %mul3A_251] : memref<2x320000xi32, #tpu.memory_space<hbm>> -> memref<1x128xi32, #tpu.memory_space<hbm>>
    %dma_wait3A_254 = tpu.memref_squeeze %dma_wait3A_253 : memref<1x128xi32, #tpu.memory_space<hbm>> -> memref<128xi32, #tpu.memory_space<hbm>>
    %dma_wait3A_255 = tpu.memref_slice %arg2[%dma_wait3A_252, %mul3A_251] : memref<2x320000xi32, #tpu.memory_space<hbm>> -> memref<1x128xi32, #tpu.memory_space<hbm>>
    %dma_wait3A_256 = tpu.memref_squeeze %dma_wait3A_255 : memref<1x128xi32, #tpu.memory_space<hbm>> -> memref<128xi32, #tpu.memory_space<hbm>>
    tpu.wait_dma2 semaphore(%arg18 : memref<!tpu.dma_semaphore, #tpu.memory_space<semaphore_mem>>) src(%dma_wait3A_256 : memref<128xi32, #tpu.memory_space<hbm>>) dst(%arg8 : memref<128xi32, #tpu.memory_space<vmem>>)
    %dma_start3A_257 = arith.constant 0 : i32
    %dma_start3A_258 = arith.constant 0 : i32
    %dma_start3A_259 = tpu.memref_slice %arg14[%dma_start3A_257, %dma_start3A_258] : memref<10112x128xf32, #tpu.memory_space<vmem_shared>> -> memref<10112x128xf32, #tpu.memory_space<vmem_shared>>
    tpu.enqueue_indirect_dma source(%arg11 : memref<128x128xf32, #tpu.memory_space<vmem>>) target(%dma_start3A_259 : memref<10112x128xf32, #tpu.memory_space<vmem_shared>>) offsets(%arg8 : memref<128xi32, #tpu.memory_space<vmem>>) semaphore(%arg24 : memref<!tpu.dma_semaphore, #tpu.memory_space<semaphore_mem>>) {add = true}
    %add3A_260 = arith.constant 3 : i32
    %add3A_261 = arith.addi %add3A_225, %add3A_260 : i32
    %mul3A_262 = arith.constant 128 : i32
    %mul3A_263 = arith.muli %add3A_261, %mul3A_262 : i32
    %dma_start3A_264 = arith.constant 1 : i32
    %dma_start3A_265 = tpu.memref_slice %arg2[%dma_start3A_264, %mul3A_263] : memref<2x320000xi32, #tpu.memory_space<hbm>> -> memref<1x128xi32, #tpu.memory_space<hbm>>
    %dma_start3A_266 = tpu.memref_squeeze %dma_start3A_265 : memref<1x128xi32, #tpu.memory_space<hbm>> -> memref<128xi32, #tpu.memory_space<hbm>>
    %dma_start3A_267 = tpu.memref_slice %arg2[%dma_start3A_264, %mul3A_263] : memref<2x320000xi32, #tpu.memory_space<hbm>> -> memref<1x128xi32, #tpu.memory_space<hbm>>
    %dma_start3A_268 = tpu.memref_squeeze %dma_start3A_267 : memref<1x128xi32, #tpu.memory_space<hbm>> -> memref<128xi32, #tpu.memory_space<hbm>>
    tpu.enqueue_dma source(%dma_start3A_268 : memref<128xi32, #tpu.memory_space<hbm>>) target(%arg5 : memref<128xi32, #tpu.memory_space<vmem>>) target_semaphore(%arg15 : memref<!tpu.dma_semaphore, #tpu.memory_space<semaphore_mem>>)
    %add3A_269 = arith.constant 3 : i32
    %add3A_270 = arith.addi %mul3A_2, %add3A_269 : i32
    %add3A_271 = arith.constant 1 : i32
    %add3A_272 = arith.addi %add3A_270, %add3A_271 : i32
    %add3A_273 = arith.constant 2 : i32
    %add3A_274 = arith.addi %add3A_272, %add3A_273 : i32
    %mul3A_275 = arith.constant 128 : i32
    %mul3A_276 = arith.muli %add3A_274, %mul3A_275 : i32
    %dma_wait3A_277 = arith.constant 1 : i32
    %dma_wait3A_278 = tpu.memref_slice %arg2[%dma_wait3A_277, %mul3A_276] : memref<2x320000xi32, #tpu.memory_space<hbm>> -> memref<1x128xi32, #tpu.memory_space<hbm>>
    %dma_wait3A_279 = tpu.memref_squeeze %dma_wait3A_278 : memref<1x128xi32, #tpu.memory_space<hbm>> -> memref<128xi32, #tpu.memory_space<hbm>>
    %dma_wait3A_280 = tpu.memref_slice %arg2[%dma_wait3A_277, %mul3A_276] : memref<2x320000xi32, #tpu.memory_space<hbm>> -> memref<1x128xi32, #tpu.memory_space<hbm>>
    %dma_wait3A_281 = tpu.memref_squeeze %dma_wait3A_280 : memref<1x128xi32, #tpu.memory_space<hbm>> -> memref<128xi32, #tpu.memory_space<hbm>>
    tpu.wait_dma2 semaphore(%arg15 : memref<!tpu.dma_semaphore, #tpu.memory_space<semaphore_mem>>) src(%dma_wait3A_281 : memref<128xi32, #tpu.memory_space<hbm>>) dst(%arg5 : memref<128xi32, #tpu.memory_space<vmem>>)
    %dma_wait3A_282 = arith.constant 0 : i32
    %dma_wait3A_283 = arith.constant 0 : i32
    %dma_wait3A_284 = tpu.memref_slice %arg14[%dma_wait3A_282, %dma_wait3A_283] : memref<10112x128xf32, #tpu.memory_space<vmem_shared>> -> memref<10112x128xf32, #tpu.memory_space<vmem_shared>>
    tpu.wait_indirect_dma semaphore(%arg24 : memref<!tpu.dma_semaphore, #tpu.memory_space<semaphore_mem>>) src(%arg11 : memref<128x128xf32, #tpu.memory_space<vmem>>) dst(%dma_wait3A_284 : memref<10112x128xf32, #tpu.memory_space<vmem_shared>>)
    %add3A_285 = arith.constant 2 : i32
    %add3A_286 = arith.addi %add3A_272, %add3A_285 : i32
    %mul3A_287 = arith.constant 128 : i32
    %mul3A_288 = arith.muli %add3A_286, %mul3A_287 : i32
    %dma_start3A_289 = arith.constant 0 : i32
    %dma_start3A_290 = tpu.memref_slice %arg2[%dma_start3A_289, %mul3A_288] : memref<2x320000xi32, #tpu.memory_space<hbm>> -> memref<1x128xi32, #tpu.memory_space<hbm>>
    %dma_start3A_291 = tpu.memref_squeeze %dma_start3A_290 : memref<1x128xi32, #tpu.memory_space<hbm>> -> memref<128xi32, #tpu.memory_space<hbm>>
    %dma_start3A_292 = tpu.memref_slice %arg2[%dma_start3A_289, %mul3A_288] : memref<2x320000xi32, #tpu.memory_space<hbm>> -> memref<1x128xi32, #tpu.memory_space<hbm>>
    %dma_start3A_293 = tpu.memref_squeeze %dma_start3A_292 : memref<1x128xi32, #tpu.memory_space<hbm>> -> memref<128xi32, #tpu.memory_space<hbm>>
    tpu.enqueue_dma source(%dma_start3A_293 : memref<128xi32, #tpu.memory_space<hbm>>) target(%arg8 : memref<128xi32, #tpu.memory_space<vmem>>) target_semaphore(%arg18 : memref<!tpu.dma_semaphore, #tpu.memory_space<semaphore_mem>>)
    %dma_start3A_294 = arith.constant 0 : i32
    %dma_start3A_295 = arith.constant 0 : i32
    %dma_start3A_296 = tpu.memref_slice %arg3[%dma_start3A_294, %dma_start3A_295] : memref<10000x128xf32, #tpu.memory_space<hbm>> -> memref<10000x128xf32, #tpu.memory_space<hbm>>
    tpu.enqueue_indirect_dma source(%dma_start3A_296 : memref<10000x128xf32, #tpu.memory_space<hbm>>) target(%arg11 : memref<128x128xf32, #tpu.memory_space<vmem>>) offsets(%arg5 : memref<128xi32, #tpu.memory_space<vmem>>) semaphore(%arg21 : memref<!tpu.dma_semaphore, #tpu.memory_space<semaphore_mem>>)
    %dma_wait3A_297 = arith.constant 0 : i32
    %dma_wait3A_298 = arith.constant 0 : i32
    %dma_wait3A_299 = tpu.memref_slice %arg3[%dma_wait3A_297, %dma_wait3A_298] : memref<10000x128xf32, #tpu.memory_space<hbm>> -> memref<10000x128xf32, #tpu.memory_space<hbm>>
    tpu.wait_indirect_dma semaphore(%arg22 : memref<!tpu.dma_semaphore, #tpu.memory_space<semaphore_mem>>) src(%dma_wait3A_299 : memref<10000x128xf32, #tpu.memory_space<hbm>>) dst(%arg12 : memref<128x128xf32, #tpu.memory_space<vmem>>)
    %mul3A_300 = arith.constant 128 : i32
    %mul3A_301 = arith.muli %add3A_272, %mul3A_300 : i32
    %dma_wait3A_302 = arith.constant 0 : i32
    %dma_wait3A_303 = tpu.memref_slice %arg2[%dma_wait3A_302, %mul3A_301] : memref<2x320000xi32, #tpu.memory_space<hbm>> -> memref<1x128xi32, #tpu.memory_space<hbm>>
    %dma_wait3A_304 = tpu.memref_squeeze %dma_wait3A_303 : memref<1x128xi32, #tpu.memory_space<hbm>> -> memref<128xi32, #tpu.memory_space<hbm>>
    %dma_wait3A_305 = tpu.memref_slice %arg2[%dma_wait3A_302, %mul3A_301] : memref<2x320000xi32, #tpu.memory_space<hbm>> -> memref<1x128xi32, #tpu.memory_space<hbm>>
    %dma_wait3A_306 = tpu.memref_squeeze %dma_wait3A_305 : memref<1x128xi32, #tpu.memory_space<hbm>> -> memref<128xi32, #tpu.memory_space<hbm>>
    tpu.wait_dma2 semaphore(%arg19 : memref<!tpu.dma_semaphore, #tpu.memory_space<semaphore_mem>>) src(%dma_wait3A_306 : memref<128xi32, #tpu.memory_space<hbm>>) dst(%arg9 : memref<128xi32, #tpu.memory_space<vmem>>)
    %dma_start3A_307 = arith.constant 0 : i32
    %dma_start3A_308 = arith.constant 0 : i32
    %dma_start3A_309 = tpu.memref_slice %arg14[%dma_start3A_307, %dma_start3A_308] : memref<10112x128xf32, #tpu.memory_space<vmem_shared>> -> memref<10112x128xf32, #tpu.memory_space<vmem_shared>>
    tpu.enqueue_indirect_dma source(%arg12 : memref<128x128xf32, #tpu.memory_space<vmem>>) target(%dma_start3A_309 : memref<10112x128xf32, #tpu.memory_space<vmem_shared>>) offsets(%arg9 : memref<128xi32, #tpu.memory_space<vmem>>) semaphore(%arg25 : memref<!tpu.dma_semaphore, #tpu.memory_space<semaphore_mem>>) {add = true}
    %add3A_310 = arith.constant 3 : i32
    %add3A_311 = arith.addi %add3A_272, %add3A_310 : i32
    %mul3A_312 = arith.constant 128 : i32
    %mul3A_313 = arith.muli %add3A_311, %mul3A_312 : i32
    %dma_start3A_314 = arith.constant 1 : i32
    %dma_start3A_315 = tpu.memref_slice %arg2[%dma_start3A_314, %mul3A_313] : memref<2x320000xi32, #tpu.memory_space<hbm>> -> memref<1x128xi32, #tpu.memory_space<hbm>>
    %dma_start3A_316 = tpu.memref_squeeze %dma_start3A_315 : memref<1x128xi32, #tpu.memory_space<hbm>> -> memref<128xi32, #tpu.memory_space<hbm>>
    %dma_start3A_317 = tpu.memref_slice %arg2[%dma_start3A_314, %mul3A_313] : memref<2x320000xi32, #tpu.memory_space<hbm>> -> memref<1x128xi32, #tpu.memory_space<hbm>>
    %dma_start3A_318 = tpu.memref_squeeze %dma_start3A_317 : memref<1x128xi32, #tpu.memory_space<hbm>> -> memref<128xi32, #tpu.memory_space<hbm>>
    tpu.enqueue_dma source(%dma_start3A_318 : memref<128xi32, #tpu.memory_space<hbm>>) target(%arg6 : memref<128xi32, #tpu.memory_space<vmem>>) target_semaphore(%arg16 : memref<!tpu.dma_semaphore, #tpu.memory_space<semaphore_mem>>)
    %add3A_319 = arith.constant 3 : i32
    %add3A_320 = arith.addi %mul3A_2, %add3A_319 : i32
    %add3A_321 = arith.constant 2 : i32
    %add3A_322 = arith.addi %add3A_320, %add3A_321 : i32
    %add3A_323 = arith.constant 2 : i32
    %add3A_324 = arith.addi %add3A_322, %add3A_323 : i32
    %mul3A_325 = arith.constant 128 : i32
    %mul3A_326 = arith.muli %add3A_324, %mul3A_325 : i32
    %dma_wait3A_327 = arith.constant 1 : i32
    %dma_wait3A_328 = tpu.memref_slice %arg2[%dma_wait3A_327, %mul3A_326] : memref<2x320000xi32, #tpu.memory_space<hbm>> -> memref<1x128xi32, #tpu.memory_space<hbm>>
    %dma_wait3A_329 = tpu.memref_squeeze %dma_wait3A_328 : memref<1x128xi32, #tpu.memory_space<hbm>> -> memref<128xi32, #tpu.memory_space<hbm>>
    %dma_wait3A_330 = tpu.memref_slice %arg2[%dma_wait3A_327, %mul3A_326] : memref<2x320000xi32, #tpu.memory_space<hbm>> -> memref<1x128xi32, #tpu.memory_space<hbm>>
    %dma_wait3A_331 = tpu.memref_squeeze %dma_wait3A_330 : memref<1x128xi32, #tpu.memory_space<hbm>> -> memref<128xi32, #tpu.memory_space<hbm>>
    tpu.wait_dma2 semaphore(%arg16 : memref<!tpu.dma_semaphore, #tpu.memory_space<semaphore_mem>>) src(%dma_wait3A_331 : memref<128xi32, #tpu.memory_space<hbm>>) dst(%arg6 : memref<128xi32, #tpu.memory_space<vmem>>)
    %dma_wait3A_332 = arith.constant 0 : i32
    %dma_wait3A_333 = arith.constant 0 : i32
    %dma_wait3A_334 = tpu.memref_slice %arg14[%dma_wait3A_332, %dma_wait3A_333] : memref<10112x128xf32, #tpu.memory_space<vmem_shared>> -> memref<10112x128xf32, #tpu.memory_space<vmem_shared>>
    tpu.wait_indirect_dma semaphore(%arg25 : memref<!tpu.dma_semaphore, #tpu.memory_space<semaphore_mem>>) src(%arg12 : memref<128x128xf32, #tpu.memory_space<vmem>>) dst(%dma_wait3A_334 : memref<10112x128xf32, #tpu.memory_space<vmem_shared>>)
    %add3A_335 = arith.constant 2 : i32
    %add3A_336 = arith.addi %add3A_322, %add3A_335 : i32
    %mul3A_337 = arith.constant 128 : i32
    %mul3A_338 = arith.muli %add3A_336, %mul3A_337 : i32
    %dma_start3A_339 = arith.constant 0 : i32
    %dma_start3A_340 = tpu.memref_slice %arg2[%dma_start3A_339, %mul3A_338] : memref<2x320000xi32, #tpu.memory_space<hbm>> -> memref<1x128xi32, #tpu.memory_space<hbm>>
    %dma_start3A_341 = tpu.memref_squeeze %dma_start3A_340 : memref<1x128xi32, #tpu.memory_space<hbm>> -> memref<128xi32, #tpu.memory_space<hbm>>
    %dma_start3A_342 = tpu.memref_slice %arg2[%dma_start3A_339, %mul3A_338] : memref<2x320000xi32, #tpu.memory_space<hbm>> -> memref<1x128xi32, #tpu.memory_space<hbm>>
    %dma_start3A_343 = tpu.memref_squeeze %dma_start3A_342 : memref<1x128xi32, #tpu.memory_space<hbm>> -> memref<128xi32, #tpu.memory_space<hbm>>
    tpu.enqueue_dma source(%dma_start3A_343 : memref<128xi32, #tpu.memory_space<hbm>>) target(%arg9 : memref<128xi32, #tpu.memory_space<vmem>>) target_semaphore(%arg19 : memref<!tpu.dma_semaphore, #tpu.memory_space<semaphore_mem>>)
    %dma_start3A_344 = arith.constant 0 : i32
    %dma_start3A_345 = arith.constant 0 : i32
    %dma_start3A_346 = tpu.memref_slice %arg3[%dma_start3A_344, %dma_start3A_345] : memref<10000x128xf32, #tpu.memory_space<hbm>> -> memref<10000x128xf32, #tpu.memory_space<hbm>>
    tpu.enqueue_indirect_dma source(%dma_start3A_346 : memref<10000x128xf32, #tpu.memory_space<hbm>>) target(%arg12 : memref<128x128xf32, #tpu.memory_space<vmem>>) offsets(%arg6 : memref<128xi32, #tpu.memory_space<vmem>>) semaphore(%arg22 : memref<!tpu.dma_semaphore, #tpu.memory_space<semaphore_mem>>)
    %dma_wait3A_347 = arith.constant 0 : i32
    %dma_wait3A_348 = arith.constant 0 : i32
    %dma_wait3A_349 = tpu.memref_slice %arg3[%dma_wait3A_347, %dma_wait3A_348] : memref<10000x128xf32, #tpu.memory_space<hbm>> -> memref<10000x128xf32, #tpu.memory_space<hbm>>
    tpu.wait_indirect_dma semaphore(%arg23 : memref<!tpu.dma_semaphore, #tpu.memory_space<semaphore_mem>>) src(%dma_wait3A_349 : memref<10000x128xf32, #tpu.memory_space<hbm>>) dst(%arg13 : memref<128x128xf32, #tpu.memory_space<vmem>>)
    %mul3A_350 = arith.constant 128 : i32
    %mul3A_351 = arith.muli %add3A_322, %mul3A_350 : i32
    %dma_wait3A_352 = arith.constant 0 : i32
    %dma_wait3A_353 = tpu.memref_slice %arg2[%dma_wait3A_352, %mul3A_351] : memref<2x320000xi32, #tpu.memory_space<hbm>> -> memref<1x128xi32, #tpu.memory_space<hbm>>
    %dma_wait3A_354 = tpu.memref_squeeze %dma_wait3A_353 : memref<1x128xi32, #tpu.memory_space<hbm>> -> memref<128xi32, #tpu.memory_space<hbm>>
    %dma_wait3A_355 = tpu.memref_slice %arg2[%dma_wait3A_352, %mul3A_351] : memref<2x320000xi32, #tpu.memory_space<hbm>> -> memref<1x128xi32, #tpu.memory_space<hbm>>
    %dma_wait3A_356 = tpu.memref_squeeze %dma_wait3A_355 : memref<1x128xi32, #tpu.memory_space<hbm>> -> memref<128xi32, #tpu.memory_space<hbm>>
    tpu.wait_dma2 semaphore(%arg20 : memref<!tpu.dma_semaphore, #tpu.memory_space<semaphore_mem>>) src(%dma_wait3A_356 : memref<128xi32, #tpu.memory_space<hbm>>) dst(%arg10 : memref<128xi32, #tpu.memory_space<vmem>>)
    %dma_start3A_357 = arith.constant 0 : i32
    %dma_start3A_358 = arith.constant 0 : i32
    %dma_start3A_359 = tpu.memref_slice %arg14[%dma_start3A_357, %dma_start3A_358] : memref<10112x128xf32, #tpu.memory_space<vmem_shared>> -> memref<10112x128xf32, #tpu.memory_space<vmem_shared>>
    tpu.enqueue_indirect_dma source(%arg13 : memref<128x128xf32, #tpu.memory_space<vmem>>) target(%dma_start3A_359 : memref<10112x128xf32, #tpu.memory_space<vmem_shared>>) offsets(%arg10 : memref<128xi32, #tpu.memory_space<vmem>>) semaphore(%arg26 : memref<!tpu.dma_semaphore, #tpu.memory_space<semaphore_mem>>) {add = true}
    %add3A_360 = arith.constant 3 : i32
    %add3A_361 = arith.addi %add3A_322, %add3A_360 : i32
    %mul3A_362 = arith.constant 128 : i32
    %mul3A_363 = arith.muli %add3A_361, %mul3A_362 : i32
    %dma_start3A_364 = arith.constant 1 : i32
    %dma_start3A_365 = tpu.memref_slice %arg2[%dma_start3A_364, %mul3A_363] : memref<2x320000xi32, #tpu.memory_space<hbm>> -> memref<1x128xi32, #tpu.memory_space<hbm>>
    %dma_start3A_366 = tpu.memref_squeeze %dma_start3A_365 : memref<1x128xi32, #tpu.memory_space<hbm>> -> memref<128xi32, #tpu.memory_space<hbm>>
    %dma_start3A_367 = tpu.memref_slice %arg2[%dma_start3A_364, %mul3A_363] : memref<2x320000xi32, #tpu.memory_space<hbm>> -> memref<1x128xi32, #tpu.memory_space<hbm>>
    %dma_start3A_368 = tpu.memref_squeeze %dma_start3A_367 : memref<1x128xi32, #tpu.memory_space<hbm>> -> memref<128xi32, #tpu.memory_space<hbm>>
    tpu.enqueue_dma source(%dma_start3A_368 : memref<128xi32, #tpu.memory_space<hbm>>) target(%arg7 : memref<128xi32, #tpu.memory_space<vmem>>) target_semaphore(%arg17 : memref<!tpu.dma_semaphore, #tpu.memory_space<semaphore_mem>>)
    %add3A_369 = arith.constant 3 : i32
    %add3A_370 = arith.addi %mul3A_2, %add3A_369 : i32
    %add3A_371 = arith.constant 3 : i32
    %add3A_372 = arith.addi %add3A_370, %add3A_371 : i32
    %add3A_373 = arith.constant 2 : i32
    %add3A_374 = arith.addi %add3A_372, %add3A_373 : i32
    %mul3A_375 = arith.constant 128 : i32
    %mul3A_376 = arith.muli %add3A_374, %mul3A_375 : i32
    %dma_wait3A_377 = arith.constant 1 : i32
    %dma_wait3A_378 = tpu.memref_slice %arg2[%dma_wait3A_377, %mul3A_376] : memref<2x320000xi32, #tpu.memory_space<hbm>> -> memref<1x128xi32, #tpu.memory_space<hbm>>
    %dma_wait3A_379 = tpu.memref_squeeze %dma_wait3A_378 : memref<1x128xi32, #tpu.memory_space<hbm>> -> memref<128xi32, #tpu.memory_space<hbm>>
    %dma_wait3A_380 = tpu.memref_slice %arg2[%dma_wait3A_377, %mul3A_376] : memref<2x320000xi32, #tpu.memory_space<hbm>> -> memref<1x128xi32, #tpu.memory_space<hbm>>
    %dma_wait3A_381 = tpu.memref_squeeze %dma_wait3A_380 : memref<1x128xi32, #tpu.memory_space<hbm>> -> memref<128xi32, #tpu.memory_space<hbm>>
    tpu.wait_dma2 semaphore(%arg17 : memref<!tpu.dma_semaphore, #tpu.memory_space<semaphore_mem>>) src(%dma_wait3A_381 : memref<128xi32, #tpu.memory_space<hbm>>) dst(%arg7 : memref<128xi32, #tpu.memory_space<vmem>>)
    %dma_wait3A_382 = arith.constant 0 : i32
    %dma_wait3A_383 = arith.constant 0 : i32
    %dma_wait3A_384 = tpu.memref_slice %arg14[%dma_wait3A_382, %dma_wait3A_383] : memref<10112x128xf32, #tpu.memory_space<vmem_shared>> -> memref<10112x128xf32, #tpu.memory_space<vmem_shared>>
    tpu.wait_indirect_dma semaphore(%arg26 : memref<!tpu.dma_semaphore, #tpu.memory_space<semaphore_mem>>) src(%arg13 : memref<128x128xf32, #tpu.memory_space<vmem>>) dst(%dma_wait3A_384 : memref<10112x128xf32, #tpu.memory_space<vmem_shared>>)
    %add3A_385 = arith.constant 2 : i32
    %add3A_386 = arith.addi %add3A_372, %add3A_385 : i32
    %mul3A_387 = arith.constant 128 : i32
    %mul3A_388 = arith.muli %add3A_386, %mul3A_387 : i32
    %dma_start3A_389 = arith.constant 0 : i32
    %dma_start3A_390 = tpu.memref_slice %arg2[%dma_start3A_389, %mul3A_388] : memref<2x320000xi32, #tpu.memory_space<hbm>> -> memref<1x128xi32, #tpu.memory_space<hbm>>
    %dma_start3A_391 = tpu.memref_squeeze %dma_start3A_390 : memref<1x128xi32, #tpu.memory_space<hbm>> -> memref<128xi32, #tpu.memory_space<hbm>>
    %dma_start3A_392 = tpu.memref_slice %arg2[%dma_start3A_389, %mul3A_388] : memref<2x320000xi32, #tpu.memory_space<hbm>> -> memref<1x128xi32, #tpu.memory_space<hbm>>
    %dma_start3A_393 = tpu.memref_squeeze %dma_start3A_392 : memref<1x128xi32, #tpu.memory_space<hbm>> -> memref<128xi32, #tpu.memory_space<hbm>>
    tpu.enqueue_dma source(%dma_start3A_393 : memref<128xi32, #tpu.memory_space<hbm>>) target(%arg10 : memref<128xi32, #tpu.memory_space<vmem>>) target_semaphore(%arg20 : memref<!tpu.dma_semaphore, #tpu.memory_space<semaphore_mem>>)
    %dma_start3A_394 = arith.constant 0 : i32
    %dma_start3A_395 = arith.constant 0 : i32
    %dma_start3A_396 = tpu.memref_slice %arg3[%dma_start3A_394, %dma_start3A_395] : memref<10000x128xf32, #tpu.memory_space<hbm>> -> memref<10000x128xf32, #tpu.memory_space<hbm>>
    tpu.enqueue_indirect_dma source(%dma_start3A_396 : memref<10000x128xf32, #tpu.memory_space<hbm>>) target(%arg13 : memref<128x128xf32, #tpu.memory_space<vmem>>) offsets(%arg7 : memref<128xi32, #tpu.memory_space<vmem>>) semaphore(%arg23 : memref<!tpu.dma_semaphore, #tpu.memory_space<semaphore_mem>>)
    %dma_wait3A_397 = arith.constant 0 : i32
    %dma_wait3A_398 = arith.constant 0 : i32
    %dma_wait3A_399 = tpu.memref_slice %arg3[%dma_wait3A_397, %dma_wait3A_398] : memref<10000x128xf32, #tpu.memory_space<hbm>> -> memref<10000x128xf32, #tpu.memory_space<hbm>>
    tpu.wait_indirect_dma semaphore(%arg21 : memref<!tpu.dma_semaphore, #tpu.memory_space<semaphore_mem>>) src(%dma_wait3A_399 : memref<10000x128xf32, #tpu.memory_space<hbm>>) dst(%arg11 : memref<128x128xf32, #tpu.memory_space<vmem>>)
    %mul3A_400 = arith.constant 128 : i32
    %mul3A_401 = arith.muli %add3A_372, %mul3A_400 : i32
    %dma_wait3A_402 = arith.constant 0 : i32
    %dma_wait3A_403 = tpu.memref_slice %arg2[%dma_wait3A_402, %mul3A_401] : memref<2x320000xi32, #tpu.memory_space<hbm>> -> memref<1x128xi32, #tpu.memory_space<hbm>>
    %dma_wait3A_404 = tpu.memref_squeeze %dma_wait3A_403 : memref<1x128xi32, #tpu.memory_space<hbm>> -> memref<128xi32, #tpu.memory_space<hbm>>
    %dma_wait3A_405 = tpu.memref_slice %arg2[%dma_wait3A_402, %mul3A_401] : memref<2x320000xi32, #tpu.memory_space<hbm>> -> memref<1x128xi32, #tpu.memory_space<hbm>>
    %dma_wait3A_406 = tpu.memref_squeeze %dma_wait3A_405 : memref<1x128xi32, #tpu.memory_space<hbm>> -> memref<128xi32, #tpu.memory_space<hbm>>
    tpu.wait_dma2 semaphore(%arg18 : memref<!tpu.dma_semaphore, #tpu.memory_space<semaphore_mem>>) src(%dma_wait3A_406 : memref<128xi32, #tpu.memory_space<hbm>>) dst(%arg8 : memref<128xi32, #tpu.memory_space<vmem>>)
    %dma_start3A_407 = arith.constant 0 : i32
    %dma_start3A_408 = arith.constant 0 : i32
    %dma_start3A_409 = tpu.memref_slice %arg14[%dma_start3A_407, %dma_start3A_408] : memref<10112x128xf32, #tpu.memory_space<vmem_shared>> -> memref<10112x128xf32, #tpu.memory_space<vmem_shared>>
    tpu.enqueue_indirect_dma source(%arg11 : memref<128x128xf32, #tpu.memory_space<vmem>>) target(%dma_start3A_409 : memref<10112x128xf32, #tpu.memory_space<vmem_shared>>) offsets(%arg8 : memref<128xi32, #tpu.memory_space<vmem>>) semaphore(%arg24 : memref<!tpu.dma_semaphore, #tpu.memory_space<semaphore_mem>>) {add = true}
    %add3A_410 = arith.constant 3 : i32
    %add3A_411 = arith.addi %add3A_372, %add3A_410 : i32
    %mul3A_412 = arith.constant 128 : i32
    %mul3A_413 = arith.muli %add3A_411, %mul3A_412 : i32
    %dma_start3A_414 = arith.constant 1 : i32
    %dma_start3A_415 = tpu.memref_slice %arg2[%dma_start3A_414, %mul3A_413] : memref<2x320000xi32, #tpu.memory_space<hbm>> -> memref<1x128xi32, #tpu.memory_space<hbm>>
    %dma_start3A_416 = tpu.memref_squeeze %dma_start3A_415 : memref<1x128xi32, #tpu.memory_space<hbm>> -> memref<128xi32, #tpu.memory_space<hbm>>
    %dma_start3A_417 = tpu.memref_slice %arg2[%dma_start3A_414, %mul3A_413] : memref<2x320000xi32, #tpu.memory_space<hbm>> -> memref<1x128xi32, #tpu.memory_space<hbm>>
    %dma_start3A_418 = tpu.memref_squeeze %dma_start3A_417 : memref<1x128xi32, #tpu.memory_space<hbm>> -> memref<128xi32, #tpu.memory_space<hbm>>
    tpu.enqueue_dma source(%dma_start3A_418 : memref<128xi32, #tpu.memory_space<hbm>>) target(%arg5 : memref<128xi32, #tpu.memory_space<vmem>>) target_semaphore(%arg15 : memref<!tpu.dma_semaphore, #tpu.memory_space<semaphore_mem>>)
    %add3A_419 = arith.constant 3 : i32
    %add3A_420 = arith.addi %mul3A_2, %add3A_419 : i32
    %add3A_421 = arith.constant 4 : i32
    %add3A_422 = arith.addi %add3A_420, %add3A_421 : i32
    %add3A_423 = arith.constant 2 : i32
    %add3A_424 = arith.addi %add3A_422, %add3A_423 : i32
    %mul3A_425 = arith.constant 128 : i32
    %mul3A_426 = arith.muli %add3A_424, %mul3A_425 : i32
    %dma_wait3A_427 = arith.constant 1 : i32
    %dma_wait3A_428 = tpu.memref_slice %arg2[%dma_wait3A_427, %mul3A_426] : memref<2x320000xi32, #tpu.memory_space<hbm>> -> memref<1x128xi32, #tpu.memory_space<hbm>>
    %dma_wait3A_429 = tpu.memref_squeeze %dma_wait3A_428 : memref<1x128xi32, #tpu.memory_space<hbm>> -> memref<128xi32, #tpu.memory_space<hbm>>
    %dma_wait3A_430 = tpu.memref_slice %arg2[%dma_wait3A_427, %mul3A_426] : memref<2x320000xi32, #tpu.memory_space<hbm>> -> memref<1x128xi32, #tpu.memory_space<hbm>>
    %dma_wait3A_431 = tpu.memref_squeeze %dma_wait3A_430 : memref<1x128xi32, #tpu.memory_space<hbm>> -> memref<128xi32, #tpu.memory_space<hbm>>
    tpu.wait_dma2 semaphore(%arg15 : memref<!tpu.dma_semaphore, #tpu.memory_space<semaphore_mem>>) src(%dma_wait3A_431 : memref<128xi32, #tpu.memory_space<hbm>>) dst(%arg5 : memref<128xi32, #tpu.memory_space<vmem>>)
    %dma_wait3A_432 = arith.constant 0 : i32
    %dma_wait3A_433 = arith.constant 0 : i32
    %dma_wait3A_434 = tpu.memref_slice %arg14[%dma_wait3A_432, %dma_wait3A_433] : memref<10112x128xf32, #tpu.memory_space<vmem_shared>> -> memref<10112x128xf32, #tpu.memory_space<vmem_shared>>
    tpu.wait_indirect_dma semaphore(%arg24 : memref<!tpu.dma_semaphore, #tpu.memory_space<semaphore_mem>>) src(%arg11 : memref<128x128xf32, #tpu.memory_space<vmem>>) dst(%dma_wait3A_434 : memref<10112x128xf32, #tpu.memory_space<vmem_shared>>)
    %add3A_435 = arith.constant 2 : i32
    %add3A_436 = arith.addi %add3A_422, %add3A_435 : i32
    %mul3A_437 = arith.constant 128 : i32
    %mul3A_438 = arith.muli %add3A_436, %mul3A_437 : i32
    %dma_start3A_439 = arith.constant 0 : i32
    %dma_start3A_440 = tpu.memref_slice %arg2[%dma_start3A_439, %mul3A_438] : memref<2x320000xi32, #tpu.memory_space<hbm>> -> memref<1x128xi32, #tpu.memory_space<hbm>>
    %dma_start3A_441 = tpu.memref_squeeze %dma_start3A_440 : memref<1x128xi32, #tpu.memory_space<hbm>> -> memref<128xi32, #tpu.memory_space<hbm>>
    %dma_start3A_442 = tpu.memref_slice %arg2[%dma_start3A_439, %mul3A_438] : memref<2x320000xi32, #tpu.memory_space<hbm>> -> memref<1x128xi32, #tpu.memory_space<hbm>>
    %dma_start3A_443 = tpu.memref_squeeze %dma_start3A_442 : memref<1x128xi32, #tpu.memory_space<hbm>> -> memref<128xi32, #tpu.memory_space<hbm>>
    tpu.enqueue_dma source(%dma_start3A_443 : memref<128xi32, #tpu.memory_space<hbm>>) target(%arg8 : memref<128xi32, #tpu.memory_space<vmem>>) target_semaphore(%arg18 : memref<!tpu.dma_semaphore, #tpu.memory_space<semaphore_mem>>)
    %dma_start3A_444 = arith.constant 0 : i32
    %dma_start3A_445 = arith.constant 0 : i32
    %dma_start3A_446 = tpu.memref_slice %arg3[%dma_start3A_444, %dma_start3A_445] : memref<10000x128xf32, #tpu.memory_space<hbm>> -> memref<10000x128xf32, #tpu.memory_space<hbm>>
    tpu.enqueue_indirect_dma source(%dma_start3A_446 : memref<10000x128xf32, #tpu.memory_space<hbm>>) target(%arg11 : memref<128x128xf32, #tpu.memory_space<vmem>>) offsets(%arg5 : memref<128xi32, #tpu.memory_space<vmem>>) semaphore(%arg21 : memref<!tpu.dma_semaphore, #tpu.memory_space<semaphore_mem>>)
    %dma_wait3A_447 = arith.constant 0 : i32
    %dma_wait3A_448 = arith.constant 0 : i32
    %dma_wait3A_449 = tpu.memref_slice %arg3[%dma_wait3A_447, %dma_wait3A_448] : memref<10000x128xf32, #tpu.memory_space<hbm>> -> memref<10000x128xf32, #tpu.memory_space<hbm>>
    tpu.wait_indirect_dma semaphore(%arg22 : memref<!tpu.dma_semaphore, #tpu.memory_space<semaphore_mem>>) src(%dma_wait3A_449 : memref<10000x128xf32, #tpu.memory_space<hbm>>) dst(%arg12 : memref<128x128xf32, #tpu.memory_space<vmem>>)
    %mul3A_450 = arith.constant 128 : i32
    %mul3A_451 = arith.muli %add3A_422, %mul3A_450 : i32
    %dma_wait3A_452 = arith.constant 0 : i32
    %dma_wait3A_453 = tpu.memref_slice %arg2[%dma_wait3A_452, %mul3A_451] : memref<2x320000xi32, #tpu.memory_space<hbm>> -> memref<1x128xi32, #tpu.memory_space<hbm>>
    %dma_wait3A_454 = tpu.memref_squeeze %dma_wait3A_453 : memref<1x128xi32, #tpu.memory_space<hbm>> -> memref<128xi32, #tpu.memory_space<hbm>>
    %dma_wait3A_455 = tpu.memref_slice %arg2[%dma_wait3A_452, %mul3A_451] : memref<2x320000xi32, #tpu.memory_space<hbm>> -> memref<1x128xi32, #tpu.memory_space<hbm>>
    %dma_wait3A_456 = tpu.memref_squeeze %dma_wait3A_455 : memref<1x128xi32, #tpu.memory_space<hbm>> -> memref<128xi32, #tpu.memory_space<hbm>>
    tpu.wait_dma2 semaphore(%arg19 : memref<!tpu.dma_semaphore, #tpu.memory_space<semaphore_mem>>) src(%dma_wait3A_456 : memref<128xi32, #tpu.memory_space<hbm>>) dst(%arg9 : memref<128xi32, #tpu.memory_space<vmem>>)
    %dma_start3A_457 = arith.constant 0 : i32
    %dma_start3A_458 = arith.constant 0 : i32
    %dma_start3A_459 = tpu.memref_slice %arg14[%dma_start3A_457, %dma_start3A_458] : memref<10112x128xf32, #tpu.memory_space<vmem_shared>> -> memref<10112x128xf32, #tpu.memory_space<vmem_shared>>
    tpu.enqueue_indirect_dma source(%arg12 : memref<128x128xf32, #tpu.memory_space<vmem>>) target(%dma_start3A_459 : memref<10112x128xf32, #tpu.memory_space<vmem_shared>>) offsets(%arg9 : memref<128xi32, #tpu.memory_space<vmem>>) semaphore(%arg25 : memref<!tpu.dma_semaphore, #tpu.memory_space<semaphore_mem>>) {add = true}
    %add3A_460 = arith.constant 3 : i32
    %add3A_461 = arith.addi %add3A_422, %add3A_460 : i32
    %mul3A_462 = arith.constant 128 : i32
    %mul3A_463 = arith.muli %add3A_461, %mul3A_462 : i32
    %dma_start3A_464 = arith.constant 1 : i32
    %dma_start3A_465 = tpu.memref_slice %arg2[%dma_start3A_464, %mul3A_463] : memref<2x320000xi32, #tpu.memory_space<hbm>> -> memref<1x128xi32, #tpu.memory_space<hbm>>
    %dma_start3A_466 = tpu.memref_squeeze %dma_start3A_465 : memref<1x128xi32, #tpu.memory_space<hbm>> -> memref<128xi32, #tpu.memory_space<hbm>>
    %dma_start3A_467 = tpu.memref_slice %arg2[%dma_start3A_464, %mul3A_463] : memref<2x320000xi32, #tpu.memory_space<hbm>> -> memref<1x128xi32, #tpu.memory_space<hbm>>
    %dma_start3A_468 = tpu.memref_squeeze %dma_start3A_467 : memref<1x128xi32, #tpu.memory_space<hbm>> -> memref<128xi32, #tpu.memory_space<hbm>>
    tpu.enqueue_dma source(%dma_start3A_468 : memref<128xi32, #tpu.memory_space<hbm>>) target(%arg6 : memref<128xi32, #tpu.memory_space<vmem>>) target_semaphore(%arg16 : memref<!tpu.dma_semaphore, #tpu.memory_space<semaphore_mem>>)
    %add3A_469 = arith.constant 3 : i32
    %add3A_470 = arith.addi %mul3A_2, %add3A_469 : i32
    %add3A_471 = arith.constant 5 : i32
    %add3A_472 = arith.addi %add3A_470, %add3A_471 : i32
    %add3A_473 = arith.constant 2 : i32
    %add3A_474 = arith.addi %add3A_472, %add3A_473 : i32
    %mul3A_475 = arith.constant 128 : i32
    %mul3A_476 = arith.muli %add3A_474, %mul3A_475 : i32
    %dma_wait3A_477 = arith.constant 1 : i32
    %dma_wait3A_478 = tpu.memref_slice %arg2[%dma_wait3A_477, %mul3A_476] : memref<2x320000xi32, #tpu.memory_space<hbm>> -> memref<1x128xi32, #tpu.memory_space<hbm>>
    %dma_wait3A_479 = tpu.memref_squeeze %dma_wait3A_478 : memref<1x128xi32, #tpu.memory_space<hbm>> -> memref<128xi32, #tpu.memory_space<hbm>>
    %dma_wait3A_480 = tpu.memref_slice %arg2[%dma_wait3A_477, %mul3A_476] : memref<2x320000xi32, #tpu.memory_space<hbm>> -> memref<1x128xi32, #tpu.memory_space<hbm>>
    %dma_wait3A_481 = tpu.memref_squeeze %dma_wait3A_480 : memref<1x128xi32, #tpu.memory_space<hbm>> -> memref<128xi32, #tpu.memory_space<hbm>>
    tpu.wait_dma2 semaphore(%arg16 : memref<!tpu.dma_semaphore, #tpu.memory_space<semaphore_mem>>) src(%dma_wait3A_481 : memref<128xi32, #tpu.memory_space<hbm>>) dst(%arg6 : memref<128xi32, #tpu.memory_space<vmem>>)
    %dma_wait3A_482 = arith.constant 0 : i32
    %dma_wait3A_483 = arith.constant 0 : i32
    %dma_wait3A_484 = tpu.memref_slice %arg14[%dma_wait3A_482, %dma_wait3A_483] : memref<10112x128xf32, #tpu.memory_space<vmem_shared>> -> memref<10112x128xf32, #tpu.memory_space<vmem_shared>>
    tpu.wait_indirect_dma semaphore(%arg25 : memref<!tpu.dma_semaphore, #tpu.memory_space<semaphore_mem>>) src(%arg12 : memref<128x128xf32, #tpu.memory_space<vmem>>) dst(%dma_wait3A_484 : memref<10112x128xf32, #tpu.memory_space<vmem_shared>>)
    %add3A_485 = arith.constant 2 : i32
    %add3A_486 = arith.addi %add3A_472, %add3A_485 : i32
    %mul3A_487 = arith.constant 128 : i32
    %mul3A_488 = arith.muli %add3A_486, %mul3A_487 : i32
    %dma_start3A_489 = arith.constant 0 : i32
    %dma_start3A_490 = tpu.memref_slice %arg2[%dma_start3A_489, %mul3A_488] : memref<2x320000xi32, #tpu.memory_space<hbm>> -> memref<1x128xi32, #tpu.memory_space<hbm>>
    %dma_start3A_491 = tpu.memref_squeeze %dma_start3A_490 : memref<1x128xi32, #tpu.memory_space<hbm>> -> memref<128xi32, #tpu.memory_space<hbm>>
    %dma_start3A_492 = tpu.memref_slice %arg2[%dma_start3A_489, %mul3A_488] : memref<2x320000xi32, #tpu.memory_space<hbm>> -> memref<1x128xi32, #tpu.memory_space<hbm>>
    %dma_start3A_493 = tpu.memref_squeeze %dma_start3A_492 : memref<1x128xi32, #tpu.memory_space<hbm>> -> memref<128xi32, #tpu.memory_space<hbm>>
    tpu.enqueue_dma source(%dma_start3A_493 : memref<128xi32, #tpu.memory_space<hbm>>) target(%arg9 : memref<128xi32, #tpu.memory_space<vmem>>) target_semaphore(%arg19 : memref<!tpu.dma_semaphore, #tpu.memory_space<semaphore_mem>>)
    %dma_start3A_494 = arith.constant 0 : i32
    %dma_start3A_495 = arith.constant 0 : i32
    %dma_start3A_496 = tpu.memref_slice %arg3[%dma_start3A_494, %dma_start3A_495] : memref<10000x128xf32, #tpu.memory_space<hbm>> -> memref<10000x128xf32, #tpu.memory_space<hbm>>
    tpu.enqueue_indirect_dma source(%dma_start3A_496 : memref<10000x128xf32, #tpu.memory_space<hbm>>) target(%arg12 : memref<128x128xf32, #tpu.memory_space<vmem>>) offsets(%arg6 : memref<128xi32, #tpu.memory_space<vmem>>) semaphore(%arg22 : memref<!tpu.dma_semaphore, #tpu.memory_space<semaphore_mem>>)
    %dma_wait3A_497 = arith.constant 0 : i32
    %dma_wait3A_498 = arith.constant 0 : i32
    %dma_wait3A_499 = tpu.memref_slice %arg3[%dma_wait3A_497, %dma_wait3A_498] : memref<10000x128xf32, #tpu.memory_space<hbm>> -> memref<10000x128xf32, #tpu.memory_space<hbm>>
    tpu.wait_indirect_dma semaphore(%arg23 : memref<!tpu.dma_semaphore, #tpu.memory_space<semaphore_mem>>) src(%dma_wait3A_499 : memref<10000x128xf32, #tpu.memory_space<hbm>>) dst(%arg13 : memref<128x128xf32, #tpu.memory_space<vmem>>)
    %mul3A_500 = arith.constant 128 : i32
    %mul3A_501 = arith.muli %add3A_472, %mul3A_500 : i32
    %dma_wait3A_502 = arith.constant 0 : i32
    %dma_wait3A_503 = tpu.memref_slice %arg2[%dma_wait3A_502, %mul3A_501] : memref<2x320000xi32, #tpu.memory_space<hbm>> -> memref<1x128xi32, #tpu.memory_space<hbm>>
    %dma_wait3A_504 = tpu.memref_squeeze %dma_wait3A_503 : memref<1x128xi32, #tpu.memory_space<hbm>> -> memref<128xi32, #tpu.memory_space<hbm>>
    %dma_wait3A_505 = tpu.memref_slice %arg2[%dma_wait3A_502, %mul3A_501] : memref<2x320000xi32, #tpu.memory_space<hbm>> -> memref<1x128xi32, #tpu.memory_space<hbm>>
    %dma_wait3A_506 = tpu.memref_squeeze %dma_wait3A_505 : memref<1x128xi32, #tpu.memory_space<hbm>> -> memref<128xi32, #tpu.memory_space<hbm>>
    tpu.wait_dma2 semaphore(%arg20 : memref<!tpu.dma_semaphore, #tpu.memory_space<semaphore_mem>>) src(%dma_wait3A_506 : memref<128xi32, #tpu.memory_space<hbm>>) dst(%arg10 : memref<128xi32, #tpu.memory_space<vmem>>)
    %dma_start3A_507 = arith.constant 0 : i32
    %dma_start3A_508 = arith.constant 0 : i32
    %dma_start3A_509 = tpu.memref_slice %arg14[%dma_start3A_507, %dma_start3A_508] : memref<10112x128xf32, #tpu.memory_space<vmem_shared>> -> memref<10112x128xf32, #tpu.memory_space<vmem_shared>>
    tpu.enqueue_indirect_dma source(%arg13 : memref<128x128xf32, #tpu.memory_space<vmem>>) target(%dma_start3A_509 : memref<10112x128xf32, #tpu.memory_space<vmem_shared>>) offsets(%arg10 : memref<128xi32, #tpu.memory_space<vmem>>) semaphore(%arg26 : memref<!tpu.dma_semaphore, #tpu.memory_space<semaphore_mem>>) {add = true}
    %add3A_510 = arith.constant 3 : i32
    %add3A_511 = arith.addi %add3A_472, %add3A_510 : i32
    %mul3A_512 = arith.constant 128 : i32
    %mul3A_513 = arith.muli %add3A_511, %mul3A_512 : i32
    %dma_start3A_514 = arith.constant 1 : i32
    %dma_start3A_515 = tpu.memref_slice %arg2[%dma_start3A_514, %mul3A_513] : memref<2x320000xi32, #tpu.memory_space<hbm>> -> memref<1x128xi32, #tpu.memory_space<hbm>>
    %dma_start3A_516 = tpu.memref_squeeze %dma_start3A_515 : memref<1x128xi32, #tpu.memory_space<hbm>> -> memref<128xi32, #tpu.memory_space<hbm>>
    %dma_start3A_517 = tpu.memref_slice %arg2[%dma_start3A_514, %mul3A_513] : memref<2x320000xi32, #tpu.memory_space<hbm>> -> memref<1x128xi32, #tpu.memory_space<hbm>>
    %dma_start3A_518 = tpu.memref_squeeze %dma_start3A_517 : memref<1x128xi32, #tpu.memory_space<hbm>> -> memref<128xi32, #tpu.memory_space<hbm>>
    tpu.enqueue_dma source(%dma_start3A_518 : memref<128xi32, #tpu.memory_space<hbm>>) target(%arg7 : memref<128xi32, #tpu.memory_space<vmem>>) target_semaphore(%arg17 : memref<!tpu.dma_semaphore, #tpu.memory_space<semaphore_mem>>)
    %scan3A_519 = arith.constant 0 : i32
    %scan3A_520 = arith.constant 0 : i32
    %scan3A_521 = arith.constant 11 : i32
    %scan3A_522 = arith.addi %scan3A_520, %scan3A_521 : i32
    %scan3A_523 = arith.constant 1 : i32
    scf.for %scan3A_596 = %scan3A_520 to %scan3A_522 step %scan3A_523  : i32 {
      %add3A_597 = arith.constant 9 : i32
      %add3A_598 = arith.addi %mul3A_2, %add3A_597 : i32
      %mul3A_599 = arith.constant 6 : i32
      %mul3A_600 = arith.muli %mul3A_599, %scan3A_596 : i32
      %add3A_601 = arith.addi %add3A_598, %mul3A_600 : i32
      %add3A_602 = arith.constant 0 : i32
      %add3A_603 = arith.addi %add3A_601, %add3A_602 : i32
      %add3A_604 = arith.constant 2 : i32
      %add3A_605 = arith.addi %add3A_603, %add3A_604 : i32
      %mul3A_606 = arith.constant 128 : i32
      %mul3A_607 = arith.muli %add3A_605, %mul3A_606 : i32
      %dma_wait3A_608 = arith.constant 1 : i32
      %dma_wait3A_609 = tpu.memref_slice %arg2[%dma_wait3A_608, %mul3A_607] : memref<2x320000xi32, #tpu.memory_space<hbm>> -> memref<1x128xi32, #tpu.memory_space<hbm>>
      %dma_wait3A_610 = tpu.memref_squeeze %dma_wait3A_609 : memref<1x128xi32, #tpu.memory_space<hbm>> -> memref<128xi32, #tpu.memory_space<hbm>>
      %dma_wait3A_611 = tpu.memref_slice %arg2[%dma_wait3A_608, %mul3A_607] : memref<2x320000xi32, #tpu.memory_space<hbm>> -> memref<1x128xi32, #tpu.memory_space<hbm>>
      %dma_wait3A_612 = tpu.memref_squeeze %dma_wait3A_611 : memref<1x128xi32, #tpu.memory_space<hbm>> -> memref<128xi32, #tpu.memory_space<hbm>>
      tpu.wait_dma2 semaphore(%arg17 : memref<!tpu.dma_semaphore, #tpu.memory_space<semaphore_mem>>) src(%dma_wait3A_612 : memref<128xi32, #tpu.memory_space<hbm>>) dst(%arg7 : memref<128xi32, #tpu.memory_space<vmem>>)
      %dma_wait3A_613 = arith.constant 0 : i32
      %dma_wait3A_614 = arith.constant 0 : i32
      %dma_wait3A_615 = tpu.memref_slice %arg14[%dma_wait3A_613, %dma_wait3A_614] : memref<10112x128xf32, #tpu.memory_space<vmem_shared>> -> memref<10112x128xf32, #tpu.memory_space<vmem_shared>>
      tpu.wait_indirect_dma semaphore(%arg26 : memref<!tpu.dma_semaphore, #tpu.memory_space<semaphore_mem>>) src(%arg13 : memref<128x128xf32, #tpu.memory_space<vmem>>) dst(%dma_wait3A_615 : memref<10112x128xf32, #tpu.memory_space<vmem_shared>>)
      %add3A_616 = arith.constant 2 : i32
      %add3A_617 = arith.addi %add3A_603, %add3A_616 : i32
      %mul3A_618 = arith.constant 128 : i32
      %mul3A_619 = arith.muli %add3A_617, %mul3A_618 : i32
      %dma_start3A_620 = arith.constant 0 : i32
      %dma_start3A_621 = tpu.memref_slice %arg2[%dma_start3A_620, %mul3A_619] : memref<2x320000xi32, #tpu.memory_space<hbm>> -> memref<1x128xi32, #tpu.memory_space<hbm>>
      %dma_start3A_622 = tpu.memref_squeeze %dma_start3A_621 : memref<1x128xi32, #tpu.memory_space<hbm>> -> memref<128xi32, #tpu.memory_space<hbm>>
      %dma_start3A_623 = tpu.memref_slice %arg2[%dma_start3A_620, %mul3A_619] : memref<2x320000xi32, #tpu.memory_space<hbm>> -> memref<1x128xi32, #tpu.memory_space<hbm>>
      %dma_start3A_624 = tpu.memref_squeeze %dma_start3A_623 : memref<1x128xi32, #tpu.memory_space<hbm>> -> memref<128xi32, #tpu.memory_space<hbm>>
      tpu.enqueue_dma source(%dma_start3A_624 : memref<128xi32, #tpu.memory_space<hbm>>) target(%arg10 : memref<128xi32, #tpu.memory_space<vmem>>) target_semaphore(%arg20 : memref<!tpu.dma_semaphore, #tpu.memory_space<semaphore_mem>>)
      %dma_start3A_625 = arith.constant 0 : i32
      %dma_start3A_626 = arith.constant 0 : i32
      %dma_start3A_627 = tpu.memref_slice %arg3[%dma_start3A_625, %dma_start3A_626] : memref<10000x128xf32, #tpu.memory_space<hbm>> -> memref<10000x128xf32, #tpu.memory_space<hbm>>
      tpu.enqueue_indirect_dma source(%dma_start3A_627 : memref<10000x128xf32, #tpu.memory_space<hbm>>) target(%arg13 : memref<128x128xf32, #tpu.memory_space<vmem>>) offsets(%arg7 : memref<128xi32, #tpu.memory_space<vmem>>) semaphore(%arg23 : memref<!tpu.dma_semaphore, #tpu.memory_space<semaphore_mem>>)
      %dma_wait3A_628 = arith.constant 0 : i32
      %dma_wait3A_629 = arith.constant 0 : i32
      %dma_wait3A_630 = tpu.memref_slice %arg3[%dma_wait3A_628, %dma_wait3A_629] : memref<10000x128xf32, #tpu.memory_space<hbm>> -> memref<10000x128xf32, #tpu.memory_space<hbm>>
      tpu.wait_indirect_dma semaphore(%arg21 : memref<!tpu.dma_semaphore, #tpu.memory_space<semaphore_mem>>) src(%dma_wait3A_630 : memref<10000x128xf32, #tpu.memory_space<hbm>>) dst(%arg11 : memref<128x128xf32, #tpu.memory_space<vmem>>)
      %mul3A_631 = arith.constant 128 : i32
      %mul3A_632 = arith.muli %add3A_603, %mul3A_631 : i32
      %dma_wait3A_633 = arith.constant 0 : i32
      %dma_wait3A_634 = tpu.memref_slice %arg2[%dma_wait3A_633, %mul3A_632] : memref<2x320000xi32, #tpu.memory_space<hbm>> -> memref<1x128xi32, #tpu.memory_space<hbm>>
      %dma_wait3A_635 = tpu.memref_squeeze %dma_wait3A_634 : memref<1x128xi32, #tpu.memory_space<hbm>> -> memref<128xi32, #tpu.memory_space<hbm>>
      %dma_wait3A_636 = tpu.memref_slice %arg2[%dma_wait3A_633, %mul3A_632] : memref<2x320000xi32, #tpu.memory_space<hbm>> -> memref<1x128xi32, #tpu.memory_space<hbm>>
      %dma_wait3A_637 = tpu.memref_squeeze %dma_wait3A_636 : memref<1x128xi32, #tpu.memory_space<hbm>> -> memref<128xi32, #tpu.memory_space<hbm>>
      tpu.wait_dma2 semaphore(%arg18 : memref<!tpu.dma_semaphore, #tpu.memory_space<semaphore_mem>>) src(%dma_wait3A_637 : memref<128xi32, #tpu.memory_space<hbm>>) dst(%arg8 : memref<128xi32, #tpu.memory_space<vmem>>)
      %dma_start3A_638 = arith.constant 0 : i32
      %dma_start3A_639 = arith.constant 0 : i32
      %dma_start3A_640 = tpu.memref_slice %arg14[%dma_start3A_638, %dma_start3A_639] : memref<10112x128xf32, #tpu.memory_space<vmem_shared>> -> memref<10112x128xf32, #tpu.memory_space<vmem_shared>>
      tpu.enqueue_indirect_dma source(%arg11 : memref<128x128xf32, #tpu.memory_space<vmem>>) target(%dma_start3A_640 : memref<10112x128xf32, #tpu.memory_space<vmem_shared>>) offsets(%arg8 : memref<128xi32, #tpu.memory_space<vmem>>) semaphore(%arg24 : memref<!tpu.dma_semaphore, #tpu.memory_space<semaphore_mem>>) {add = true}
      %add3A_641 = arith.constant 3 : i32
      %add3A_642 = arith.addi %add3A_603, %add3A_641 : i32
      %mul3A_643 = arith.constant 128 : i32
      %mul3A_644 = arith.muli %add3A_642, %mul3A_643 : i32
      %dma_start3A_645 = arith.constant 1 : i32
      %dma_start3A_646 = tpu.memref_slice %arg2[%dma_start3A_645, %mul3A_644] : memref<2x320000xi32, #tpu.memory_space<hbm>> -> memref<1x128xi32, #tpu.memory_space<hbm>>
      %dma_start3A_647 = tpu.memref_squeeze %dma_start3A_646 : memref<1x128xi32, #tpu.memory_space<hbm>> -> memref<128xi32, #tpu.memory_space<hbm>>
      %dma_start3A_648 = tpu.memref_slice %arg2[%dma_start3A_645, %mul3A_644] : memref<2x320000xi32, #tpu.memory_space<hbm>> -> memref<1x128xi32, #tpu.memory_space<hbm>>
      %dma_start3A_649 = tpu.memref_squeeze %dma_start3A_648 : memref<1x128xi32, #tpu.memory_space<hbm>> -> memref<128xi32, #tpu.memory_space<hbm>>
      tpu.enqueue_dma source(%dma_start3A_649 : memref<128xi32, #tpu.memory_space<hbm>>) target(%arg5 : memref<128xi32, #tpu.memory_space<vmem>>) target_semaphore(%arg15 : memref<!tpu.dma_semaphore, #tpu.memory_space<semaphore_mem>>)
      %add3A_650 = arith.constant 1 : i32
      %add3A_651 = arith.addi %add3A_601, %add3A_650 : i32
      %add3A_652 = arith.constant 2 : i32
      %add3A_653 = arith.addi %add3A_651, %add3A_652 : i32
      %mul3A_654 = arith.constant 128 : i32
      %mul3A_655 = arith.muli %add3A_653, %mul3A_654 : i32
      %dma_wait3A_656 = arith.constant 1 : i32
      %dma_wait3A_657 = tpu.memref_slice %arg2[%dma_wait3A_656, %mul3A_655] : memref<2x320000xi32, #tpu.memory_space<hbm>> -> memref<1x128xi32, #tpu.memory_space<hbm>>
      %dma_wait3A_658 = tpu.memref_squeeze %dma_wait3A_657 : memref<1x128xi32, #tpu.memory_space<hbm>> -> memref<128xi32, #tpu.memory_space<hbm>>
      %dma_wait3A_659 = tpu.memref_slice %arg2[%dma_wait3A_656, %mul3A_655] : memref<2x320000xi32, #tpu.memory_space<hbm>> -> memref<1x128xi32, #tpu.memory_space<hbm>>
      %dma_wait3A_660 = tpu.memref_squeeze %dma_wait3A_659 : memref<1x128xi32, #tpu.memory_space<hbm>> -> memref<128xi32, #tpu.memory_space<hbm>>
      tpu.wait_dma2 semaphore(%arg15 : memref<!tpu.dma_semaphore, #tpu.memory_space<semaphore_mem>>) src(%dma_wait3A_660 : memref<128xi32, #tpu.memory_space<hbm>>) dst(%arg5 : memref<128xi32, #tpu.memory_space<vmem>>)
      %dma_wait3A_661 = arith.constant 0 : i32
      %dma_wait3A_662 = arith.constant 0 : i32
      %dma_wait3A_663 = tpu.memref_slice %arg14[%dma_wait3A_661, %dma_wait3A_662] : memref<10112x128xf32, #tpu.memory_space<vmem_shared>> -> memref<10112x128xf32, #tpu.memory_space<vmem_shared>>
      tpu.wait_indirect_dma semaphore(%arg24 : memref<!tpu.dma_semaphore, #tpu.memory_space<semaphore_mem>>) src(%arg11 : memref<128x128xf32, #tpu.memory_space<vmem>>) dst(%dma_wait3A_663 : memref<10112x128xf32, #tpu.memory_space<vmem_shared>>)
      %add3A_664 = arith.constant 2 : i32
      %add3A_665 = arith.addi %add3A_651, %add3A_664 : i32
      %mul3A_666 = arith.constant 128 : i32
      %mul3A_667 = arith.muli %add3A_665, %mul3A_666 : i32
      %dma_start3A_668 = arith.constant 0 : i32
      %dma_start3A_669 = tpu.memref_slice %arg2[%dma_start3A_668, %mul3A_667] : memref<2x320000xi32, #tpu.memory_space<hbm>> -> memref<1x128xi32, #tpu.memory_space<hbm>>
      %dma_start3A_670 = tpu.memref_squeeze %dma_start3A_669 : memref<1x128xi32, #tpu.memory_space<hbm>> -> memref<128xi32, #tpu.memory_space<hbm>>
      %dma_start3A_671 = tpu.memref_slice %arg2[%dma_start3A_668, %mul3A_667] : memref<2x320000xi32, #tpu.memory_space<hbm>> -> memref<1x128xi32, #tpu.memory_space<hbm>>
      %dma_start3A_672 = tpu.memref_squeeze %dma_start3A_671 : memref<1x128xi32, #tpu.memory_space<hbm>> -> memref<128xi32, #tpu.memory_space<hbm>>
      tpu.enqueue_dma source(%dma_start3A_672 : memref<128xi32, #tpu.memory_space<hbm>>) target(%arg8 : memref<128xi32, #tpu.memory_space<vmem>>) target_semaphore(%arg18 : memref<!tpu.dma_semaphore, #tpu.memory_space<semaphore_mem>>)
      %dma_start3A_673 = arith.constant 0 : i32
      %dma_start3A_674 = arith.constant 0 : i32
      %dma_start3A_675 = tpu.memref_slice %arg3[%dma_start3A_673, %dma_start3A_674] : memref<10000x128xf32, #tpu.memory_space<hbm>> -> memref<10000x128xf32, #tpu.memory_space<hbm>>
      tpu.enqueue_indirect_dma source(%dma_start3A_675 : memref<10000x128xf32, #tpu.memory_space<hbm>>) target(%arg11 : memref<128x128xf32, #tpu.memory_space<vmem>>) offsets(%arg5 : memref<128xi32, #tpu.memory_space<vmem>>) semaphore(%arg21 : memref<!tpu.dma_semaphore, #tpu.memory_space<semaphore_mem>>)
      %dma_wait3A_676 = arith.constant 0 : i32
      %dma_wait3A_677 = arith.constant 0 : i32
      %dma_wait3A_678 = tpu.memref_slice %arg3[%dma_wait3A_676, %dma_wait3A_677] : memref<10000x128xf32, #tpu.memory_space<hbm>> -> memref<10000x128xf32, #tpu.memory_space<hbm>>
      tpu.wait_indirect_dma semaphore(%arg22 : memref<!tpu.dma_semaphore, #tpu.memory_space<semaphore_mem>>) src(%dma_wait3A_678 : memref<10000x128xf32, #tpu.memory_space<hbm>>) dst(%arg12 : memref<128x128xf32, #tpu.memory_space<vmem>>)
      %mul3A_679 = arith.constant 128 : i32
      %mul3A_680 = arith.muli %add3A_651, %mul3A_679 : i32
      %dma_wait3A_681 = arith.constant 0 : i32
      %dma_wait3A_682 = tpu.memref_slice %arg2[%dma_wait3A_681, %mul3A_680] : memref<2x320000xi32, #tpu.memory_space<hbm>> -> memref<1x128xi32, #tpu.memory_space<hbm>>
      %dma_wait3A_683 = tpu.memref_squeeze %dma_wait3A_682 : memref<1x128xi32, #tpu.memory_space<hbm>> -> memref<128xi32, #tpu.memory_space<hbm>>
      %dma_wait3A_684 = tpu.memref_slice %arg2[%dma_wait3A_681, %mul3A_680] : memref<2x320000xi32, #tpu.memory_space<hbm>> -> memref<1x128xi32, #tpu.memory_space<hbm>>
      %dma_wait3A_685 = tpu.memref_squeeze %dma_wait3A_684 : memref<1x128xi32, #tpu.memory_space<hbm>> -> memref<128xi32, #tpu.memory_space<hbm>>
      tpu.wait_dma2 semaphore(%arg19 : memref<!tpu.dma_semaphore, #tpu.memory_space<semaphore_mem>>) src(%dma_wait3A_685 : memref<128xi32, #tpu.memory_space<hbm>>) dst(%arg9 : memref<128xi32, #tpu.memory_space<vmem>>)
      %dma_start3A_686 = arith.constant 0 : i32
      %dma_start3A_687 = arith.constant 0 : i32
      %dma_start3A_688 = tpu.memref_slice %arg14[%dma_start3A_686, %dma_start3A_687] : memref<10112x128xf32, #tpu.memory_space<vmem_shared>> -> memref<10112x128xf32, #tpu.memory_space<vmem_shared>>
      tpu.enqueue_indirect_dma source(%arg12 : memref<128x128xf32, #tpu.memory_space<vmem>>) target(%dma_start3A_688 : memref<10112x128xf32, #tpu.memory_space<vmem_shared>>) offsets(%arg9 : memref<128xi32, #tpu.memory_space<vmem>>) semaphore(%arg25 : memref<!tpu.dma_semaphore, #tpu.memory_space<semaphore_mem>>) {add = true}
      %add3A_689 = arith.constant 3 : i32
      %add3A_690 = arith.addi %add3A_651, %add3A_689 : i32
      %mul3A_691 = arith.constant 128 : i32
      %mul3A_692 = arith.muli %add3A_690, %mul3A_691 : i32
      %dma_start3A_693 = arith.constant 1 : i32
      %dma_start3A_694 = tpu.memref_slice %arg2[%dma_start3A_693, %mul3A_692] : memref<2x320000xi32, #tpu.memory_space<hbm>> -> memref<1x128xi32, #tpu.memory_space<hbm>>
      %dma_start3A_695 = tpu.memref_squeeze %dma_start3A_694 : memref<1x128xi32, #tpu.memory_space<hbm>> -> memref<128xi32, #tpu.memory_space<hbm>>
      %dma_start3A_696 = tpu.memref_slice %arg2[%dma_start3A_693, %mul3A_692] : memref<2x320000xi32, #tpu.memory_space<hbm>> -> memref<1x128xi32, #tpu.memory_space<hbm>>
      %dma_start3A_697 = tpu.memref_squeeze %dma_start3A_696 : memref<1x128xi32, #tpu.memory_space<hbm>> -> memref<128xi32, #tpu.memory_space<hbm>>
      tpu.enqueue_dma source(%dma_start3A_697 : memref<128xi32, #tpu.memory_space<hbm>>) target(%arg6 : memref<128xi32, #tpu.memory_space<vmem>>) target_semaphore(%arg16 : memref<!tpu.dma_semaphore, #tpu.memory_space<semaphore_mem>>)
      %add3A_698 = arith.constant 2 : i32
      %add3A_699 = arith.addi %add3A_601, %add3A_698 : i32
      %add3A_700 = arith.constant 2 : i32
      %add3A_701 = arith.addi %add3A_699, %add3A_700 : i32
      %mul3A_702 = arith.constant 128 : i32
      %mul3A_703 = arith.muli %add3A_701, %mul3A_702 : i32
      %dma_wait3A_704 = arith.constant 1 : i32
      %dma_wait3A_705 = tpu.memref_slice %arg2[%dma_wait3A_704, %mul3A_703] : memref<2x320000xi32, #tpu.memory_space<hbm>> -> memref<1x128xi32, #tpu.memory_space<hbm>>
      %dma_wait3A_706 = tpu.memref_squeeze %dma_wait3A_705 : memref<1x128xi32, #tpu.memory_space<hbm>> -> memref<128xi32, #tpu.memory_space<hbm>>
      %dma_wait3A_707 = tpu.memref_slice %arg2[%dma_wait3A_704, %mul3A_703] : memref<2x320000xi32, #tpu.memory_space<hbm>> -> memref<1x128xi32, #tpu.memory_space<hbm>>
      %dma_wait3A_708 = tpu.memref_squeeze %dma_wait3A_707 : memref<1x128xi32, #tpu.memory_space<hbm>> -> memref<128xi32, #tpu.memory_space<hbm>>
      tpu.wait_dma2 semaphore(%arg16 : memref<!tpu.dma_semaphore, #tpu.memory_space<semaphore_mem>>) src(%dma_wait3A_708 : memref<128xi32, #tpu.memory_space<hbm>>) dst(%arg6 : memref<128xi32, #tpu.memory_space<vmem>>)
      %dma_wait3A_709 = arith.constant 0 : i32
      %dma_wait3A_710 = arith.constant 0 : i32
      %dma_wait3A_711 = tpu.memref_slice %arg14[%dma_wait3A_709, %dma_wait3A_710] : memref<10112x128xf32, #tpu.memory_space<vmem_shared>> -> memref<10112x128xf32, #tpu.memory_space<vmem_shared>>
      tpu.wait_indirect_dma semaphore(%arg25 : memref<!tpu.dma_semaphore, #tpu.memory_space<semaphore_mem>>) src(%arg12 : memref<128x128xf32, #tpu.memory_space<vmem>>) dst(%dma_wait3A_711 : memref<10112x128xf32, #tpu.memory_space<vmem_shared>>)
      %add3A_712 = arith.constant 2 : i32
      %add3A_713 = arith.addi %add3A_699, %add3A_712 : i32
      %mul3A_714 = arith.constant 128 : i32
      %mul3A_715 = arith.muli %add3A_713, %mul3A_714 : i32
      %dma_start3A_716 = arith.constant 0 : i32
      %dma_start3A_717 = tpu.memref_slice %arg2[%dma_start3A_716, %mul3A_715] : memref<2x320000xi32, #tpu.memory_space<hbm>> -> memref<1x128xi32, #tpu.memory_space<hbm>>
      %dma_start3A_718 = tpu.memref_squeeze %dma_start3A_717 : memref<1x128xi32, #tpu.memory_space<hbm>> -> memref<128xi32, #tpu.memory_space<hbm>>
      %dma_start3A_719 = tpu.memref_slice %arg2[%dma_start3A_716, %mul3A_715] : memref<2x320000xi32, #tpu.memory_space<hbm>> -> memref<1x128xi32, #tpu.memory_space<hbm>>
      %dma_start3A_720 = tpu.memref_squeeze %dma_start3A_719 : memref<1x128xi32, #tpu.memory_space<hbm>> -> memref<128xi32, #tpu.memory_space<hbm>>
      tpu.enqueue_dma source(%dma_start3A_720 : memref<128xi32, #tpu.memory_space<hbm>>) target(%arg9 : memref<128xi32, #tpu.memory_space<vmem>>) target_semaphore(%arg19 : memref<!tpu.dma_semaphore, #tpu.memory_space<semaphore_mem>>)
      %dma_start3A_721 = arith.constant 0 : i32
      %dma_start3A_722 = arith.constant 0 : i32
      %dma_start3A_723 = tpu.memref_slice %arg3[%dma_start3A_721, %dma_start3A_722] : memref<10000x128xf32, #tpu.memory_space<hbm>> -> memref<10000x128xf32, #tpu.memory_space<hbm>>
      tpu.enqueue_indirect_dma source(%dma_start3A_723 : memref<10000x128xf32, #tpu.memory_space<hbm>>) target(%arg12 : memref<128x128xf32, #tpu.memory_space<vmem>>) offsets(%arg6 : memref<128xi32, #tpu.memory_space<vmem>>) semaphore(%arg22 : memref<!tpu.dma_semaphore, #tpu.memory_space<semaphore_mem>>)
      %dma_wait3A_724 = arith.constant 0 : i32
      %dma_wait3A_725 = arith.constant 0 : i32
      %dma_wait3A_726 = tpu.memref_slice %arg3[%dma_wait3A_724, %dma_wait3A_725] : memref<10000x128xf32, #tpu.memory_space<hbm>> -> memref<10000x128xf32, #tpu.memory_space<hbm>>
      tpu.wait_indirect_dma semaphore(%arg23 : memref<!tpu.dma_semaphore, #tpu.memory_space<semaphore_mem>>) src(%dma_wait3A_726 : memref<10000x128xf32, #tpu.memory_space<hbm>>) dst(%arg13 : memref<128x128xf32, #tpu.memory_space<vmem>>)
      %mul3A_727 = arith.constant 128 : i32
      %mul3A_728 = arith.muli %add3A_699, %mul3A_727 : i32
      %dma_wait3A_729 = arith.constant 0 : i32
      %dma_wait3A_730 = tpu.memref_slice %arg2[%dma_wait3A_729, %mul3A_728] : memref<2x320000xi32, #tpu.memory_space<hbm>> -> memref<1x128xi32, #tpu.memory_space<hbm>>
      %dma_wait3A_731 = tpu.memref_squeeze %dma_wait3A_730 : memref<1x128xi32, #tpu.memory_space<hbm>> -> memref<128xi32, #tpu.memory_space<hbm>>
      %dma_wait3A_732 = tpu.memref_slice %arg2[%dma_wait3A_729, %mul3A_728] : memref<2x320000xi32, #tpu.memory_space<hbm>> -> memref<1x128xi32, #tpu.memory_space<hbm>>
      %dma_wait3A_733 = tpu.memref_squeeze %dma_wait3A_732 : memref<1x128xi32, #tpu.memory_space<hbm>> -> memref<128xi32, #tpu.memory_space<hbm>>
      tpu.wait_dma2 semaphore(%arg20 : memref<!tpu.dma_semaphore, #tpu.memory_space<semaphore_mem>>) src(%dma_wait3A_733 : memref<128xi32, #tpu.memory_space<hbm>>) dst(%arg10 : memref<128xi32, #tpu.memory_space<vmem>>)
      %dma_start3A_734 = arith.constant 0 : i32
      %dma_start3A_735 = arith.constant 0 : i32
      %dma_start3A_736 = tpu.memref_slice %arg14[%dma_start3A_734, %dma_start3A_735] : memref<10112x128xf32, #tpu.memory_space<vmem_shared>> -> memref<10112x128xf32, #tpu.memory_space<vmem_shared>>
      tpu.enqueue_indirect_dma source(%arg13 : memref<128x128xf32, #tpu.memory_space<vmem>>) target(%dma_start3A_736 : memref<10112x128xf32, #tpu.memory_space<vmem_shared>>) offsets(%arg10 : memref<128xi32, #tpu.memory_space<vmem>>) semaphore(%arg26 : memref<!tpu.dma_semaphore, #tpu.memory_space<semaphore_mem>>) {add = true}
      %add3A_737 = arith.constant 3 : i32
      %add3A_738 = arith.addi %add3A_699, %add3A_737 : i32
      %mul3A_739 = arith.constant 128 : i32
      %mul3A_740 = arith.muli %add3A_738, %mul3A_739 : i32
      %dma_start3A_741 = arith.constant 1 : i32
      %dma_start3A_742 = tpu.memref_slice %arg2[%dma_start3A_741, %mul3A_740] : memref<2x320000xi32, #tpu.memory_space<hbm>> -> memref<1x128xi32, #tpu.memory_space<hbm>>
      %dma_start3A_743 = tpu.memref_squeeze %dma_start3A_742 : memref<1x128xi32, #tpu.memory_space<hbm>> -> memref<128xi32, #tpu.memory_space<hbm>>
      %dma_start3A_744 = tpu.memref_slice %arg2[%dma_start3A_741, %mul3A_740] : memref<2x320000xi32, #tpu.memory_space<hbm>> -> memref<1x128xi32, #tpu.memory_space<hbm>>
      %dma_start3A_745 = tpu.memref_squeeze %dma_start3A_744 : memref<1x128xi32, #tpu.memory_space<hbm>> -> memref<128xi32, #tpu.memory_space<hbm>>
      tpu.enqueue_dma source(%dma_start3A_745 : memref<128xi32, #tpu.memory_space<hbm>>) target(%arg7 : memref<128xi32, #tpu.memory_space<vmem>>) target_semaphore(%arg17 : memref<!tpu.dma_semaphore, #tpu.memory_space<semaphore_mem>>)
      %add3A_746 = arith.constant 3 : i32
      %add3A_747 = arith.addi %add3A_601, %add3A_746 : i32
      %add3A_748 = arith.constant 2 : i32
      %add3A_749 = arith.addi %add3A_747, %add3A_748 : i32
      %mul3A_750 = arith.constant 128 : i32
      %mul3A_751 = arith.muli %add3A_749, %mul3A_750 : i32
      %dma_wait3A_752 = arith.constant 1 : i32
      %dma_wait3A_753 = tpu.memref_slice %arg2[%dma_wait3A_752, %mul3A_751] : memref<2x320000xi32, #tpu.memory_space<hbm>> -> memref<1x128xi32, #tpu.memory_space<hbm>>
      %dma_wait3A_754 = tpu.memref_squeeze %dma_wait3A_753 : memref<1x128xi32, #tpu.memory_space<hbm>> -> memref<128xi32, #tpu.memory_space<hbm>>
      %dma_wait3A_755 = tpu.memref_slice %arg2[%dma_wait3A_752, %mul3A_751] : memref<2x320000xi32, #tpu.memory_space<hbm>> -> memref<1x128xi32, #tpu.memory_space<hbm>>
      %dma_wait3A_756 = tpu.memref_squeeze %dma_wait3A_755 : memref<1x128xi32, #tpu.memory_space<hbm>> -> memref<128xi32, #tpu.memory_space<hbm>>
      tpu.wait_dma2 semaphore(%arg17 : memref<!tpu.dma_semaphore, #tpu.memory_space<semaphore_mem>>) src(%dma_wait3A_756 : memref<128xi32, #tpu.memory_space<hbm>>) dst(%arg7 : memref<128xi32, #tpu.memory_space<vmem>>)
      %dma_wait3A_757 = arith.constant 0 : i32
      %dma_wait3A_758 = arith.constant 0 : i32
      %dma_wait3A_759 = tpu.memref_slice %arg14[%dma_wait3A_757, %dma_wait3A_758] : memref<10112x128xf32, #tpu.memory_space<vmem_shared>> -> memref<10112x128xf32, #tpu.memory_space<vmem_shared>>
      tpu.wait_indirect_dma semaphore(%arg26 : memref<!tpu.dma_semaphore, #tpu.memory_space<semaphore_mem>>) src(%arg13 : memref<128x128xf32, #tpu.memory_space<vmem>>) dst(%dma_wait3A_759 : memref<10112x128xf32, #tpu.memory_space<vmem_shared>>)
      %add3A_760 = arith.constant 2 : i32
      %add3A_761 = arith.addi %add3A_747, %add3A_760 : i32
      %mul3A_762 = arith.constant 128 : i32
      %mul3A_763 = arith.muli %add3A_761, %mul3A_762 : i32
      %dma_start3A_764 = arith.constant 0 : i32
      %dma_start3A_765 = tpu.memref_slice %arg2[%dma_start3A_764, %mul3A_763] : memref<2x320000xi32, #tpu.memory_space<hbm>> -> memref<1x128xi32, #tpu.memory_space<hbm>>
      %dma_start3A_766 = tpu.memref_squeeze %dma_start3A_765 : memref<1x128xi32, #tpu.memory_space<hbm>> -> memref<128xi32, #tpu.memory_space<hbm>>
      %dma_start3A_767 = tpu.memref_slice %arg2[%dma_start3A_764, %mul3A_763] : memref<2x320000xi32, #tpu.memory_space<hbm>> -> memref<1x128xi32, #tpu.memory_space<hbm>>
      %dma_start3A_768 = tpu.memref_squeeze %dma_start3A_767 : memref<1x128xi32, #tpu.memory_space<hbm>> -> memref<128xi32, #tpu.memory_space<hbm>>
      tpu.enqueue_dma source(%dma_start3A_768 : memref<128xi32, #tpu.memory_space<hbm>>) target(%arg10 : memref<128xi32, #tpu.memory_space<vmem>>) target_semaphore(%arg20 : memref<!tpu.dma_semaphore, #tpu.memory_space<semaphore_mem>>)
      %dma_start3A_769 = arith.constant 0 : i32
      %dma_start3A_770 = arith.constant 0 : i32
      %dma_start3A_771 = tpu.memref_slice %arg3[%dma_start3A_769, %dma_start3A_770] : memref<10000x128xf32, #tpu.memory_space<hbm>> -> memref<10000x128xf32, #tpu.memory_space<hbm>>
      tpu.enqueue_indirect_dma source(%dma_start3A_771 : memref<10000x128xf32, #tpu.memory_space<hbm>>) target(%arg13 : memref<128x128xf32, #tpu.memory_space<vmem>>) offsets(%arg7 : memref<128xi32, #tpu.memory_space<vmem>>) semaphore(%arg23 : memref<!tpu.dma_semaphore, #tpu.memory_space<semaphore_mem>>)
      %dma_wait3A_772 = arith.constant 0 : i32
      %dma_wait3A_773 = arith.constant 0 : i32
      %dma_wait3A_774 = tpu.memref_slice %arg3[%dma_wait3A_772, %dma_wait3A_773] : memref<10000x128xf32, #tpu.memory_space<hbm>> -> memref<10000x128xf32, #tpu.memory_space<hbm>>
      tpu.wait_indirect_dma semaphore(%arg21 : memref<!tpu.dma_semaphore, #tpu.memory_space<semaphore_mem>>) src(%dma_wait3A_774 : memref<10000x128xf32, #tpu.memory_space<hbm>>) dst(%arg11 : memref<128x128xf32, #tpu.memory_space<vmem>>)
      %mul3A_775 = arith.constant 128 : i32
      %mul3A_776 = arith.muli %add3A_747, %mul3A_775 : i32
      %dma_wait3A_777 = arith.constant 0 : i32
      %dma_wait3A_778 = tpu.memref_slice %arg2[%dma_wait3A_777, %mul3A_776] : memref<2x320000xi32, #tpu.memory_space<hbm>> -> memref<1x128xi32, #tpu.memory_space<hbm>>
      %dma_wait3A_779 = tpu.memref_squeeze %dma_wait3A_778 : memref<1x128xi32, #tpu.memory_space<hbm>> -> memref<128xi32, #tpu.memory_space<hbm>>
      %dma_wait3A_780 = tpu.memref_slice %arg2[%dma_wait3A_777, %mul3A_776] : memref<2x320000xi32, #tpu.memory_space<hbm>> -> memref<1x128xi32, #tpu.memory_space<hbm>>
      %dma_wait3A_781 = tpu.memref_squeeze %dma_wait3A_780 : memref<1x128xi32, #tpu.memory_space<hbm>> -> memref<128xi32, #tpu.memory_space<hbm>>
      tpu.wait_dma2 semaphore(%arg18 : memref<!tpu.dma_semaphore, #tpu.memory_space<semaphore_mem>>) src(%dma_wait3A_781 : memref<128xi32, #tpu.memory_space<hbm>>) dst(%arg8 : memref<128xi32, #tpu.memory_space<vmem>>)
      %dma_start3A_782 = arith.constant 0 : i32
      %dma_start3A_783 = arith.constant 0 : i32
      %dma_start3A_784 = tpu.memref_slice %arg14[%dma_start3A_782, %dma_start3A_783] : memref<10112x128xf32, #tpu.memory_space<vmem_shared>> -> memref<10112x128xf32, #tpu.memory_space<vmem_shared>>
      tpu.enqueue_indirect_dma source(%arg11 : memref<128x128xf32, #tpu.memory_space<vmem>>) target(%dma_start3A_784 : memref<10112x128xf32, #tpu.memory_space<vmem_shared>>) offsets(%arg8 : memref<128xi32, #tpu.memory_space<vmem>>) semaphore(%arg24 : memref<!tpu.dma_semaphore, #tpu.memory_space<semaphore_mem>>) {add = true}
      %add3A_785 = arith.constant 3 : i32
      %add3A_786 = arith.addi %add3A_747, %add3A_785 : i32
      %mul3A_787 = arith.constant 128 : i32
      %mul3A_788 = arith.muli %add3A_786, %mul3A_787 : i32
      %dma_start3A_789 = arith.constant 1 : i32
      %dma_start3A_790 = tpu.memref_slice %arg2[%dma_start3A_789, %mul3A_788] : memref<2x320000xi32, #tpu.memory_space<hbm>> -> memref<1x128xi32, #tpu.memory_space<hbm>>
      %dma_start3A_791 = tpu.memref_squeeze %dma_start3A_790 : memref<1x128xi32, #tpu.memory_space<hbm>> -> memref<128xi32, #tpu.memory_space<hbm>>
      %dma_start3A_792 = tpu.memref_slice %arg2[%dma_start3A_789, %mul3A_788] : memref<2x320000xi32, #tpu.memory_space<hbm>> -> memref<1x128xi32, #tpu.memory_space<hbm>>
      %dma_start3A_793 = tpu.memref_squeeze %dma_start3A_792 : memref<1x128xi32, #tpu.memory_space<hbm>> -> memref<128xi32, #tpu.memory_space<hbm>>
      tpu.enqueue_dma source(%dma_start3A_793 : memref<128xi32, #tpu.memory_space<hbm>>) target(%arg5 : memref<128xi32, #tpu.memory_space<vmem>>) target_semaphore(%arg15 : memref<!tpu.dma_semaphore, #tpu.memory_space<semaphore_mem>>)
      %add3A_794 = arith.constant 4 : i32
      %add3A_795 = arith.addi %add3A_601, %add3A_794 : i32
      %add3A_796 = arith.constant 2 : i32
      %add3A_797 = arith.addi %add3A_795, %add3A_796 : i32
      %mul3A_798 = arith.constant 128 : i32
      %mul3A_799 = arith.muli %add3A_797, %mul3A_798 : i32
      %dma_wait3A_800 = arith.constant 1 : i32
      %dma_wait3A_801 = tpu.memref_slice %arg2[%dma_wait3A_800, %mul3A_799] : memref<2x320000xi32, #tpu.memory_space<hbm>> -> memref<1x128xi32, #tpu.memory_space<hbm>>
      %dma_wait3A_802 = tpu.memref_squeeze %dma_wait3A_801 : memref<1x128xi32, #tpu.memory_space<hbm>> -> memref<128xi32, #tpu.memory_space<hbm>>
      %dma_wait3A_803 = tpu.memref_slice %arg2[%dma_wait3A_800, %mul3A_799] : memref<2x320000xi32, #tpu.memory_space<hbm>> -> memref<1x128xi32, #tpu.memory_space<hbm>>
      %dma_wait3A_804 = tpu.memref_squeeze %dma_wait3A_803 : memref<1x128xi32, #tpu.memory_space<hbm>> -> memref<128xi32, #tpu.memory_space<hbm>>
      tpu.wait_dma2 semaphore(%arg15 : memref<!tpu.dma_semaphore, #tpu.memory_space<semaphore_mem>>) src(%dma_wait3A_804 : memref<128xi32, #tpu.memory_space<hbm>>) dst(%arg5 : memref<128xi32, #tpu.memory_space<vmem>>)
      %dma_wait3A_805 = arith.constant 0 : i32
      %dma_wait3A_806 = arith.constant 0 : i32
      %dma_wait3A_807 = tpu.memref_slice %arg14[%dma_wait3A_805, %dma_wait3A_806] : memref<10112x128xf32, #tpu.memory_space<vmem_shared>> -> memref<10112x128xf32, #tpu.memory_space<vmem_shared>>
      tpu.wait_indirect_dma semaphore(%arg24 : memref<!tpu.dma_semaphore, #tpu.memory_space<semaphore_mem>>) src(%arg11 : memref<128x128xf32, #tpu.memory_space<vmem>>) dst(%dma_wait3A_807 : memref<10112x128xf32, #tpu.memory_space<vmem_shared>>)
      %add3A_808 = arith.constant 2 : i32
      %add3A_809 = arith.addi %add3A_795, %add3A_808 : i32
      %mul3A_810 = arith.constant 128 : i32
      %mul3A_811 = arith.muli %add3A_809, %mul3A_810 : i32
      %dma_start3A_812 = arith.constant 0 : i32
      %dma_start3A_813 = tpu.memref_slice %arg2[%dma_start3A_812, %mul3A_811] : memref<2x320000xi32, #tpu.memory_space<hbm>> -> memref<1x128xi32, #tpu.memory_space<hbm>>
      %dma_start3A_814 = tpu.memref_squeeze %dma_start3A_813 : memref<1x128xi32, #tpu.memory_space<hbm>> -> memref<128xi32, #tpu.memory_space<hbm>>
      %dma_start3A_815 = tpu.memref_slice %arg2[%dma_start3A_812, %mul3A_811] : memref<2x320000xi32, #tpu.memory_space<hbm>> -> memref<1x128xi32, #tpu.memory_space<hbm>>
      %dma_start3A_816 = tpu.memref_squeeze %dma_start3A_815 : memref<1x128xi32, #tpu.memory_space<hbm>> -> memref<128xi32, #tpu.memory_space<hbm>>
      tpu.enqueue_dma source(%dma_start3A_816 : memref<128xi32, #tpu.memory_space<hbm>>) target(%arg8 : memref<128xi32, #tpu.memory_space<vmem>>) target_semaphore(%arg18 : memref<!tpu.dma_semaphore, #tpu.memory_space<semaphore_mem>>)
      %dma_start3A_817 = arith.constant 0 : i32
      %dma_start3A_818 = arith.constant 0 : i32
      %dma_start3A_819 = tpu.memref_slice %arg3[%dma_start3A_817, %dma_start3A_818] : memref<10000x128xf32, #tpu.memory_space<hbm>> -> memref<10000x128xf32, #tpu.memory_space<hbm>>
      tpu.enqueue_indirect_dma source(%dma_start3A_819 : memref<10000x128xf32, #tpu.memory_space<hbm>>) target(%arg11 : memref<128x128xf32, #tpu.memory_space<vmem>>) offsets(%arg5 : memref<128xi32, #tpu.memory_space<vmem>>) semaphore(%arg21 : memref<!tpu.dma_semaphore, #tpu.memory_space<semaphore_mem>>)
      %dma_wait3A_820 = arith.constant 0 : i32
      %dma_wait3A_821 = arith.constant 0 : i32
      %dma_wait3A_822 = tpu.memref_slice %arg3[%dma_wait3A_820, %dma_wait3A_821] : memref<10000x128xf32, #tpu.memory_space<hbm>> -> memref<10000x128xf32, #tpu.memory_space<hbm>>
      tpu.wait_indirect_dma semaphore(%arg22 : memref<!tpu.dma_semaphore, #tpu.memory_space<semaphore_mem>>) src(%dma_wait3A_822 : memref<10000x128xf32, #tpu.memory_space<hbm>>) dst(%arg12 : memref<128x128xf32, #tpu.memory_space<vmem>>)
      %mul3A_823 = arith.constant 128 : i32
      %mul3A_824 = arith.muli %add3A_795, %mul3A_823 : i32
      %dma_wait3A_825 = arith.constant 0 : i32
      %dma_wait3A_826 = tpu.memref_slice %arg2[%dma_wait3A_825, %mul3A_824] : memref<2x320000xi32, #tpu.memory_space<hbm>> -> memref<1x128xi32, #tpu.memory_space<hbm>>
      %dma_wait3A_827 = tpu.memref_squeeze %dma_wait3A_826 : memref<1x128xi32, #tpu.memory_space<hbm>> -> memref<128xi32, #tpu.memory_space<hbm>>
      %dma_wait3A_828 = tpu.memref_slice %arg2[%dma_wait3A_825, %mul3A_824] : memref<2x320000xi32, #tpu.memory_space<hbm>> -> memref<1x128xi32, #tpu.memory_space<hbm>>
      %dma_wait3A_829 = tpu.memref_squeeze %dma_wait3A_828 : memref<1x128xi32, #tpu.memory_space<hbm>> -> memref<128xi32, #tpu.memory_space<hbm>>
      tpu.wait_dma2 semaphore(%arg19 : memref<!tpu.dma_semaphore, #tpu.memory_space<semaphore_mem>>) src(%dma_wait3A_829 : memref<128xi32, #tpu.memory_space<hbm>>) dst(%arg9 : memref<128xi32, #tpu.memory_space<vmem>>)
      %dma_start3A_830 = arith.constant 0 : i32
      %dma_start3A_831 = arith.constant 0 : i32
      %dma_start3A_832 = tpu.memref_slice %arg14[%dma_start3A_830, %dma_start3A_831] : memref<10112x128xf32, #tpu.memory_space<vmem_shared>> -> memref<10112x128xf32, #tpu.memory_space<vmem_shared>>
      tpu.enqueue_indirect_dma source(%arg12 : memref<128x128xf32, #tpu.memory_space<vmem>>) target(%dma_start3A_832 : memref<10112x128xf32, #tpu.memory_space<vmem_shared>>) offsets(%arg9 : memref<128xi32, #tpu.memory_space<vmem>>) semaphore(%arg25 : memref<!tpu.dma_semaphore, #tpu.memory_space<semaphore_mem>>) {add = true}
      %add3A_833 = arith.constant 3 : i32
      %add3A_834 = arith.addi %add3A_795, %add3A_833 : i32
      %mul3A_835 = arith.constant 128 : i32
      %mul3A_836 = arith.muli %add3A_834, %mul3A_835 : i32
      %dma_start3A_837 = arith.constant 1 : i32
      %dma_start3A_838 = tpu.memref_slice %arg2[%dma_start3A_837, %mul3A_836] : memref<2x320000xi32, #tpu.memory_space<hbm>> -> memref<1x128xi32, #tpu.memory_space<hbm>>
      %dma_start3A_839 = tpu.memref_squeeze %dma_start3A_838 : memref<1x128xi32, #tpu.memory_space<hbm>> -> memref<128xi32, #tpu.memory_space<hbm>>
      %dma_start3A_840 = tpu.memref_slice %arg2[%dma_start3A_837, %mul3A_836] : memref<2x320000xi32, #tpu.memory_space<hbm>> -> memref<1x128xi32, #tpu.memory_space<hbm>>
      %dma_start3A_841 = tpu.memref_squeeze %dma_start3A_840 : memref<1x128xi32, #tpu.memory_space<hbm>> -> memref<128xi32, #tpu.memory_space<hbm>>
      tpu.enqueue_dma source(%dma_start3A_841 : memref<128xi32, #tpu.memory_space<hbm>>) target(%arg6 : memref<128xi32, #tpu.memory_space<vmem>>) target_semaphore(%arg16 : memref<!tpu.dma_semaphore, #tpu.memory_space<semaphore_mem>>)
      %add3A_842 = arith.constant 5 : i32
      %add3A_843 = arith.addi %add3A_601, %add3A_842 : i32
      %add3A_844 = arith.constant 2 : i32
      %add3A_845 = arith.addi %add3A_843, %add3A_844 : i32
      %mul3A_846 = arith.constant 128 : i32
      %mul3A_847 = arith.muli %add3A_845, %mul3A_846 : i32
      %dma_wait3A_848 = arith.constant 1 : i32
      %dma_wait3A_849 = tpu.memref_slice %arg2[%dma_wait3A_848, %mul3A_847] : memref<2x320000xi32, #tpu.memory_space<hbm>> -> memref<1x128xi32, #tpu.memory_space<hbm>>
      %dma_wait3A_850 = tpu.memref_squeeze %dma_wait3A_849 : memref<1x128xi32, #tpu.memory_space<hbm>> -> memref<128xi32, #tpu.memory_space<hbm>>
      %dma_wait3A_851 = tpu.memref_slice %arg2[%dma_wait3A_848, %mul3A_847] : memref<2x320000xi32, #tpu.memory_space<hbm>> -> memref<1x128xi32, #tpu.memory_space<hbm>>
      %dma_wait3A_852 = tpu.memref_squeeze %dma_wait3A_851 : memref<1x128xi32, #tpu.memory_space<hbm>> -> memref<128xi32, #tpu.memory_space<hbm>>
      tpu.wait_dma2 semaphore(%arg16 : memref<!tpu.dma_semaphore, #tpu.memory_space<semaphore_mem>>) src(%dma_wait3A_852 : memref<128xi32, #tpu.memory_space<hbm>>) dst(%arg6 : memref<128xi32, #tpu.memory_space<vmem>>)
      %dma_wait3A_853 = arith.constant 0 : i32
      %dma_wait3A_854 = arith.constant 0 : i32
      %dma_wait3A_855 = tpu.memref_slice %arg14[%dma_wait3A_853, %dma_wait3A_854] : memref<10112x128xf32, #tpu.memory_space<vmem_shared>> -> memref<10112x128xf32, #tpu.memory_space<vmem_shared>>
      tpu.wait_indirect_dma semaphore(%arg25 : memref<!tpu.dma_semaphore, #tpu.memory_space<semaphore_mem>>) src(%arg12 : memref<128x128xf32, #tpu.memory_space<vmem>>) dst(%dma_wait3A_855 : memref<10112x128xf32, #tpu.memory_space<vmem_shared>>)
      %add3A_856 = arith.constant 2 : i32
      %add3A_857 = arith.addi %add3A_843, %add3A_856 : i32
      %mul3A_858 = arith.constant 128 : i32
      %mul3A_859 = arith.muli %add3A_857, %mul3A_858 : i32
      %dma_start3A_860 = arith.constant 0 : i32
      %dma_start3A_861 = tpu.memref_slice %arg2[%dma_start3A_860, %mul3A_859] : memref<2x320000xi32, #tpu.memory_space<hbm>> -> memref<1x128xi32, #tpu.memory_space<hbm>>
      %dma_start3A_862 = tpu.memref_squeeze %dma_start3A_861 : memref<1x128xi32, #tpu.memory_space<hbm>> -> memref<128xi32, #tpu.memory_space<hbm>>
      %dma_start3A_863 = tpu.memref_slice %arg2[%dma_start3A_860, %mul3A_859] : memref<2x320000xi32, #tpu.memory_space<hbm>> -> memref<1x128xi32, #tpu.memory_space<hbm>>
      %dma_start3A_864 = tpu.memref_squeeze %dma_start3A_863 : memref<1x128xi32, #tpu.memory_space<hbm>> -> memref<128xi32, #tpu.memory_space<hbm>>
      tpu.enqueue_dma source(%dma_start3A_864 : memref<128xi32, #tpu.memory_space<hbm>>) target(%arg9 : memref<128xi32, #tpu.memory_space<vmem>>) target_semaphore(%arg19 : memref<!tpu.dma_semaphore, #tpu.memory_space<semaphore_mem>>)
      %dma_start3A_865 = arith.constant 0 : i32
      %dma_start3A_866 = arith.constant 0 : i32
      %dma_start3A_867 = tpu.memref_slice %arg3[%dma_start3A_865, %dma_start3A_866] : memref<10000x128xf32, #tpu.memory_space<hbm>> -> memref<10000x128xf32, #tpu.memory_space<hbm>>
      tpu.enqueue_indirect_dma source(%dma_start3A_867 : memref<10000x128xf32, #tpu.memory_space<hbm>>) target(%arg12 : memref<128x128xf32, #tpu.memory_space<vmem>>) offsets(%arg6 : memref<128xi32, #tpu.memory_space<vmem>>) semaphore(%arg22 : memref<!tpu.dma_semaphore, #tpu.memory_space<semaphore_mem>>)
      %dma_wait3A_868 = arith.constant 0 : i32
      %dma_wait3A_869 = arith.constant 0 : i32
      %dma_wait3A_870 = tpu.memref_slice %arg3[%dma_wait3A_868, %dma_wait3A_869] : memref<10000x128xf32, #tpu.memory_space<hbm>> -> memref<10000x128xf32, #tpu.memory_space<hbm>>
      tpu.wait_indirect_dma semaphore(%arg23 : memref<!tpu.dma_semaphore, #tpu.memory_space<semaphore_mem>>) src(%dma_wait3A_870 : memref<10000x128xf32, #tpu.memory_space<hbm>>) dst(%arg13 : memref<128x128xf32, #tpu.memory_space<vmem>>)
      %mul3A_871 = arith.constant 128 : i32
      %mul3A_872 = arith.muli %add3A_843, %mul3A_871 : i32
      %dma_wait3A_873 = arith.constant 0 : i32
      %dma_wait3A_874 = tpu.memref_slice %arg2[%dma_wait3A_873, %mul3A_872] : memref<2x320000xi32, #tpu.memory_space<hbm>> -> memref<1x128xi32, #tpu.memory_space<hbm>>
      %dma_wait3A_875 = tpu.memref_squeeze %dma_wait3A_874 : memref<1x128xi32, #tpu.memory_space<hbm>> -> memref<128xi32, #tpu.memory_space<hbm>>
      %dma_wait3A_876 = tpu.memref_slice %arg2[%dma_wait3A_873, %mul3A_872] : memref<2x320000xi32, #tpu.memory_space<hbm>> -> memref<1x128xi32, #tpu.memory_space<hbm>>
      %dma_wait3A_877 = tpu.memref_squeeze %dma_wait3A_876 : memref<1x128xi32, #tpu.memory_space<hbm>> -> memref<128xi32, #tpu.memory_space<hbm>>
      tpu.wait_dma2 semaphore(%arg20 : memref<!tpu.dma_semaphore, #tpu.memory_space<semaphore_mem>>) src(%dma_wait3A_877 : memref<128xi32, #tpu.memory_space<hbm>>) dst(%arg10 : memref<128xi32, #tpu.memory_space<vmem>>)
      %dma_start3A_878 = arith.constant 0 : i32
      %dma_start3A_879 = arith.constant 0 : i32
      %dma_start3A_880 = tpu.memref_slice %arg14[%dma_start3A_878, %dma_start3A_879] : memref<10112x128xf32, #tpu.memory_space<vmem_shared>> -> memref<10112x128xf32, #tpu.memory_space<vmem_shared>>
      tpu.enqueue_indirect_dma source(%arg13 : memref<128x128xf32, #tpu.memory_space<vmem>>) target(%dma_start3A_880 : memref<10112x128xf32, #tpu.memory_space<vmem_shared>>) offsets(%arg10 : memref<128xi32, #tpu.memory_space<vmem>>) semaphore(%arg26 : memref<!tpu.dma_semaphore, #tpu.memory_space<semaphore_mem>>) {add = true}
      %add3A_881 = arith.constant 3 : i32
      %add3A_882 = arith.addi %add3A_843, %add3A_881 : i32
      %mul3A_883 = arith.constant 128 : i32
      %mul3A_884 = arith.muli %add3A_882, %mul3A_883 : i32
      %dma_start3A_885 = arith.constant 1 : i32
      %dma_start3A_886 = tpu.memref_slice %arg2[%dma_start3A_885, %mul3A_884] : memref<2x320000xi32, #tpu.memory_space<hbm>> -> memref<1x128xi32, #tpu.memory_space<hbm>>
      %dma_start3A_887 = tpu.memref_squeeze %dma_start3A_886 : memref<1x128xi32, #tpu.memory_space<hbm>> -> memref<128xi32, #tpu.memory_space<hbm>>
      %dma_start3A_888 = tpu.memref_slice %arg2[%dma_start3A_885, %mul3A_884] : memref<2x320000xi32, #tpu.memory_space<hbm>> -> memref<1x128xi32, #tpu.memory_space<hbm>>
      %dma_start3A_889 = tpu.memref_squeeze %dma_start3A_888 : memref<1x128xi32, #tpu.memory_space<hbm>> -> memref<128xi32, #tpu.memory_space<hbm>>
      tpu.enqueue_dma source(%dma_start3A_889 : memref<128xi32, #tpu.memory_space<hbm>>) target(%arg7 : memref<128xi32, #tpu.memory_space<vmem>>) target_semaphore(%arg17 : memref<!tpu.dma_semaphore, #tpu.memory_space<semaphore_mem>>)
    }
    %scan3A_524 = arith.constant 11 : i32
    %add3A_525 = arith.constant 78 : i32
    %add3A_526 = arith.addi %mul3A_2, %add3A_525 : i32
    %sub3A = arith.constant 1 : i32
    %sub3A_527 = arith.subi %add3A_526, %sub3A : i32
    %mul3A_528 = arith.constant 128 : i32
    %mul3A_529 = arith.muli %sub3A_527, %mul3A_528 : i32
    %dma_wait3A_530 = arith.constant 1 : i32
    %dma_wait3A_531 = tpu.memref_slice %arg2[%dma_wait3A_530, %mul3A_529] : memref<2x320000xi32, #tpu.memory_space<hbm>> -> memref<1x128xi32, #tpu.memory_space<hbm>>
    %dma_wait3A_532 = tpu.memref_squeeze %dma_wait3A_531 : memref<1x128xi32, #tpu.memory_space<hbm>> -> memref<128xi32, #tpu.memory_space<hbm>>
    %dma_wait3A_533 = tpu.memref_slice %arg2[%dma_wait3A_530, %mul3A_529] : memref<2x320000xi32, #tpu.memory_space<hbm>> -> memref<1x128xi32, #tpu.memory_space<hbm>>
    %dma_wait3A_534 = tpu.memref_squeeze %dma_wait3A_533 : memref<1x128xi32, #tpu.memory_space<hbm>> -> memref<128xi32, #tpu.memory_space<hbm>>
    tpu.wait_dma2 semaphore(%arg17 : memref<!tpu.dma_semaphore, #tpu.memory_space<semaphore_mem>>) src(%dma_wait3A_534 : memref<128xi32, #tpu.memory_space<hbm>>) dst(%arg7 : memref<128xi32, #tpu.memory_space<vmem>>)
    %dma_wait3A_535 = arith.constant 0 : i32
    %dma_wait3A_536 = arith.constant 0 : i32
    %dma_wait3A_537 = tpu.memref_slice %arg14[%dma_wait3A_535, %dma_wait3A_536] : memref<10112x128xf32, #tpu.memory_space<vmem_shared>> -> memref<10112x128xf32, #tpu.memory_space<vmem_shared>>
    tpu.wait_indirect_dma semaphore(%arg26 : memref<!tpu.dma_semaphore, #tpu.memory_space<semaphore_mem>>) src(%arg13 : memref<128x128xf32, #tpu.memory_space<vmem>>) dst(%dma_wait3A_537 : memref<10112x128xf32, #tpu.memory_space<vmem_shared>>)
    %add3A_538 = arith.constant 78 : i32
    %add3A_539 = arith.addi %mul3A_2, %add3A_538 : i32
    %sub3A_540 = arith.constant 1 : i32
    %sub3A_541 = arith.subi %add3A_539, %sub3A_540 : i32
    %mul3A_542 = arith.constant 128 : i32
    %mul3A_543 = arith.muli %sub3A_541, %mul3A_542 : i32
    %dma_start3A_544 = arith.constant 0 : i32
    %dma_start3A_545 = tpu.memref_slice %arg2[%dma_start3A_544, %mul3A_543] : memref<2x320000xi32, #tpu.memory_space<hbm>> -> memref<1x128xi32, #tpu.memory_space<hbm>>
    %dma_start3A_546 = tpu.memref_squeeze %dma_start3A_545 : memref<1x128xi32, #tpu.memory_space<hbm>> -> memref<128xi32, #tpu.memory_space<hbm>>
    %dma_start3A_547 = tpu.memref_slice %arg2[%dma_start3A_544, %mul3A_543] : memref<2x320000xi32, #tpu.memory_space<hbm>> -> memref<1x128xi32, #tpu.memory_space<hbm>>
    %dma_start3A_548 = tpu.memref_squeeze %dma_start3A_547 : memref<1x128xi32, #tpu.memory_space<hbm>> -> memref<128xi32, #tpu.memory_space<hbm>>
    tpu.enqueue_dma source(%dma_start3A_548 : memref<128xi32, #tpu.memory_space<hbm>>) target(%arg10 : memref<128xi32, #tpu.memory_space<vmem>>) target_semaphore(%arg20 : memref<!tpu.dma_semaphore, #tpu.memory_space<semaphore_mem>>)
    %dma_start3A_549 = arith.constant 0 : i32
    %dma_start3A_550 = arith.constant 0 : i32
    %dma_start3A_551 = tpu.memref_slice %arg3[%dma_start3A_549, %dma_start3A_550] : memref<10000x128xf32, #tpu.memory_space<hbm>> -> memref<10000x128xf32, #tpu.memory_space<hbm>>
    tpu.enqueue_indirect_dma source(%dma_start3A_551 : memref<10000x128xf32, #tpu.memory_space<hbm>>) target(%arg13 : memref<128x128xf32, #tpu.memory_space<vmem>>) offsets(%arg7 : memref<128xi32, #tpu.memory_space<vmem>>) semaphore(%arg23 : memref<!tpu.dma_semaphore, #tpu.memory_space<semaphore_mem>>)
    %dma_wait3A_552 = arith.constant 0 : i32
    %dma_wait3A_553 = arith.constant 0 : i32
    %dma_wait3A_554 = tpu.memref_slice %arg3[%dma_wait3A_552, %dma_wait3A_553] : memref<10000x128xf32, #tpu.memory_space<hbm>> -> memref<10000x128xf32, #tpu.memory_space<hbm>>
    tpu.wait_indirect_dma semaphore(%arg21 : memref<!tpu.dma_semaphore, #tpu.memory_space<semaphore_mem>>) src(%dma_wait3A_554 : memref<10000x128xf32, #tpu.memory_space<hbm>>) dst(%arg11 : memref<128x128xf32, #tpu.memory_space<vmem>>)
    %add3A_555 = arith.constant 75 : i32
    %add3A_556 = arith.addi %mul3A_2, %add3A_555 : i32
    %mul3A_557 = arith.constant 128 : i32
    %mul3A_558 = arith.muli %add3A_556, %mul3A_557 : i32
    %dma_wait3A_559 = arith.constant 0 : i32
    %dma_wait3A_560 = tpu.memref_slice %arg2[%dma_wait3A_559, %mul3A_558] : memref<2x320000xi32, #tpu.memory_space<hbm>> -> memref<1x128xi32, #tpu.memory_space<hbm>>
    %dma_wait3A_561 = tpu.memref_squeeze %dma_wait3A_560 : memref<1x128xi32, #tpu.memory_space<hbm>> -> memref<128xi32, #tpu.memory_space<hbm>>
    %dma_wait3A_562 = tpu.memref_slice %arg2[%dma_wait3A_559, %mul3A_558] : memref<2x320000xi32, #tpu.memory_space<hbm>> -> memref<1x128xi32, #tpu.memory_space<hbm>>
    %dma_wait3A_563 = tpu.memref_squeeze %dma_wait3A_562 : memref<1x128xi32, #tpu.memory_space<hbm>> -> memref<128xi32, #tpu.memory_space<hbm>>
    tpu.wait_dma2 semaphore(%arg18 : memref<!tpu.dma_semaphore, #tpu.memory_space<semaphore_mem>>) src(%dma_wait3A_563 : memref<128xi32, #tpu.memory_space<hbm>>) dst(%arg8 : memref<128xi32, #tpu.memory_space<vmem>>)
    "tpu.region"() ({
      %run_scoped3A = tpu.sem_alloc : memref<!tpu.dma_semaphore, #tpu.memory_space<semaphore_mem>>
      %dma_start3A_596 = arith.constant 0 : i32
      %dma_start3A_597 = arith.constant 0 : i32
      %dma_start3A_598 = tpu.memref_slice %arg14[%dma_start3A_596, %dma_start3A_597] : memref<10112x128xf32, #tpu.memory_space<vmem_shared>> -> memref<10112x128xf32, #tpu.memory_space<vmem_shared>>
      tpu.enqueue_indirect_dma source(%arg11 : memref<128x128xf32, #tpu.memory_space<vmem>>) target(%dma_start3A_598 : memref<10112x128xf32, #tpu.memory_space<vmem_shared>>) offsets(%arg8 : memref<128xi32, #tpu.memory_space<vmem>>) semaphore(%run_scoped3A : memref<!tpu.dma_semaphore, #tpu.memory_space<semaphore_mem>>) {add = true}
      %dma_wait3A_599 = arith.constant 0 : i32
      %dma_wait3A_600 = arith.constant 0 : i32
      %dma_wait3A_601 = tpu.memref_slice %arg14[%dma_wait3A_599, %dma_wait3A_600] : memref<10112x128xf32, #tpu.memory_space<vmem_shared>> -> memref<10112x128xf32, #tpu.memory_space<vmem_shared>>
      tpu.wait_indirect_dma semaphore(%run_scoped3A : memref<!tpu.dma_semaphore, #tpu.memory_space<semaphore_mem>>) src(%arg11 : memref<128x128xf32, #tpu.memory_space<vmem>>) dst(%dma_wait3A_601 : memref<10112x128xf32, #tpu.memory_space<vmem_shared>>)
      tpu.yield
    }) : () -> ()
    %dma_wait3A_564 = arith.constant 0 : i32
    %dma_wait3A_565 = arith.constant 0 : i32
    %dma_wait3A_566 = tpu.memref_slice %arg3[%dma_wait3A_564, %dma_wait3A_565] : memref<10000x128xf32, #tpu.memory_space<hbm>> -> memref<10000x128xf32, #tpu.memory_space<hbm>>
    tpu.wait_indirect_dma semaphore(%arg22 : memref<!tpu.dma_semaphore, #tpu.memory_space<semaphore_mem>>) src(%dma_wait3A_566 : memref<10000x128xf32, #tpu.memory_space<hbm>>) dst(%arg12 : memref<128x128xf32, #tpu.memory_space<vmem>>)
    %add3A_567 = arith.constant 76 : i32
    %add3A_568 = arith.addi %mul3A_2, %add3A_567 : i32
    %mul3A_569 = arith.constant 128 : i32
    %mul3A_570 = arith.muli %add3A_568, %mul3A_569 : i32
    %dma_wait3A_571 = arith.constant 0 : i32
    %dma_wait3A_572 = tpu.memref_slice %arg2[%dma_wait3A_571, %mul3A_570] : memref<2x320000xi32, #tpu.memory_space<hbm>> -> memref<1x128xi32, #tpu.memory_space<hbm>>
    %dma_wait3A_573 = tpu.memref_squeeze %dma_wait3A_572 : memref<1x128xi32, #tpu.memory_space<hbm>> -> memref<128xi32, #tpu.memory_space<hbm>>
    %dma_wait3A_574 = tpu.memref_slice %arg2[%dma_wait3A_571, %mul3A_570] : memref<2x320000xi32, #tpu.memory_space<hbm>> -> memref<1x128xi32, #tpu.memory_space<hbm>>
    %dma_wait3A_575 = tpu.memref_squeeze %dma_wait3A_574 : memref<1x128xi32, #tpu.memory_space<hbm>> -> memref<128xi32, #tpu.memory_space<hbm>>
    tpu.wait_dma2 semaphore(%arg19 : memref<!tpu.dma_semaphore, #tpu.memory_space<semaphore_mem>>) src(%dma_wait3A_575 : memref<128xi32, #tpu.memory_space<hbm>>) dst(%arg9 : memref<128xi32, #tpu.memory_space<vmem>>)
    "tpu.region"() ({
      %run_scoped3A = tpu.sem_alloc : memref<!tpu.dma_semaphore, #tpu.memory_space<semaphore_mem>>
      %dma_start3A_596 = arith.constant 0 : i32
      %dma_start3A_597 = arith.constant 0 : i32
      %dma_start3A_598 = tpu.memref_slice %arg14[%dma_start3A_596, %dma_start3A_597] : memref<10112x128xf32, #tpu.memory_space<vmem_shared>> -> memref<10112x128xf32, #tpu.memory_space<vmem_shared>>
      tpu.enqueue_indirect_dma source(%arg12 : memref<128x128xf32, #tpu.memory_space<vmem>>) target(%dma_start3A_598 : memref<10112x128xf32, #tpu.memory_space<vmem_shared>>) offsets(%arg9 : memref<128xi32, #tpu.memory_space<vmem>>) semaphore(%run_scoped3A : memref<!tpu.dma_semaphore, #tpu.memory_space<semaphore_mem>>) {add = true}
      %dma_wait3A_599 = arith.constant 0 : i32
      %dma_wait3A_600 = arith.constant 0 : i32
      %dma_wait3A_601 = tpu.memref_slice %arg14[%dma_wait3A_599, %dma_wait3A_600] : memref<10112x128xf32, #tpu.memory_space<vmem_shared>> -> memref<10112x128xf32, #tpu.memory_space<vmem_shared>>
      tpu.wait_indirect_dma semaphore(%run_scoped3A : memref<!tpu.dma_semaphore, #tpu.memory_space<semaphore_mem>>) src(%arg12 : memref<128x128xf32, #tpu.memory_space<vmem>>) dst(%dma_wait3A_601 : memref<10112x128xf32, #tpu.memory_space<vmem_shared>>)
      tpu.yield
    }) : () -> ()
    %dma_wait3A_576 = arith.constant 0 : i32
    %dma_wait3A_577 = arith.constant 0 : i32
    %dma_wait3A_578 = tpu.memref_slice %arg3[%dma_wait3A_576, %dma_wait3A_577] : memref<10000x128xf32, #tpu.memory_space<hbm>> -> memref<10000x128xf32, #tpu.memory_space<hbm>>
    tpu.wait_indirect_dma semaphore(%arg23 : memref<!tpu.dma_semaphore, #tpu.memory_space<semaphore_mem>>) src(%dma_wait3A_578 : memref<10000x128xf32, #tpu.memory_space<hbm>>) dst(%arg13 : memref<128x128xf32, #tpu.memory_space<vmem>>)
    %add3A_579 = arith.constant 77 : i32
    %add3A_580 = arith.addi %mul3A_2, %add3A_579 : i32
    %mul3A_581 = arith.constant 128 : i32
    %mul3A_582 = arith.muli %add3A_580, %mul3A_581 : i32
    %dma_wait3A_583 = arith.constant 0 : i32
    %dma_wait3A_584 = tpu.memref_slice %arg2[%dma_wait3A_583, %mul3A_582] : memref<2x320000xi32, #tpu.memory_space<hbm>> -> memref<1x128xi32, #tpu.memory_space<hbm>>
    %dma_wait3A_585 = tpu.memref_squeeze %dma_wait3A_584 : memref<1x128xi32, #tpu.memory_space<hbm>> -> memref<128xi32, #tpu.memory_space<hbm>>
    %dma_wait3A_586 = tpu.memref_slice %arg2[%dma_wait3A_583, %mul3A_582] : memref<2x320000xi32, #tpu.memory_space<hbm>> -> memref<1x128xi32, #tpu.memory_space<hbm>>
    %dma_wait3A_587 = tpu.memref_squeeze %dma_wait3A_586 : memref<1x128xi32, #tpu.memory_space<hbm>> -> memref<128xi32, #tpu.memory_space<hbm>>
    tpu.wait_dma2 semaphore(%arg20 : memref<!tpu.dma_semaphore, #tpu.memory_space<semaphore_mem>>) src(%dma_wait3A_587 : memref<128xi32, #tpu.memory_space<hbm>>) dst(%arg10 : memref<128xi32, #tpu.memory_space<vmem>>)
    "tpu.region"() ({
      %run_scoped3A = tpu.sem_alloc : memref<!tpu.dma_semaphore, #tpu.memory_space<semaphore_mem>>
      %dma_start3A_596 = arith.constant 0 : i32
      %dma_start3A_597 = arith.constant 0 : i32
      %dma_start3A_598 = tpu.memref_slice %arg14[%dma_start3A_596, %dma_start3A_597] : memref<10112x128xf32, #tpu.memory_space<vmem_shared>> -> memref<10112x128xf32, #tpu.memory_space<vmem_shared>>
      tpu.enqueue_indirect_dma source(%arg13 : memref<128x128xf32, #tpu.memory_space<vmem>>) target(%dma_start3A_598 : memref<10112x128xf32, #tpu.memory_space<vmem_shared>>) offsets(%arg10 : memref<128xi32, #tpu.memory_space<vmem>>) semaphore(%run_scoped3A : memref<!tpu.dma_semaphore, #tpu.memory_space<semaphore_mem>>) {add = true}
      %dma_wait3A_599 = arith.constant 0 : i32
      %dma_wait3A_600 = arith.constant 0 : i32
      %dma_wait3A_601 = tpu.memref_slice %arg14[%dma_wait3A_599, %dma_wait3A_600] : memref<10112x128xf32, #tpu.memory_space<vmem_shared>> -> memref<10112x128xf32, #tpu.memory_space<vmem_shared>>
      tpu.wait_indirect_dma semaphore(%run_scoped3A : memref<!tpu.dma_semaphore, #tpu.memory_space<semaphore_mem>>) src(%arg13 : memref<128x128xf32, #tpu.memory_space<vmem>>) dst(%dma_wait3A_601 : memref<10112x128xf32, #tpu.memory_space<vmem_shared>>)
      tpu.yield
    }) : () -> ()
    %eq3A = arith.constant 0 : i32
    %eq3A_588 = arith.cmpi eq, %arg0, %eq3A : i32
    %lt3A = arith.constant 4 : i32
    %lt3A_589 = arith.cmpi slt, %arg1, %lt3A : i32
    %and3A = arith.andi %eq3A_588, %lt3A_589 : i1
    %convert_element_type3A = arith.extui %and3A : i1 to i32
    %cond3A = arith.constant 0 : i32
    %cond3A_590 = arith.cmpi ne, %convert_element_type3A, %cond3A : i32
    scf.if %cond3A_590 {
      %add3A_596 = arith.constant 2496 : i32
      %add3A_597 = arith.addi %add3A_596, %arg1 : i32
      %mul3A_598 = arith.constant 128 : i32
      %mul3A_599 = arith.muli %add3A_597, %mul3A_598 : i32
      %dma_start3A_600 = arith.constant 1 : i32
      %dma_start3A_601 = tpu.memref_slice %arg2[%dma_start3A_600, %mul3A_599] : memref<2x320000xi32, #tpu.memory_space<hbm>> -> memref<1x128xi32, #tpu.memory_space<hbm>>
      %dma_start3A_602 = tpu.memref_squeeze %dma_start3A_601 : memref<1x128xi32, #tpu.memory_space<hbm>> -> memref<128xi32, #tpu.memory_space<hbm>>
      %dma_start3A_603 = tpu.memref_slice %arg2[%dma_start3A_600, %mul3A_599] : memref<2x320000xi32, #tpu.memory_space<hbm>> -> memref<1x128xi32, #tpu.memory_space<hbm>>
      %dma_start3A_604 = tpu.memref_squeeze %dma_start3A_603 : memref<1x128xi32, #tpu.memory_space<hbm>> -> memref<128xi32, #tpu.memory_space<hbm>>
      tpu.enqueue_dma source(%dma_start3A_604 : memref<128xi32, #tpu.memory_space<hbm>>) target(%arg5 : memref<128xi32, #tpu.memory_space<vmem>>) target_semaphore(%arg15 : memref<!tpu.dma_semaphore, #tpu.memory_space<semaphore_mem>>)
      %mul3A_605 = arith.constant 128 : i32
      %mul3A_606 = arith.muli %add3A_597, %mul3A_605 : i32
      %dma_start3A_607 = arith.constant 0 : i32
      %dma_start3A_608 = tpu.memref_slice %arg2[%dma_start3A_607, %mul3A_606] : memref<2x320000xi32, #tpu.memory_space<hbm>> -> memref<1x128xi32, #tpu.memory_space<hbm>>
      %dma_start3A_609 = tpu.memref_squeeze %dma_start3A_608 : memref<1x128xi32, #tpu.memory_space<hbm>> -> memref<128xi32, #tpu.memory_space<hbm>>
      %dma_start3A_610 = tpu.memref_slice %arg2[%dma_start3A_607, %mul3A_606] : memref<2x320000xi32, #tpu.memory_space<hbm>> -> memref<1x128xi32, #tpu.memory_space<hbm>>
      %dma_start3A_611 = tpu.memref_squeeze %dma_start3A_610 : memref<1x128xi32, #tpu.memory_space<hbm>> -> memref<128xi32, #tpu.memory_space<hbm>>
      tpu.enqueue_dma source(%dma_start3A_611 : memref<128xi32, #tpu.memory_space<hbm>>) target(%arg8 : memref<128xi32, #tpu.memory_space<vmem>>) target_semaphore(%arg18 : memref<!tpu.dma_semaphore, #tpu.memory_space<semaphore_mem>>)
      %mul3A_612 = arith.constant 128 : i32
      %mul3A_613 = arith.muli %add3A_597, %mul3A_612 : i32
      %dma_wait3A_614 = arith.constant 1 : i32
      %dma_wait3A_615 = tpu.memref_slice %arg2[%dma_wait3A_614, %mul3A_613] : memref<2x320000xi32, #tpu.memory_space<hbm>> -> memref<1x128xi32, #tpu.memory_space<hbm>>
      %dma_wait3A_616 = tpu.memref_squeeze %dma_wait3A_615 : memref<1x128xi32, #tpu.memory_space<hbm>> -> memref<128xi32, #tpu.memory_space<hbm>>
      %dma_wait3A_617 = tpu.memref_slice %arg2[%dma_wait3A_614, %mul3A_613] : memref<2x320000xi32, #tpu.memory_space<hbm>> -> memref<1x128xi32, #tpu.memory_space<hbm>>
      %dma_wait3A_618 = tpu.memref_squeeze %dma_wait3A_617 : memref<1x128xi32, #tpu.memory_space<hbm>> -> memref<128xi32, #tpu.memory_space<hbm>>
      tpu.wait_dma2 semaphore(%arg15 : memref<!tpu.dma_semaphore, #tpu.memory_space<semaphore_mem>>) src(%dma_wait3A_618 : memref<128xi32, #tpu.memory_space<hbm>>) dst(%arg5 : memref<128xi32, #tpu.memory_space<vmem>>)
      %mul3A_619 = arith.constant 128 : i32
      %mul3A_620 = arith.muli %add3A_597, %mul3A_619 : i32
      %dma_wait3A_621 = arith.constant 0 : i32
      %dma_wait3A_622 = tpu.memref_slice %arg2[%dma_wait3A_621, %mul3A_620] : memref<2x320000xi32, #tpu.memory_space<hbm>> -> memref<1x128xi32, #tpu.memory_space<hbm>>
      %dma_wait3A_623 = tpu.memref_squeeze %dma_wait3A_622 : memref<1x128xi32, #tpu.memory_space<hbm>> -> memref<128xi32, #tpu.memory_space<hbm>>
      %dma_wait3A_624 = tpu.memref_slice %arg2[%dma_wait3A_621, %mul3A_620] : memref<2x320000xi32, #tpu.memory_space<hbm>> -> memref<1x128xi32, #tpu.memory_space<hbm>>
      %dma_wait3A_625 = tpu.memref_squeeze %dma_wait3A_624 : memref<1x128xi32, #tpu.memory_space<hbm>> -> memref<128xi32, #tpu.memory_space<hbm>>
      tpu.wait_dma2 semaphore(%arg18 : memref<!tpu.dma_semaphore, #tpu.memory_space<semaphore_mem>>) src(%dma_wait3A_625 : memref<128xi32, #tpu.memory_space<hbm>>) dst(%arg8 : memref<128xi32, #tpu.memory_space<vmem>>)
      %dma_start3A_626 = arith.constant 0 : i32
      %dma_start3A_627 = arith.constant 0 : i32
      %dma_start3A_628 = tpu.memref_slice %arg3[%dma_start3A_626, %dma_start3A_627] : memref<10000x128xf32, #tpu.memory_space<hbm>> -> memref<10000x128xf32, #tpu.memory_space<hbm>>
      tpu.enqueue_indirect_dma source(%dma_start3A_628 : memref<10000x128xf32, #tpu.memory_space<hbm>>) target(%arg11 : memref<128x128xf32, #tpu.memory_space<vmem>>) offsets(%arg5 : memref<128xi32, #tpu.memory_space<vmem>>) semaphore(%arg21 : memref<!tpu.dma_semaphore, #tpu.memory_space<semaphore_mem>>)
      %dma_wait3A_629 = arith.constant 0 : i32
      %dma_wait3A_630 = arith.constant 0 : i32
      %dma_wait3A_631 = tpu.memref_slice %arg3[%dma_wait3A_629, %dma_wait3A_630] : memref<10000x128xf32, #tpu.memory_space<hbm>> -> memref<10000x128xf32, #tpu.memory_space<hbm>>
      tpu.wait_indirect_dma semaphore(%arg21 : memref<!tpu.dma_semaphore, #tpu.memory_space<semaphore_mem>>) src(%dma_wait3A_631 : memref<10000x128xf32, #tpu.memory_space<hbm>>) dst(%arg11 : memref<128x128xf32, #tpu.memory_space<vmem>>)
      "tpu.region"() ({
        %run_scoped3A = tpu.sem_alloc : memref<!tpu.dma_semaphore, #tpu.memory_space<semaphore_mem>>
        %dma_start3A_632 = arith.constant 0 : i32
        %dma_start3A_633 = arith.constant 0 : i32
        %dma_start3A_634 = tpu.memref_slice %arg14[%dma_start3A_632, %dma_start3A_633] : memref<10112x128xf32, #tpu.memory_space<vmem_shared>> -> memref<10112x128xf32, #tpu.memory_space<vmem_shared>>
        tpu.enqueue_indirect_dma source(%arg11 : memref<128x128xf32, #tpu.memory_space<vmem>>) target(%dma_start3A_634 : memref<10112x128xf32, #tpu.memory_space<vmem_shared>>) offsets(%arg8 : memref<128xi32, #tpu.memory_space<vmem>>) semaphore(%run_scoped3A : memref<!tpu.dma_semaphore, #tpu.memory_space<semaphore_mem>>) {add = true}
        %dma_wait3A_635 = arith.constant 0 : i32
        %dma_wait3A_636 = arith.constant 0 : i32
        %dma_wait3A_637 = tpu.memref_slice %arg14[%dma_wait3A_635, %dma_wait3A_636] : memref<10112x128xf32, #tpu.memory_space<vmem_shared>> -> memref<10112x128xf32, #tpu.memory_space<vmem_shared>>
        tpu.wait_indirect_dma semaphore(%run_scoped3A : memref<!tpu.dma_semaphore, #tpu.memory_space<semaphore_mem>>) src(%arg11 : memref<128x128xf32, #tpu.memory_space<vmem>>) dst(%dma_wait3A_637 : memref<10112x128xf32, #tpu.memory_space<vmem_shared>>)
        tpu.yield
      }) : () -> ()
    } else {
    }
    %barrier3A_591 = arith.constant 0 : index
    tpu.barrier barrier_id(%barrier3A_591)
    %mul3A_592 = arith.constant 632 : i32
    %mul3A_593 = arith.muli %arg1, %mul3A_592 : i32
    %mul3A_594 = arith.constant 632 : i32
    %mul3A_595 = arith.muli %arg1, %mul3A_594 : i32
    "tpu.region"() ({
      %run_scoped3A = tpu.sem_alloc : memref<!tpu.dma_semaphore, #tpu.memory_space<semaphore_mem>>
      %dma_start3A_596 = arith.constant 0 : i32
      %dma_start3A_597 = tpu.memref_slice %arg4[%arg0, %mul3A_595, %dma_start3A_596] : memref<2x10112x128xf32, #tpu.memory_space<hbm>> -> memref<1x632x128xf32, #tpu.memory_space<hbm>>
      %dma_start3A_598 = tpu.memref_squeeze %dma_start3A_597 : memref<1x632x128xf32, #tpu.memory_space<hbm>> -> memref<632x128xf32, #tpu.memory_space<hbm>>
      %dma_start3A_599 = arith.constant 0 : i32
      %dma_start3A_600 = tpu.memref_slice %arg14[%mul3A_593, %dma_start3A_599] : memref<10112x128xf32, #tpu.memory_space<vmem_shared>> -> memref<632x128xf32, #tpu.memory_space<vmem_shared>>
      tpu.enqueue_dma source(%dma_start3A_600 : memref<632x128xf32, #tpu.memory_space<vmem_shared>>) target(%dma_start3A_598 : memref<632x128xf32, #tpu.memory_space<hbm>>) target_semaphore(%run_scoped3A : memref<!tpu.dma_semaphore, #tpu.memory_space<semaphore_mem>>)
      %dma_wait3A_601 = arith.constant 0 : i32
      %dma_wait3A_602 = tpu.memref_slice %arg4[%arg0, %mul3A_595, %dma_wait3A_601] : memref<2x10112x128xf32, #tpu.memory_space<hbm>> -> memref<1x632x128xf32, #tpu.memory_space<hbm>>
      %dma_wait3A_603 = tpu.memref_squeeze %dma_wait3A_602 : memref<1x632x128xf32, #tpu.memory_space<hbm>> -> memref<632x128xf32, #tpu.memory_space<hbm>>
      %dma_wait3A_604 = arith.constant 0 : i32
      %dma_wait3A_605 = tpu.memref_slice %arg14[%mul3A_593, %dma_wait3A_604] : memref<10112x128xf32, #tpu.memory_space<vmem_shared>> -> memref<632x128xf32, #tpu.memory_space<vmem_shared>>
      tpu.wait_dma2 semaphore(%run_scoped3A : memref<!tpu.dma_semaphore, #tpu.memory_space<semaphore_mem>>) src(%dma_wait3A_605 : memref<632x128xf32, #tpu.memory_space<vmem_shared>>) dst(%dma_wait3A_603 : memref<632x128xf32, #tpu.memory_space<hbm>>)
      tpu.yield
    }) : () -> ()
    return
  }
}

module attributes {stable_mosaic.version = 14 : i64} {
  func.func @_lstm_body(%arg0: i32, %arg1: memref<2x1000x128xf32, #tpu.memory_space<vmem>>, %arg2: memref<1000x128xf32, #tpu.memory_space<vmem>>, %arg3: memref<1000x128xf32, #tpu.memory_space<vmem>>, %arg4: memref<512x128xf32, #tpu.memory_space<vmem>>, %arg5: memref<512x128xf32, #tpu.memory_space<vmem>>, %arg6: memref<1x512xf32, #tpu.memory_space<vmem>>, %arg7: memref<1x512xf32, #tpu.memory_space<vmem>>, %arg8: memref<1000x128xf32, #tpu.memory_space<vmem>>, %arg9: memref<1000x128xf32, #tpu.memory_space<vmem>>) attributes {dimension_semantics = [#tpu.dimension_semantics<arbitrary>], iteration_bounds = array<i64: 10>, scalar_prefetch = 0 : i64, scratch_operands = 0 : i64, tpu.core_type = #tpu.core_type<tc>, window_params = [{transform_indices = @transform_0, window_bounds = array<i64: 2, 1000, 128>}, {transform_indices = @transform_1, window_bounds = array<i64: 1000, 128>}, {transform_indices = @transform_2, window_bounds = array<i64: 1000, 128>}, {pipeline_mode = #tpu.pipeline_mode<synchronous>, transform_indices = @transform_3, window_bounds = array<i64: 512, 128>}, {pipeline_mode = #tpu.pipeline_mode<synchronous>, transform_indices = @transform_4, window_bounds = array<i64: 512, 128>}, {pipeline_mode = #tpu.pipeline_mode<synchronous>, transform_indices = @transform_5, window_bounds = array<i64: 1, 512>}, {pipeline_mode = #tpu.pipeline_mode<synchronous>, transform_indices = @transform_6, window_bounds = array<i64: 1, 512>}, {transform_indices = @transform_7, window_bounds = array<i64: 1000, 128>}, {transform_indices = @transform_8, window_bounds = array<i64: 1000, 128>}]} {
    %get3A = arith.constant 0 : index
    %get3A_0 = arith.constant 0 : index
    %get3A_1 = arith.constant 0 : index
    %get3A_2 = vector.load %arg1[%get3A, %get3A_0, %get3A_1] : memref<2x1000x128xf32, #tpu.memory_space<vmem>>, vector<1x1000x128xf32>
    %get3A_3 = vector.shape_cast %get3A_2 : vector<1x1000x128xf32> to vector<1000x128xf32>
    %get3A_4 = arith.constant 1 : index
    %get3A_5 = arith.constant 0 : index
    %get3A_6 = arith.constant 0 : index
    %get3A_7 = vector.load %arg1[%get3A_4, %get3A_5, %get3A_6] : memref<2x1000x128xf32, #tpu.memory_space<vmem>>, vector<1x1000x128xf32>
    %get3A_8 = vector.shape_cast %get3A_7 : vector<1x1000x128xf32> to vector<1000x128xf32>
    %add3A = arith.addf %get3A_3, %get3A_8 : vector<1000x128xf32>
    %get3A_9 = arith.constant 0 : index
    %get3A_10 = arith.constant 0 : index
    %get3A_11 = vector.load %arg4[%get3A_9, %get3A_10] : memref<512x128xf32, #tpu.memory_space<vmem>>, vector<512x128xf32>
    %dot_general3A = arith.constant dense<0.000000e+00> : vector<1000x512xf32>
    %dot_general3A_12 = tpu.matmul %add3A, %get3A_11, %dot_general3A {dimension_numbers = #tpu.dot_dimension_numbers<[1], [1], [0], [0], [0, 0, 1, 0], [], []>, transpose_lhs_hint = false} : vector<1000x128xf32>, vector<512x128xf32>, vector<1000x512xf32> -> vector<1000x512xf32>
    %get3A_13 = arith.constant 0 : index
    %get3A_14 = arith.constant 0 : index
    %get3A_15 = vector.load %arg2[%get3A_13, %get3A_14] : memref<1000x128xf32, #tpu.memory_space<vmem>>, vector<1000x128xf32>
    %get3A_16 = arith.constant 0 : index
    %get3A_17 = arith.constant 0 : index
    %get3A_18 = vector.load %arg5[%get3A_16, %get3A_17] : memref<512x128xf32, #tpu.memory_space<vmem>>, vector<512x128xf32>
    %dot_general3A_19 = arith.constant dense<0.000000e+00> : vector<1000x512xf32>
    %dot_general3A_20 = tpu.matmul %get3A_15, %get3A_18, %dot_general3A_19 {dimension_numbers = #tpu.dot_dimension_numbers<[1], [1], [0], [0], [0, 0, 1, 0], [], []>, transpose_lhs_hint = false} : vector<1000x128xf32>, vector<512x128xf32>, vector<1000x512xf32> -> vector<1000x512xf32>
    %add3A_21 = arith.addf %dot_general3A_12, %dot_general3A_20 : vector<1000x512xf32>
    %get3A_22 = arith.constant 0 : index
    %get3A_23 = arith.constant 0 : index
    %get3A_24 = vector.load %arg6[%get3A_22, %get3A_23] : memref<1x512xf32, #tpu.memory_space<vmem>>, vector<1x512xf32>
    %add3A_25 = vector.broadcast %get3A_24 : vector<1x512xf32> to vector<1000x512xf32>
    %add3A_26 = arith.addf %add3A_21, %add3A_25 : vector<1000x512xf32>
    %get3A_27 = arith.constant 0 : index
    %get3A_28 = arith.constant 0 : index
    %get3A_29 = vector.load %arg7[%get3A_27, %get3A_28] : memref<1x512xf32, #tpu.memory_space<vmem>>, vector<1x512xf32>
    %add3A_30 = vector.broadcast %get3A_29 : vector<1x512xf32> to vector<1000x512xf32>
    %add3A_31 = arith.addf %add3A_26, %add3A_30 : vector<1000x512xf32>
    %slice3A = vector.extract_strided_slice %add3A_31 {offsets = [0, 0], sizes = [1000, 128], strides = [1, 1]} : vector<1000x512xf32> to vector<1000x128xf32>
    %logistic3A = arith.negf %slice3A : vector<1000x128xf32>
    %logistic3A_32 = math.exp %logistic3A : vector<1000x128xf32>
    %logistic3A_33 = arith.constant 1.000000e+00 : f32
    %logistic3A_34 = vector.broadcast %logistic3A_33 : f32 to vector<1000x128xf32>
    %logistic3A_35 = arith.addf %logistic3A_34, %logistic3A_32 : vector<1000x128xf32>
    %logistic3A_36 = arith.divf %logistic3A_34, %logistic3A_35 : vector<1000x128xf32>
    %slice3A_37 = vector.extract_strided_slice %add3A_31 {offsets = [0, 128], sizes = [1000, 128], strides = [1, 1]} : vector<1000x512xf32> to vector<1000x128xf32>
    %logistic3A_38 = arith.negf %slice3A_37 : vector<1000x128xf32>
    %logistic3A_39 = math.exp %logistic3A_38 : vector<1000x128xf32>
    %logistic3A_40 = arith.constant 1.000000e+00 : f32
    %logistic3A_41 = vector.broadcast %logistic3A_40 : f32 to vector<1000x128xf32>
    %logistic3A_42 = arith.addf %logistic3A_41, %logistic3A_39 : vector<1000x128xf32>
    %logistic3A_43 = arith.divf %logistic3A_41, %logistic3A_42 : vector<1000x128xf32>
    %slice3A_44 = vector.extract_strided_slice %add3A_31 {offsets = [0, 256], sizes = [1000, 128], strides = [1, 1]} : vector<1000x512xf32> to vector<1000x128xf32>
    %tanh3A = math.tanh %slice3A_44 : vector<1000x128xf32>
    %slice3A_45 = vector.extract_strided_slice %add3A_31 {offsets = [0, 384], sizes = [1000, 128], strides = [1, 1]} : vector<1000x512xf32> to vector<1000x128xf32>
    %logistic3A_46 = arith.negf %slice3A_45 : vector<1000x128xf32>
    %logistic3A_47 = math.exp %logistic3A_46 : vector<1000x128xf32>
    %logistic3A_48 = arith.constant 1.000000e+00 : f32
    %logistic3A_49 = vector.broadcast %logistic3A_48 : f32 to vector<1000x128xf32>
    %logistic3A_50 = arith.addf %logistic3A_49, %logistic3A_47 : vector<1000x128xf32>
    %logistic3A_51 = arith.divf %logistic3A_49, %logistic3A_50 : vector<1000x128xf32>
    %get3A_52 = arith.constant 0 : index
    %get3A_53 = arith.constant 0 : index
    %get3A_54 = vector.load %arg3[%get3A_52, %get3A_53] : memref<1000x128xf32, #tpu.memory_space<vmem>>, vector<1000x128xf32>
    %mul3A = arith.mulf %logistic3A_43, %get3A_54 : vector<1000x128xf32>
    %mul3A_55 = arith.mulf %logistic3A_36, %tanh3A : vector<1000x128xf32>
    %add3A_56 = arith.addf %mul3A, %mul3A_55 : vector<1000x128xf32>
    %swap3A = arith.constant 0 : index
    %swap3A_57 = arith.constant 0 : index
    %swap3A_58 = vector.load %arg9[%swap3A, %swap3A_57] : memref<1000x128xf32, #tpu.memory_space<vmem>>, vector<1000x128xf32>
    tpu.vector_store %arg9[%swap3A, %swap3A_57], %add3A_56 {strides = array<i32>} : memref<1000x128xf32, #tpu.memory_space<vmem>>, vector<1000x128xf32>,
    %tanh3A_59 = math.tanh %add3A_56 : vector<1000x128xf32>
    %mul3A_60 = arith.mulf %logistic3A_51, %tanh3A_59 : vector<1000x128xf32>
    %swap3A_61 = arith.constant 0 : index
    %swap3A_62 = arith.constant 0 : index
    %swap3A_63 = vector.load %arg8[%swap3A_61, %swap3A_62] : memref<1000x128xf32, #tpu.memory_space<vmem>>, vector<1000x128xf32>
    tpu.vector_store %arg8[%swap3A_61, %swap3A_62], %mul3A_60 {strides = array<i32>} : memref<1000x128xf32, #tpu.memory_space<vmem>>, vector<1000x128xf32>,
    return
  }
  func.func @transform_0(%arg0: i32) -> (i32, i32, i32) {
    %c0_i32 = arith.constant 0 : i32
    %c0_i32_0 = arith.constant 0 : i32
    %c0_i32_1 = arith.constant 0 : i32
    return %c0_i32, %arg0, %c0_i32_0 : i32, i32, i32
  }
  func.func @transform_1(%arg0: i32) -> (i32, i32) {
    %c0_i32 = arith.constant 0 : i32
    %c0_i32_0 = arith.constant 0 : i32
    return %arg0, %c0_i32 : i32, i32
  }
  func.func @transform_2(%arg0: i32) -> (i32, i32) {
    %c0_i32 = arith.constant 0 : i32
    %c0_i32_0 = arith.constant 0 : i32
    return %arg0, %c0_i32 : i32, i32
  }
  func.func @transform_3(%arg0: i32) -> (i32, i32) {
    %c0_i32 = arith.constant 0 : i32
    %c0_i32_0 = arith.constant 0 : i32
    %c0_i32_1 = arith.constant 0 : i32
    return %c0_i32, %c0_i32_0 : i32, i32
  }
  func.func @transform_4(%arg0: i32) -> (i32, i32) {
    %c0_i32 = arith.constant 0 : i32
    %c0_i32_0 = arith.constant 0 : i32
    %c0_i32_1 = arith.constant 0 : i32
    return %c0_i32, %c0_i32_0 : i32, i32
  }
  func.func @transform_5(%arg0: i32) -> (i32, i32) {
    %c0_i32 = arith.constant 0 : i32
    %c0_i32_0 = arith.constant 0 : i32
    %c0_i32_1 = arith.constant 0 : i32
    return %c0_i32, %c0_i32_0 : i32, i32
  }
  func.func @transform_6(%arg0: i32) -> (i32, i32) {
    %c0_i32 = arith.constant 0 : i32
    %c0_i32_0 = arith.constant 0 : i32
    %c0_i32_1 = arith.constant 0 : i32
    return %c0_i32, %c0_i32_0 : i32, i32
  }
  func.func @transform_7(%arg0: i32) -> (i32, i32) {
    %c0_i32 = arith.constant 0 : i32
    %c0_i32_0 = arith.constant 0 : i32
    return %arg0, %c0_i32 : i32, i32
  }
  func.func @transform_8(%arg0: i32) -> (i32, i32) {
    %c0_i32 = arith.constant 0 : i32
    %c0_i32_0 = arith.constant 0 : i32
    return %arg0, %c0_i32 : i32, i32
  }
}

</mosaic_0001>

<sc_bundles>
// kernel: kernel.4.cloned.1.call-start
scs
__scs_entry_jumppad:
0x0: {  	(pc) =	sbr.rel $0x88, $3  }
0x1: {  	(tag) =	ssettag $0x0;
	lr =	simm.s32 $0x1  }
0x2: {  	[smem:$0x3F99] =	sst lr;
	_ =	strace $0xD0000000  }
0x3: {  	_ = 	snop  }
0x4: {  	_ = 	snop  }
0x5: {  	_ = 	snop  }
0x6: {  	_ = 	snop  }
0x7: {  	_ = 	snop  }
__scs_overlays_trampoline_lowered:
0x8: {  	[smem:$0x3FA8] =	sst s0  }
0x9: {  	[smem:$0x3FA9] =	sst s1  }
0xa: {  	[smem:$0x3FAA] =	sst s2  }
0xb: {  	[smem:$0x3FAB] =	sst s3  }
0xc: {  	[smem:$0x3FAC] =	sst s4  }
0xd: {  	[smem:$0x3FAD] =	sst s5  }
0xe: {  	[smem:$0x3FAE] =	sst s6  }
0xf: {  	[smem:$0x3FAF] =	sst s7  }
0x10: {  	[smem:$0x3FB0] =	sst s8  }
0x11: {  	[smem:$0x3FB1] =	sst s9;
	s0 =	simm.s32 @!p0 $0x0  }
0x12: {  	s1 =	sld [smem:$0x3F97];
	s0 =	simm.s32 @p0 $0x1  }
0x13: {  	[smem:$0x3FB2] =	sst s0;
	s0 =	simm.s32 @!p1 $0x0  }
0x14: {  	s2 =	sld [smem:$0x3F96];
	s0 =	simm.s32 @p1 $0x1  }
0x15: {  	[smem:$0x3FB3] =	sst s0;
	s0 =	simm.s32 @!p2 $0x0  }
0x16: {  	s3 =	sld [smem:$0x3FDB];
	s0 =	simm.s32 @p2 $0x1  }
0x17: {  	s4 =	simm.s32 $0x1BF5;
	[smem:$0x3FB5] =	sst s0  }
0x18: {  	s0 =	sld [smem:$0x3F98];
	_ =	swait.ge [sflag:s4], $0x0  }
0x19: {  	s7 =	sld [smem:$0x3F99]  }
0x1a: {  	s8 =	sadd.s32 $0xFFFFE003, lr  }
0x1b: {  	s9 =	sadd.s32 $0xFFFFFEF7, lr;
	s5 =	simm.s32 $0xFFFFFFFF;
	p2 =	slt.u32 s8, $0xFFFFF086  }
0x1c: {  	p1 =	slt.u32 s9, $0xF7A;
	s5 =	simm.s32 @!p2 $0x0  }
0x1d: {  	s5 =	simm.s32 @p1 $0x1;
	p0 =	seq.s32 s7, s2  }
0x1e: {  	s7 =	smul.u32 @!p0 $0xF7A, s2;
	p2 =	seq.s32 @!p0 s5, $0x0  }
0x1f: {  	s9 =	smul.u32 $0xF7A, s1;
	s8 =	simm.s32 @!p0 $0x1BF5;
	p2 =	por !p2, p0  }
0x20: {  	[sflag:s8] =	ssyncset.s32 @!p0 $0xFFFFF086;
	s6 =	sadd.s32 @!p0 s3, s7;
	s7 =	simm.s32 @!p0 $0x108  }
0x21: {  	s3 =	sadd.s32 s3, s9;
	s6 =	sadd.s32 @!p0 $0x88, s6;
	s7 =	simm.s32 @p2 $0x1082  }
0x22: {  	[simem:s7], [sflag:s8] =	dma.local @!p0 [hbm:s6], $0xF7A  }
0x23: {  	s9 =	sor.u32 $0xD0000000, s2;
	s6 =	simm.s32 $0x108;
	_ =	swait.ge @!p0 [sflag:s8], $0x0  }
0x24: {  	s3 =	sadd.s32 $0x88, s3;
	s6 =	simm.s32 @!p1 $0x1082;
	[sflag:s4] =	ssyncset.s32 $0xFFFFF086  }
0x25: {  	[simem:s6], [sflag:s4] =	dma.local [hbm:s3], $0xF7A  }
0x26: {  	[smem:$0x3F99] =	sst s1;
	(tag) =	ssettag s2;
	_ =	strace s9  }
0x27: {  	s1 =	sld [smem:$0x3FA9]  }
0x28: {  	s2 =	sld [smem:$0x3FAA]  }
0x29: {  	s4 =	sld [smem:$0x3FAC]  }
0x2a: {  	p0 =	seq.s32 s5, $0x0;
	s5 =	sld [smem:$0x3FAD]  }
0x2b: {  	s6 =	sld [smem:$0x3FAE]  }
0x2c: {  	s7 =	sld [smem:$0x3FAF]  }
0x2d: {  	s3 =	simm.s32 $0x108;
	s8 =	sld [smem:$0x3FB0]  }
0x2e: {  	s3 =	simm.s32 @!p0 $0x1082;
	s9 =	sld [smem:$0x3FB1]  }
0x2f: {  	lr =	sadd.s32 s0, s3;
	s0 =	sld [smem:$0x3FA8]  }
0x30: {  	s3 =	sld [smem:$0x3FAB]  }
0x31: {  	[smem:$0x3FB4] =	sst s10  }
0x32: {  	s10 =	sld [smem:$0x3FB2];
	_ =	sdelay $0x3  }
0x33: {  	p0 =	seq.s32 s10, $0x1;
	s10 =	sld [smem:$0x3FB4];
	_ =	sdelay $0x3  }
0x34: {  	[smem:$0x3FB4] =	sst s10  }
0x35: {  	s10 =	sld [smem:$0x3FB3];
	_ =	sdelay $0x3  }
0x36: {  	p1 =	seq.s32 s10, $0x1;
	s10 =	sld [smem:$0x3FB4];
	_ =	sdelay $0x3  }
0x37: {  	[smem:$0x3FB4] =	sst s10  }
0x38: {  	s10 =	sld [smem:$0x3FB5]  }
0x39: {  	_ = 	snop;
	(pc) =	sbr.ind lr, $3  }
0x3a: {  	_ = 	snop  }
0x3b: {  	_ = 	snop  }
0x3c: {  	p2 =	seq.s32 s10, $0x1;
	s10 =	sld [smem:$0x3FB4]  }
0x3d: {  	_ =	shalt  }
0x3e: {  	_ =	shalt  }
0x3f: {  	_ =	shalt  }
0x40: {  	_ =	shalt  }
0x41: {  	_ =	shalt  }
0x42: {  	_ =	shalt  }
0x43: {  	_ =	shalt  }
0x44: {  	_ =	shalt  }
0x45: {  	_ =	shalt  }
0x46: {  	_ =	shalt  }
0x47: {  	_ =	shalt  }
0x48: {  	_ =	shalt  }
0x49: {  	_ =	shalt  }
0x4a: {  	_ =	shalt  }
0x4b: {  	_ =	shalt  }
0x4c: {  	_ =	shalt  }
0x4d: {  	_ =	shalt  }
0x4e: {  	_ =	shalt  }
0x4f: {  	_ =	shalt  }
0x50: {  	_ =	shalt  }
0x51: {  	_ =	shalt  }
0x52: {  	_ =	shalt  }
0x53: {  	_ =	shalt  }
0x54: {  	_ =	shalt  }
0x55: {  	_ =	shalt  }
0x56: {  	_ =	shalt  }
0x57: {  	_ =	shalt  }
0x58: {  	_ =	shalt  }
0x59: {  	_ =	shalt  }
0x5a: {  	_ =	shalt  }
0x5b: {  	_ =	shalt  }
0x5c: {  	_ =	shalt  }
0x5d: {  	_ =	shalt  }
0x5e: {  	_ =	shalt  }
0x5f: {  	_ =	shalt  }
0x60: {  	_ =	shalt  }
0x61: {  	_ =	shalt  }
0x62: {  	_ =	shalt  }
0x63: {  	_ =	shalt  }
0x64: {  	_ =	shalt  }
0x65: {  	_ =	shalt  }
0x66: {  	_ =	shalt  }
0x67: {  	_ =	shalt  }
0x68: {  	_ =	shalt  }
0x69: {  	_ =	shalt  }
0x6a: {  	_ =	shalt  }
0x6b: {  	_ =	shalt  }
0x6c: {  	_ =	shalt  }
0x6d: {  	_ =	shalt  }
0x6e: {  	_ =	shalt  }
0x6f: {  	_ =	shalt  }
0x70: {  	_ =	shalt  }
0x71: {  	_ =	shalt  }
0x72: {  	_ =	shalt  }
0x73: {  	_ =	shalt  }
0x74: {  	_ =	shalt  }
0x75: {  	_ =	shalt  }
0x76: {  	_ =	shalt  }
0x77: {  	_ =	shalt  }
0x78: {  	_ =	shalt  }
0x79: {  	_ =	shalt  }
0x7a: {  	_ =	shalt  }
0x7b: {  	_ =	shalt  }
0x7c: {  	_ =	shalt  }
0x7d: {  	_ =	shalt  }
0x7e: {  	_ =	shalt  }
0x7f: {  	_ =	shalt  }
0x80: {  	_ =	shalt  }
0x81: {  	_ =	shalt  }
0x82: {  	_ =	shalt  }
0x83: {  	_ =	shalt  }
0x84: {  	_ =	shalt  }
0x85: {  	_ =	shalt  }
0x86: {  	_ =	shalt  }
0x87: {  	_ =	shalt  }
.Lfunc_end0:
.L_simem_size_0:
called_computation_lowered:
.L_overlay_start_0:
0x88: {  	s2 =	sld [smem:$0x3FD9]  }
0x89: {  	s3 =	sld [smem:$0x3FFE];
	_ =	sdelay $0x1  }
0x8a: {  	s1 =	srdreg.scid  }
0x8b: {  	s0 =	sand.u32 $0x1, s1  }
0x8c: {  	s17 =	sshll.u32 s0, $0xA;
	s2 =	sadd.s32 s3, s2  }
0x8d: {  	s2 =	sadd.s32 s2, s17  }
0x8e: {  	[smem:$0x3FC0] =	sst s2  }
0x8f: {  	_ = 	snop  }
0x90: {  	s2 =	sld [smem:$0x3FC9]  }
0x91: {  	s18 =	sld [smem:$0x3FC8];
	(tm) =	ssettm $0x1  }
0x92: {  	s4 =	sld [smem:$0x3FFB];
	_ =	sdelay $0x3  }
0x93: {  	_ =	strace s4  }
0x94: {  	s4 =	sld [smem:$0x3FFC];
	_ =	sdelay $0x3  }
0x95: {  	_ =	strace s4  }
0x96: {  	s4 =	sld [smem:$0x3FFD];
	_ =	sdelay $0x3  }
0x97: {  	_ =	strace s4  }
0x98: {  	_ =	strace $0x8FFFFFFF  }
0x99: {  	s19 =	sld [smem:$0x3FDB];
	_ =	sdelay $0x1  }
0x9a: {  	s5 =	simm.s32 $_scs_section_size  }
0x9b: {  	s6 =	simm.s32 $_size__tile_overlayer_lowered;
	s7 =	simm.s32 $_tile_overlayer_lowered  }
0x9c: {  	s22 =	simm.s32 $0x1BFF;
	s21 =	sshll.u32 s7, $0x1;
	s4 =	sadd.s32 s5, s19  }
0x9d: {  	s8 =	simm.s32 $0x0;
	s20 =	sshll.u32 s6, $0x1;
	s6 =	sadd.s32 s21, s4  }
0x9e: {  	[timem:s8], [sflag:s22] =	dma.local [hbm:s6], s20  }
0x9f: {  	_ =	swait.ge [sflag:s22], s20  }
0xa0: {  	s5 =	ssub.s32 $0x0, s20;
	[sflag:s22] =	ssyncset.done $0x0  }
0xa1: {  	[sflag:s22] =	ssyncadd.s32 s5;
	_ =	sdelay $0x1  }
0xa2: {  	s23 =	simm.s32 $0x1B8B  }
0xa3: {  	_ =	swait.ge [sflag:s23], $0x1  }
0xa4: {  	[sflag:s23] =	ssyncset.done $0x0  }
0xa5: {  	s25 =	simm.s32 $0x1B8E;
	s24 =	sld [smem:$0x3FFE];
	[sflag:s23] =	ssyncadd.s32 $0xFFFFFFFF  }
0xa6: {  	s26 =	simm.s32 $execute0_lowered;
	[smem:$0x3FD2] =	sst s25  }
0xa7: {  	s6 =	sshll.u32 s26, $0x1;
	_ =	strace $0x80000046;
	[dreg:$0x1] =	wrdreg $0xFFFFFFFF  }
0xa8: {  	s28 =	simm.s32 $_size_execute0_lowered;
	s4 =	sadd.s32 s4, s6;
	[dreg:$0x0] =	wrdreg $0x0  }
0xa9: {  	s6 =	sshll.u32 s28, $0x1;
	[dreg:$0x2] =	wrdreg s4  }
0xaa: {  	[dreg:$0x3] =	wrdreg s6  }
0xab: {  	[dreg:$0x4] =	wrdreg $0xC0  }
0xac: {  	_ =	task [dreg:s8], $0x5FFFF  }
0xad: {  	[dreg:$0x1] =	wrdreg $0xFFFFFFFF  }
0xae: {  	[dreg:$0x0] =	wrdreg $0x60  }
0xaf: {  	[dreg:$0x2] =	wrdreg s2  }
0xb0: {  	[dreg:$0x3] =	wrdreg s18  }
0xb1: {  	[dreg:$0x4] =	wrdreg s24  }
0xb2: {  	[dreg:$0x5] =	wrdreg $0xC3000  }
0xb3: {  	[dreg:$0x6] =	wrdreg $0x9  }
0xb4: {  	_ =	task.clear_ibuf [dreg:s8], $0x7FFFF;
	_ =	strace $0x90000046  }
0xb5: {  	s29 =	simm.s32 $0x9;
	_ =	strace $0x80000048  }
0xb6: {  	_ =	swait.ge [sflag:s29], $0x1  }
0xb7: {  	[sflag:s29] =	ssyncadd.s32 $0xFFFFFFFF  }
0xb8: {  	_ =	strace $0x90000048  }
0xb9: {  	_ =	sfence  }
0xba: {  	s30 =	sld [smem:$0x0];
	_ =	sdelay $0x2  }
0xbb: {  	s31 =	sshll.u32 s1, $0xD;
	s1 =	sshrl.u32 s1, $0x2  }
0xbc: {  	s3 =	sand.u32 $0x4000, s31;
	s1 =	sadd.s32 s1, s30  }
0xbd: {  	s0 =	sor.u32 s3, s0;
	s1 =	sshll.u32 s1, $0x11  }
0xbe: {  	s0 =	sor.u32 s1, s0  }
0xbf: {  	s0 =	sadd.s32 $0x8F2B, s0  }
0xc0: {  	[sflag:s0] =	ssyncadd.remote.s32 $0x1  }
0xc1: {  	_ =	sfence.sel $0xFFFF  }
0xc2: {  	[dreg:$0x0] =	wrdreg $0xFFFFFFFF;
	(pc) =	sbr.abs _section_cstart, $3  }
0xc3: {  	[dreg:$0x1] =	wrdreg $0xFFFFFFFF  }
0xc4: {  	_ =	task.clear_ibuf [dreg:s8], $0x2FFFF;
	_ =	strace $0x9FFFFFFF  }
0xc5: {  	(tm) =	ssettm $0x7FFFFFFF  }
tec
execute0_lowered:
.L_overlay_start_1:
0x0: {  	(tag) =	ssettag $0x1  }
0x1: {  	s1 =	rddreg [dreg:$0x0]  }
0x2: {  	s0 =	rddreg [dreg:$0x1]  }
0x3: {  	s2 =	rddreg [dreg:$0x2]  }
0x4: {  	s4 =	srdreg.scid;
	s3 =	rddreg [dreg:$0x3]  }
0x5: {  	s15 =	stileid.u32;
	s28 =	simm.s32 $0x5;
	s29 =	simm.s32 $0x9  }
0x6: {  	s30 =	simm.s32 $0x6;
	s31 =	simm.s32 $0xA;
	s7 =	smul.u32 $0x13C00, s15  }
0x7: {  	s6 =	sand.u32 $0x1, s4;
	s4 =	simm.s32 $0x0;
	s8 =	smul.u32 $0x4F000, s15  }
0x8: {  	s20 =	smul.u32 $0x4E00, s15;
	s13 =	sadd.s32 $0x10, s1;
	p1 =	slt.u32 s15, $0x4  }
0x9: {  	s5 =	smul.u32 $0x13C000, s6;
	[smem:$0x7FF] =	sst s4;
	s14 =	sshll.u32 s6, $0x4  }
0xa: {  	s16 =	ssub.s32 $0x2, s6;
	s18 =	smul.u32 $0x4E000, s6;
	p0 =	seq.s32 s6, $0x0  }
0xb: {  	s6 =	smul.u32 $0x9C00, s6;
	_ =	strace $0x80000047;
	s9 =	sor.u32 s15, s14  }
0xc: {  	s17 =	sshrl.u32 s16, $0x1;
	s8 =	sshrl.u32 s8, $0x2;
	s5 =	sadd.s32 s7, s5  }
0xd: {  	p0 =	por !p0, !p1;
	s10 =	smul.u32 $0x4E00, s9;
	s5 =	sshrl.u32 s5, $0x3  }
0xe: {  	s7 =	ssub.s32 s16, s17;
	s2 =	sadd.s32 s5, s2;
	s5 =	sadd.s32 s8, s3  }
0xf: {  	s9 =	smul.u32 $0x9C0, s9;
	p0 =	por !p0, !p0;
	s11 =	sadd.s32 $0x4000, s5  }
0x10: {  	s22 =	sshrl.u32 s10, $0x3;
	s19 =	sadd.s32 $0x8000, s5;
	[dreg:$0x10] =	wrdreg s11  }
0x11: {  	s8 =	sadd.s32 s20, s18;
	s12 =	sadd.s32 $0xC000, s5;
	[dreg:$0x11] =	wrdreg s19  }
0x12: {  	s21 =	sadd.s32 $0x10000, s5;
	s10 =	sadd.s32 s1, s22;
	[dreg:$0x12] =	wrdreg s12  }
0x13: {  	s23 =	sadd.s32 s22, s13;
	s25 =	sadd.s32 $0x1000, s8;
	[dreg:$0x13] =	wrdreg s21  }
0x14: {  	s17 =	sadd.s32 $0x1080, s8;
	[dreg:$0x14] =	wrdreg s23;
	s24 =	sadd.s32 $0x30, s10  }
0x15: {  	s26 =	sadd.s32 $0x20, s10;
	s14 =	sadd.s32 $0x50, s10;
	[dreg:$0x15] =	wrdreg s24  }
0x16: {  	s11 =	sshrl.u32 s25, $0x3;
	s16 =	sadd.s32 $0x40, s10;
	[dreg:$0x16] =	wrdreg s26  }
0x17: {  	s18 =	sshrl.u32 s17, $0x3;
	s19 =	sadd.s32 $0xF00, s8;
	[dreg:$0x17] =	wrdreg s14  }
0x18: {  	s23 =	sadd.s32 $0xE00, s8;
	[dreg:$0x18] =	wrdreg s16;
	s11 =	sadd.s32 s11, s1  }
0x19: {  	s25 =	sadd.s32 $0xE80, s8;
	s26 =	sadd.s32 $0x70, s10;
	[dreg:$0x5] =	wrdreg s11  }
0x1a: {  	s12 =	sshrl.u32 s19, $0x3;
	s19 =	sadd.s32 $0x60, s10;
	[dreg:$0x19] =	wrdreg s26  }
0x1b: {  	s14 =	sadd.s32 $0xF80, s8;
	s11 =	sadd.s32 s18, s1;
	[dreg:$0x1a] =	wrdreg s19  }
0x1c: {  	s24 =	sshrl.u32 s23, $0x3;
	s20 =	sadd.s32 s12, s1;
	[dreg:$0x6] =	wrdreg s11  }
0x1d: {  	s16 =	sadd.s32 $0xD00, s8;
	s26 =	sadd.s32 $0x90, s10;
	[dreg:$0x7] =	wrdreg s20  }
0x1e: {  	s17 =	sshrl.u32 s16, $0x3;
	s16 =	sadd.s32 $0xA0, s10;
	[dreg:$0x1d] =	wrdreg s26  }
0x1f: {  	s21 =	sshrl.u32 s14, $0x3;
	s19 =	sadd.s32 $0xF0, s10;
	[smem:$0x7F3] =	sst s16  }
0x20: {  	s12 =	sshrl.u32 s25, $0x3;
	s22 =	sadd.s32 s21, s1;
	[smem:$0x7F6] =	sst s19  }
0x21: {  	s18 =	sadd.s32 $0xD80, s8;
	s11 =	sadd.s32 s24, s1;
	[dreg:$0x8] =	wrdreg s22  }
0x22: {  	s25 =	smul.u32 $0x9C0, s15;
	s14 =	sadd.s32 s12, s1;
	[dreg:$0x9] =	wrdreg s11  }
0x23: {  	s24 =	sshll.u32 s15, $0x5;
	s15 =	sadd.s32 $0xB0, s10;
	[dreg:$0xa] =	wrdreg s14  }
0x24: {  	s12 =	sshrl.u32 s18, $0x3;
	s18 =	sadd.s32 $0xC0, s10;
	[smem:$0x7F2] =	sst s15  }
0x25: {  	s9 =	sadd.s32 $0x120, s9;
	s26 =	sadd.s32 $0x9A0, s10;
	[smem:$0x7F5] =	sst s18  }
0x26: {  	s21 =	sadd.s32 $0xC80, s8;
	s11 =	sadd.s32 s17, s1;
	[smem:$0x7FD] =	sst s26  }
0x27: {  	s8 =	sadd.s32 $0xC00, s8;
	s20 =	sadd.s32 s12, s1;
	[dreg:$0xb] =	wrdreg s11  }
0x28: {  	s16 =	simm.s32 $0x200;
	s22 =	sadd.s32 s9, s13;
	[dreg:$0xc] =	wrdreg s20  }
0x29: {  	s19 =	simm.s32 $0x4300;
	s9 =	sadd.s32 s1, s9;
	[dreg:$0x1b] =	wrdreg s22  }
0x2a: {  	s23 =	sshrl.u32 s21, $0x3;
	s13 =	sadd.s32 $0x1200, s2;
	[dreg:$0x1c] =	wrdreg s9  }
0x2b: {  	s8 =	sshrl.u32 s8, $0x3;
	s14 =	smax.u32 s7, $0x1;
	[smem:$0x7F0] =	sst s13  }
0x2c: {  	s17 =	sadd.s32 $0xD0, s10;
	s21 =	sadd.s32 $0x110, s10;
	[smem:$0x7F1] =	sst s14  }
0x2d: {  	s15 =	simm.s32 $0x80;
	s18 =	simm.s32 $0x2;
	[smem:$0x7F4] =	sst s17  }
0x2e: {  	s26 =	simm.s32 $0x8;
	s9 =	sadd.s32 s23, s1;
	[smem:$0x7F8] =	sst s21  }
0x2f: {  	s2 =	simm.s32 $0xC;
	s8 =	sadd.s32 s8, s1;
	[dreg:$0xd] =	wrdreg s9  }
0x30: {  	s20 =	sadd.s32 $0xE0, s10;
	s22 =	sadd.s32 $0x100, s10;
	[dreg:$0xe] =	wrdreg s8  }
0x31: {  	s23 =	sadd.s32 $0x150, s10;
	s13 =	simm.s32 $0xD;
	[smem:$0x7F7] =	sst s20  }
0x32: {  	s14 =	simm.s32 $0x180;
	s17 =	simm.s32 $0x1;
	[smem:$0x7F9] =	sst s22  }
0x33: {  	s9 =	sadd.s32 s24, s1;
	s8 =	sadd.s32 $0x80, s10;
	[smem:$0x7FA] =	sst s23  }
0x34: {  	s1 =	sadd.s32 s6, s1;
	s24 =	sadd.s32 $0x140, s10;
	[dreg:$0x1e] =	wrdreg s8  }
0x35: {  	s21 =	simm.s32 $0x3;
	s1 =	sadd.s32 s25, s1;
	[smem:$0x7FB] =	sst s24  }
0x36: {  	s20 =	simm.s32 $0x100;
	s11 =	sadd.s32 $0x13810, s9;
	[dreg:$0xf] =	wrdreg s1  }
0x37: {  	s22 =	simm.s32 $0x280;
	s12 =	sadd.s32 $0x13800, s9;
	[dreg:$0x1f] =	wrdreg s11  }
0x38: {  	s23 =	simm.s32 $0x8300;
	s25 =	sadd.s32 $0x170, s10;
	[smem:$0x7EF] =	sst s12  }
0x39: {  	s6 =	simm.s32 $0x0;
	s24 =	simm.s32 $0x7;
	[smem:$0x7FC] =	sst s25  }
0x3a: {  	v0 =	vimm.f32 $0.0e+00;
	s12 =	simm.s32 $0x300;
	s25 =	simm.s32 $0x4;
	s1 =	simm.s32 $0xB  }
.LBB2_1:
0x3b: {  	s7 =	simm.s32 $0x0;
	s8 =	simm.s32 $0x200  }
.LBB2_2:
0x3c: {  	p1 =	sne.s32 s8, $0xFE00;
	[tilespmem:s7+$0x370] =	vst v0  }
0x3d: {  	[tilespmem:s7+$0x300] =	vst v0  }
0x3e: {  	[tilespmem:s7+$0x310] =	vst v0  }
.Ltmp0:
0x3f: {  	[tilespmem:s7+$0x320] =	vst v0;
	(pc) =	sbr.rel @p1 .LBB2_2-.Ltmp0, $4  }
0x40: {  	[tilespmem:s7+$0x330] =	vst v0  }
0x41: {  	[tilespmem:s7+$0x340] =	vst v0  }
0x42: {  	[tilespmem:s7+$0x350] =	vst v0  }
0x43: {  	[tilespmem:s7+$0x360] =	vst v0;
	s7 =	sshra.s32 s8, $0x2;
	s8 =	sadd.s32 $0x200, s8  }
0x44: {  	[tilespmem:s7+$0x370] =	vst v0  }
0x45: {  	[tilespmem:s7+$0x300] =	vst v0  }
0x46: {  	[tilespmem:s7+$0x310] =	vst v0  }
0x47: {  	[tilespmem:s7+$0x320] =	vst v0  }
0x48: {  	[tilespmem:s7+$0x330] =	vst v0  }
0x49: {  	[tilespmem:s7+$0x340] =	vst v0  }
0x4a: {  	[tilespmem:s7+$0x350] =	vst v0  }
0x4b: {  	[tilespmem:s7+$0x360] =	vst v0  }
0x4c: {  	[spmem:s5] =	stream.linear.scatter [tilespmem:s12], [sflag:$0xD], $0x4000, $0x38;
	[tilespmem:$0x1FF00] =	vst v63  }
0x4d: {  	_ =	swait.ge [sflag:s13], $0x4000  }
0x4e: {  	[sflag:s13] =	ssyncset.done $0x0  }
0x4f: {  	s9 =	rddreg [dreg:$0x10];
	[sflag:s13] =	ssyncadd.s32 $0xFFFFC000  }
0x50: {  	[spmem:s9] =	stream.linear.scatter [tilespmem:s12], [sflag:$0xD], $0x4000, $0x38;
	[tilespmem:$0x1FF00] =	vst v63  }
0x51: {  	_ =	swait.ge [sflag:s13], $0x4000  }
0x52: {  	[sflag:s13] =	ssyncset.done $0x0  }
0x53: {  	s11 =	rddreg [dreg:$0x11];
	[sflag:s13] =	ssyncadd.s32 $0xFFFFC000  }
0x54: {  	[spmem:s11] =	stream.linear.scatter [tilespmem:s12], [sflag:$0xD], $0x4000, $0x38;
	[tilespmem:$0x1FF00] =	vst v63  }
0x55: {  	_ =	swait.ge [sflag:s13], $0x4000  }
0x56: {  	[sflag:s13] =	ssyncset.done $0x0  }
0x57: {  	s8 =	rddreg [dreg:$0x12];
	[sflag:s13] =	ssyncadd.s32 $0xFFFFC000  }
0x58: {  	[spmem:s8] =	stream.linear.scatter [tilespmem:s12], [sflag:$0xD], $0x4000, $0x38;
	[tilespmem:$0x1FF00] =	vst v63  }
0x59: {  	_ =	swait.ge [sflag:s13], $0x4000  }
0x5a: {  	[sflag:s13] =	ssyncset.done $0x0  }
0x5b: {  	s9 =	rddreg [dreg:$0x13];
	[sflag:s13] =	ssyncadd.s32 $0xFFFFC000  }
0x5c: {  	[spmem:s9] =	stream.linear.scatter [tilespmem:s12], [sflag:$0xD], $0x3C00, $0x38;
	[tilespmem:$0x1FF00] =	vst v63  }
0x5d: {  	_ =	swait.ge [sflag:s13], $0x3C00  }
0x5e: {  	[sflag:s13] =	ssyncset.done $0x0  }
0x5f: {  	[sflag:s13] =	ssyncadd.s32 $0xFFFFC400  }
0x60: {  	[bflag:$0x0] =	sbarrier.arrive $0xFFFF  }
0x61: {  	s7 =	simm.s32 $0x0;
	s8 =	rddreg [dreg:$0x14]  }
0x62: {  	[tilespmem:s7], [sflag:$0x1] =	stream.linear.gather [hbm4b:s8+s7], $0x80, $0x38;
	[tilespmem:$0x1FF00] =	vst v63  }
0x63: {  	_ = 	snop  }
0x64: {  	[tilespmem:s14], [sflag:$0x4] =	stream.linear.gather [hbm4b:s10+s7], $0x80, $0x38;
	[tilespmem:$0x1FF00] =	vst v63  }
0x65: {  	s11 =	rddreg [dreg:$0x15]  }
0x66: {  	[tilespmem:s15], [sflag:$0x2] =	stream.linear.gather [hbm4b:s11+s7], $0x80, $0x38;
	[tilespmem:$0x1FF00] =	vst v63  }
0x67: {  	s9 =	rddreg [dreg:$0x16]  }
0x68: {  	[tilespmem:s16], [sflag:$0x5] =	stream.linear.gather [hbm4b:s9+s7], $0x80, $0x38;
	[tilespmem:$0x1FF00] =	vst v63  }
0x69: {  	_ =	swait.ge [sflag:s17], $0x80  }
0x6a: {  	[sflag:s17] =	ssyncset.done $0x0  }
0x6b: {  	[sflag:s17] =	ssyncadd.s32 $0xFFFFFF80  }
0x6c: {  	[tilespmem:s12], [sflag:$0x7] =	stream.indirect.gather [hbm4b:s0+s15], $0x80, s7, s15, $0xb8;
	[tilespmem:$0x1FF00] =	vst v63  }
0x6d: {  	_ =	swait.ge [sflag:s18], $0x80  }
0x6e: {  	[sflag:s18] =	ssyncset.done $0x0  }
0x6f: {  	[sflag:s18] =	ssyncadd.s32 $0xFFFFFF80  }
0x70: {  	[tilespmem:s19], [sflag:$0x8] =	stream.indirect.gather [hbm4b:s0+s15], $0x80, s15, s15, $0xb8;
	[tilespmem:$0x1FF00] =	vst v63  }
0x71: {  	s11 =	rddreg [dreg:$0x17]  }
0x72: {  	[tilespmem:s20], [sflag:$0x3] =	stream.linear.gather [hbm4b:s11+s7], $0x80, $0x38;
	[tilespmem:$0x1FF00] =	vst v63  }
0x73: {  	_ =	swait.ge [sflag:s21], $0x80  }
0x74: {  	[sflag:s21] =	ssyncset.done $0x0  }
0x75: {  	s9 =	rddreg [dreg:$0x18];
	[sflag:s21] =	ssyncadd.s32 $0xFFFFFF80  }
0x76: {  	[tilespmem:s22], [sflag:$0x6] =	stream.linear.gather [hbm4b:s9+s7], $0x80, $0x38;
	[tilespmem:$0x1FF00] =	vst v63  }
0x77: {  	_ = 	snop  }
0x78: {  	[tilespmem:s23], [sflag:$0x9] =	stream.indirect.gather [hbm4b:s0+s15], $0x80, s20, s15, $0xb8;
	[tilespmem:$0x1FF00] =	vst v63  }
0x79: {  	_ =	swait.ge [sflag:s24], $0x4000  }
0x7a: {  	[sflag:s24] =	ssyncset.done $0x0  }
0x7b: {  	[sflag:s24] =	ssyncadd.s32 $0xFFFFC000  }
0x7c: {  	_ =	swait.ge [sflag:s25], $0x80  }
0x7d: {  	[sflag:s25] =	ssyncset.done $0x0  }
0x7e: {  	[sflag:s25] =	ssyncadd.s32 $0xFFFFFF80  }
0x7f: {  	[spmem:s3] =	stream.indirect.scatter.add.f32 [tilespmem:s12], [sflag:$0xD], $0x80, s14, s15, $0xb8;
	[tilespmem:$0x1FF00] =	vst v63  }
0x80: {  	_ =	swait.ge [sflag:s13], $0x4000  }
0x81: {  	[sflag:s13] =	ssyncset.done $0x0  }
0x82: {  	s11 =	rddreg [dreg:$0x19];
	[sflag:s13] =	ssyncadd.s32 $0xFFFFC000  }
0x83: {  	[tilespmem:s7], [sflag:$0x1] =	stream.linear.gather [hbm4b:s11+s7], $0x80, $0x38;
	[tilespmem:$0x1FF00] =	vst v63  }
0x84: {  	_ =	swait.ge [sflag:s17], $0x80  }
0x85: {  	[sflag:s17] =	ssyncset.done $0x0  }
0x86: {  	s9 =	rddreg [dreg:$0x1a];
	[sflag:s17] =	ssyncadd.s32 $0xFFFFFF80  }
0x87: {  	[tilespmem:s14], [sflag:$0x4] =	stream.linear.gather [hbm4b:s9+s7], $0x80, $0x38;
	[tilespmem:$0x1FF00] =	vst v63  }
0x88: {  	_ = 	snop  }
0x89: {  	[tilespmem:s12], [sflag:$0x7] =	stream.indirect.gather [hbm4b:s0+s15], $0x80, s7, s15, $0xb8;
	[tilespmem:$0x1FF00] =	vst v63  }
0x8a: {  	_ =	swait.ge [sflag:s26], $0x4000  }
0x8b: {  	[sflag:s26] =	ssyncset.done $0x0  }
0x8c: {  	[sflag:s26] =	ssyncadd.s32 $0xFFFFC000  }
0x8d: {  	_ =	swait.ge [sflag:s28], $0x80  }
0x8e: {  	[sflag:s28] =	ssyncset.done $0x0  }
0x8f: {  	[sflag:s28] =	ssyncadd.s32 $0xFFFFFF80  }
0x90: {  	[spmem:s3] =	stream.indirect.scatter.add.f32 [tilespmem:s19], [sflag:$0xD], $0x80, s16, s15, $0xb8;
	[tilespmem:$0x1FF00] =	vst v63  }
0x91: {  	_ =	swait.ge [sflag:s13], $0x4000  }
0x92: {  	[sflag:s13] =	ssyncset.done $0x0  }
0x93: {  	s11 =	rddreg [dreg:$0x1d];
	[sflag:s13] =	ssyncadd.s32 $0xFFFFC000  }
0x94: {  	[tilespmem:s15], [sflag:$0x2] =	stream.linear.gather [hbm4b:s11+s7], $0x80, $0x38;
	[tilespmem:$0x1FF00] =	vst v63  }
0x95: {  	_ =	swait.ge [sflag:s18], $0x80  }
0x96: {  	[sflag:s18] =	ssyncset.done $0x0  }
0x97: {  	s9 =	rddreg [dreg:$0x1e];
	[sflag:s18] =	ssyncadd.s32 $0xFFFFFF80  }
0x98: {  	[tilespmem:s16], [sflag:$0x5] =	stream.linear.gather [hbm4b:s9+s7], $0x80, $0x38;
	[tilespmem:$0x1FF00] =	vst v63  }
0x99: {  	_ = 	snop  }
0x9a: {  	[tilespmem:s19], [sflag:$0x8] =	stream.indirect.gather [hbm4b:s0+s15], $0x80, s15, s15, $0xb8;
	[tilespmem:$0x1FF00] =	vst v63  }
0x9b: {  	_ =	swait.ge [sflag:s29], $0x4000  }
0x9c: {  	[sflag:s29] =	ssyncset.done $0x0  }
0x9d: {  	[sflag:s29] =	ssyncadd.s32 $0xFFFFC000  }
0x9e: {  	_ =	swait.ge [sflag:s30], $0x80  }
0x9f: {  	[sflag:s30] =	ssyncset.done $0x0  }
0xa0: {  	[sflag:s30] =	ssyncadd.s32 $0xFFFFFF80  }
0xa1: {  	[spmem:s3] =	stream.indirect.scatter.add.f32 [tilespmem:s23], [sflag:$0xD], $0x80, s22, s15, $0xb8;
	[tilespmem:$0x1FF00] =	vst v63  }
0xa2: {  	_ =	swait.ge [sflag:s13], $0x4000  }
0xa3: {  	s11 =	sld [smem:$0x7F2]  }
0xa4: {  	[sflag:s13] =	ssyncset.done $0x0  }
0xa5: {  	[sflag:s13] =	ssyncadd.s32 $0xFFFFC000  }
0xa6: {  	[tilespmem:s20], [sflag:$0x3] =	stream.linear.gather [hbm4b:s11+s7], $0x80, $0x38;
	[tilespmem:$0x1FF00] =	vst v63  }
0xa7: {  	_ =	swait.ge [sflag:s21], $0x80  }
0xa8: {  	s9 =	sld [smem:$0x7F3]  }
0xa9: {  	[sflag:s21] =	ssyncset.done $0x0  }
0xaa: {  	[sflag:s21] =	ssyncadd.s32 $0xFFFFFF80  }
0xab: {  	[tilespmem:s22], [sflag:$0x6] =	stream.linear.gather [hbm4b:s9+s7], $0x80, $0x38;
	[tilespmem:$0x1FF00] =	vst v63  }
0xac: {  	_ = 	snop  }
0xad: {  	[tilespmem:s23], [sflag:$0x9] =	stream.indirect.gather [hbm4b:s0+s15], $0x80, s20, s15, $0xb8;
	[tilespmem:$0x1FF00] =	vst v63  }
0xae: {  	_ =	swait.ge [sflag:s24], $0x4000  }
0xaf: {  	[sflag:s24] =	ssyncset.done $0x0  }
0xb0: {  	[sflag:s24] =	ssyncadd.s32 $0xFFFFC000  }
0xb1: {  	_ =	swait.ge [sflag:s25], $0x80  }
0xb2: {  	[sflag:s25] =	ssyncset.done $0x0  }
0xb3: {  	s11 =	sld [smem:$0x7F4];
	[sflag:s25] =	ssyncadd.s32 $0xFFFFFF80  }
0xb4: {  	[spmem:s3] =	stream.indirect.scatter.add.f32 [tilespmem:s12], [sflag:$0xA], $0x80, s14, s15, $0xb8;
	[tilespmem:$0x1FF00] =	vst v63  }
0xb5: {  	_ = 	snop  }
0xb6: {  	[tilespmem:s7], [sflag:$0x1] =	stream.linear.gather [hbm4b:s11+s7], $0x80, $0x38;
	[tilespmem:$0x1FF00] =	vst v63  }
0xb7: {  	_ =	swait.ge [sflag:s17], $0x80  }
0xb8: {  	[sflag:s17] =	ssyncset.done $0x0  }
0xb9: {  	[sflag:s17] =	ssyncadd.s32 $0xFFFFFF80  }
0xba: {  	_ =	swait.ge [sflag:s31], $0x4000  }
0xbb: {  	s9 =	sld [smem:$0x7F5]  }
0xbc: {  	[sflag:s31] =	ssyncset.done $0x0  }
0xbd: {  	[sflag:s31] =	ssyncadd.s32 $0xFFFFC000  }
0xbe: {  	[tilespmem:s14], [sflag:$0x4] =	stream.linear.gather [hbm4b:s9+s7], $0x80, $0x38;
	[tilespmem:$0x1FF00] =	vst v63  }
0xbf: {  	_ = 	snop  }
0xc0: {  	[tilespmem:s12], [sflag:$0x7] =	stream.indirect.gather [hbm4b:s0+s15], $0x80, s7, s15, $0xb8;
	[tilespmem:$0x1FF00] =	vst v63  }
0xc1: {  	_ =	swait.ge [sflag:s26], $0x4000  }
0xc2: {  	[sflag:s26] =	ssyncset.done $0x0  }
0xc3: {  	[sflag:s26] =	ssyncadd.s32 $0xFFFFC000  }
0xc4: {  	_ =	swait.ge [sflag:s28], $0x80  }
0xc5: {  	[sflag:s28] =	ssyncset.done $0x0  }
0xc6: {  	s11 =	sld [smem:$0x7F6];
	[sflag:s28] =	ssyncadd.s32 $0xFFFFFF80  }
0xc7: {  	[spmem:s3] =	stream.indirect.scatter.add.f32 [tilespmem:s19], [sflag:$0xB], $0x80, s16, s15, $0xb8;
	[tilespmem:$0x1FF00] =	vst v63  }
0xc8: {  	_ = 	snop  }
0xc9: {  	[tilespmem:s15], [sflag:$0x2] =	stream.linear.gather [hbm4b:s11+s7], $0x80, $0x38;
	[tilespmem:$0x1FF00] =	vst v63  }
0xca: {  	_ =	swait.ge [sflag:s18], $0x80  }
0xcb: {  	[sflag:s18] =	ssyncset.done $0x0  }
0xcc: {  	[sflag:s18] =	ssyncadd.s32 $0xFFFFFF80  }
0xcd: {  	_ =	swait.ge [sflag:s1], $0x4000  }
0xce: {  	s9 =	sld [smem:$0x7F7]  }
0xcf: {  	[sflag:s1] =	ssyncset.done $0x0  }
0xd0: {  	[sflag:s1] =	ssyncadd.s32 $0xFFFFC000  }
0xd1: {  	[tilespmem:s16], [sflag:$0x5] =	stream.linear.gather [hbm4b:s9+s7], $0x80, $0x38;
	[tilespmem:$0x1FF00] =	vst v63  }
0xd2: {  	_ = 	snop  }
0xd3: {  	[tilespmem:s19], [sflag:$0x8] =	stream.indirect.gather [hbm4b:s0+s15], $0x80, s15, s15, $0xb8;
	[tilespmem:$0x1FF00] =	vst v63  }
0xd4: {  	_ =	swait.ge [sflag:s29], $0x4000  }
0xd5: {  	[sflag:s29] =	ssyncset.done $0x0  }
0xd6: {  	[sflag:s29] =	ssyncadd.s32 $0xFFFFC000  }
0xd7: {  	_ =	swait.ge [sflag:s30], $0x80  }
0xd8: {  	[sflag:s30] =	ssyncset.done $0x0  }
0xd9: {  	s11 =	sld [smem:$0x7F8];
	[sflag:s30] =	ssyncadd.s32 $0xFFFFFF80  }
0xda: {  	[spmem:s3] =	stream.indirect.scatter.add.f32 [tilespmem:s23], [sflag:$0xC], $0x80, s22, s15, $0xb8;
	[tilespmem:$0x1FF00] =	vst v63  }
0xdb: {  	_ = 	snop  }
0xdc: {  	[tilespmem:s20], [sflag:$0x3] =	stream.linear.gather [hbm4b:s11+s7], $0x80, $0x38;
	[tilespmem:$0x1FF00] =	vst v63  }
0xdd: {  	_ =	swait.ge [sflag:s21], $0x80  }
0xde: {  	[sflag:s21] =	ssyncset.done $0x0  }
0xdf: {  	[sflag:s21] =	ssyncadd.s32 $0xFFFFFF80  }
0xe0: {  	_ =	swait.ge [sflag:s2], $0x4000  }
0xe1: {  	s9 =	sld [smem:$0x7F9]  }
0xe2: {  	[sflag:s2] =	ssyncset.done $0x0  }
0xe3: {  	[sflag:s2] =	ssyncadd.s32 $0xFFFFC000  }
0xe4: {  	[tilespmem:s22], [sflag:$0x6] =	stream.linear.gather [hbm4b:s9+s7], $0x80, $0x38;
	[tilespmem:$0x1FF00] =	vst v63  }
0xe5: {  	_ = 	snop  }
0xe6: {  	[tilespmem:s23], [sflag:$0x9] =	stream.indirect.gather [hbm4b:s0+s15], $0x80, s20, s15, $0xb8;
	[tilespmem:$0x1FF00] =	vst v63  }
0xe7: {  	_ =	swait.ge [sflag:s24], $0x4000  }
0xe8: {  	[sflag:s24] =	ssyncset.done $0x0  }
0xe9: {  	[sflag:s24] =	ssyncadd.s32 $0xFFFFC000  }
0xea: {  	_ =	swait.ge [sflag:s25], $0x80  }
0xeb: {  	[sflag:s25] =	ssyncset.done $0x0  }
0xec: {  	[sflag:s25] =	ssyncadd.s32 $0xFFFFFF80  }
0xed: {  	[spmem:s3] =	stream.indirect.scatter.add.f32 [tilespmem:s12], [sflag:$0xA], $0x80, s14, s15, $0xb8;
	[tilespmem:$0x1FF00] =	vst v63  }
0xee: {  	s11 =	rddreg [dreg:$0x1b]  }
0xef: {  	[tilespmem:s7], [sflag:$0x1] =	stream.linear.gather [hbm4b:s11+s7], $0x80, $0x38;
	[tilespmem:$0x1FF00] =	vst v63  }
0xf0: {  	_ =	swait.ge [sflag:s17], $0x80  }
0xf1: {  	[sflag:s17] =	ssyncset.done $0x0  }
0xf2: {  	[sflag:s17] =	ssyncadd.s32 $0xFFFFFF80  }
0xf3: {  	_ =	swait.ge [sflag:s31], $0x4000  }
0xf4: {  	[sflag:s31] =	ssyncset.done $0x0  }
0xf5: {  	s9 =	rddreg [dreg:$0x1c];
	[sflag:s31] =	ssyncadd.s32 $0xFFFFC000  }
0xf6: {  	[tilespmem:s14], [sflag:$0x4] =	stream.linear.gather [hbm4b:s9+s7], $0x80, $0x38;
	[tilespmem:$0x1FF00] =	vst v63  }
0xf7: {  	_ = 	snop  }
0xf8: {  	[tilespmem:s12], [sflag:$0x7] =	stream.indirect.gather [hbm4b:s0+s15], $0x80, s7, s15, $0xb8;
	[tilespmem:$0x1FF00] =	vst v63  }
0xf9: {  	_ =	swait.ge [sflag:s26], $0x4000  }
0xfa: {  	[sflag:s26] =	ssyncset.done $0x0  }
0xfb: {  	[sflag:s26] =	ssyncadd.s32 $0xFFFFC000  }
0xfc: {  	_ =	swait.ge [sflag:s28], $0x80  }
0xfd: {  	[sflag:s28] =	ssyncset.done $0x0  }
0xfe: {  	s11 =	sld [smem:$0x7FA];
	[sflag:s28] =	ssyncadd.s32 $0xFFFFFF80  }
0xff: {  	[spmem:s3] =	stream.indirect.scatter.add.f32 [tilespmem:s19], [sflag:$0xB], $0x80, s16, s15, $0xb8;
	[tilespmem:$0x1FF00] =	vst v63  }
0x100: {  	_ = 	snop  }
0x101: {  	[tilespmem:s15], [sflag:$0x2] =	stream.linear.gather [hbm4b:s11+s7], $0x80, $0x38;
	[tilespmem:$0x1FF00] =	vst v63  }
0x102: {  	_ =	swait.ge [sflag:s18], $0x80  }
0x103: {  	[sflag:s18] =	ssyncset.done $0x0  }
0x104: {  	[sflag:s18] =	ssyncadd.s32 $0xFFFFFF80  }
0x105: {  	_ =	swait.ge [sflag:s1], $0x4000  }
0x106: {  	s9 =	sld [smem:$0x7FB]  }
0x107: {  	[sflag:s1] =	ssyncset.done $0x0  }
0x108: {  	[sflag:s1] =	ssyncadd.s32 $0xFFFFC000  }
0x109: {  	[tilespmem:s16], [sflag:$0x5] =	stream.linear.gather [hbm4b:s9+s7], $0x80, $0x38;
	[tilespmem:$0x1FF00] =	vst v63  }
0x10a: {  	_ = 	snop  }
0x10b: {  	[tilespmem:s19], [sflag:$0x8] =	stream.indirect.gather [hbm4b:s0+s15], $0x80, s15, s15, $0xb8;
	[tilespmem:$0x1FF00] =	vst v63  }
0x10c: {  	_ =	swait.ge [sflag:s29], $0x4000  }
0x10d: {  	[sflag:s29] =	ssyncset.done $0x0  }
0x10e: {  	[sflag:s29] =	ssyncadd.s32 $0xFFFFC000  }
0x10f: {  	_ =	swait.ge [sflag:s30], $0x80  }
0x110: {  	[sflag:s30] =	ssyncset.done $0x0  }
0x111: {  	s11 =	sld [smem:$0x7FC];
	[sflag:s30] =	ssyncadd.s32 $0xFFFFFF80  }
0x112: {  	[spmem:s3] =	stream.indirect.scatter.add.f32 [tilespmem:s23], [sflag:$0xC], $0x80, s22, s15, $0xb8;
	[tilespmem:$0x1FF00] =	vst v63  }
0x113: {  	_ = 	snop  }
0x114: {  	[tilespmem:s20], [sflag:$0x3] =	stream.linear.gather [hbm4b:s11+s7], $0x80, $0x38;
	[tilespmem:$0x1FF00] =	vst v63  }
0x115: {  	_ =	swait.ge [sflag:s21], $0x80  }
0x116: {  	[sflag:s21] =	ssyncset.done $0x0  }
0x117: {  	[sflag:s21] =	ssyncadd.s32 $0xFFFFFF80  }
0x118: {  	_ =	swait.ge [sflag:s2], $0x4000  }
0x119: {  	s8 =	rddreg [dreg:$0xf]  }
0x11a: {  	[sflag:s2] =	ssyncset.done $0x0;
	s8 =	sadd.s32 $0x0, s8  }
0x11b: {  	[sflag:s2] =	ssyncadd.s32 $0xFFFFC000;
	s7 =	sadd.s32 $0x160, s8  }
0x11c: {  	[tilespmem:s22], [sflag:$0x6] =	stream.linear.gather [hbm4b:s7+s4], $0x80, $0x38;
	[tilespmem:$0x1FF00] =	vst v63  }
0x11d: {  	_ = 	snop  }
0x11e: {  	[tilespmem:s23], [sflag:$0x9] =	stream.indirect.gather [hbm4b:s0+s15], $0x80, s20, s15, $0xb8;
	[tilespmem:$0x1FF00] =	vst v63  }
0x11f: {  	_ =	swait.ge [sflag:s24], $0x4000  }
0x120: {  	[sflag:s24] =	ssyncset.done $0x0  }
0x121: {  	[sflag:s24] =	ssyncadd.s32 $0xFFFFC000  }
0x122: {  	_ =	swait.ge [sflag:s25], $0x80  }
0x123: {  	[sflag:s25] =	ssyncset.done $0x0  }
0x124: {  	s9 =	rddreg [dreg:$0xd];
	[sflag:s25] =	ssyncadd.s32 $0xFFFFFF80  }
0x125: {  	[spmem:s3] =	stream.indirect.scatter.add.f32 [tilespmem:s12], [sflag:$0xA], $0x80, s14, s15, $0xb8;
	[tilespmem:$0x1FF00] =	vst v63  }
0x126: {  	s7 =	sadd.s32 $0x0, s9  }
0x127: {  	[tilespmem:s4], [sflag:$0x1] =	stream.linear.gather [hbm4b:s7+s4], $0x80, $0x38;
	[tilespmem:$0x1FF00] =	vst v63  }
0x128: {  	_ =	swait.ge [sflag:s17], $0x80  }
0x129: {  	[sflag:s17] =	ssyncset.done $0x0  }
0x12a: {  	[sflag:s17] =	ssyncadd.s32 $0xFFFFFF80  }
0x12b: {  	_ =	swait.ge [sflag:s31], $0x4000  }
0x12c: {  	s11 =	rddreg [dreg:$0xe];
	[sflag:s31] =	ssyncset.done $0x0  }
0x12d: {  	[sflag:s31] =	ssyncadd.s32 $0xFFFFC000;
	s7 =	sadd.s32 $0x0, s11  }
0x12e: {  	[tilespmem:s14], [sflag:$0x4] =	stream.linear.gather [hbm4b:s7+s4], $0x80, $0x38;
	[tilespmem:$0x1FF00] =	vst v63  }
0x12f: {  	_ = 	snop  }
0x130: {  	[tilespmem:s12], [sflag:$0x7] =	stream.indirect.gather [hbm4b:s0+s15], $0x80, s4, s15, $0xb8;
	[tilespmem:$0x1FF00] =	vst v63  }
0x131: {  	_ =	swait.ge [sflag:s26], $0x4000  }
0x132: {  	[sflag:s26] =	ssyncset.done $0x0  }
0x133: {  	[sflag:s26] =	ssyncadd.s32 $0xFFFFC000  }
0x134: {  	_ =	swait.ge [sflag:s28], $0x80  }
0x135: {  	[sflag:s28] =	ssyncset.done $0x0  }
0x136: {  	s9 =	rddreg [dreg:$0xc];
	[sflag:s28] =	ssyncadd.s32 $0xFFFFFF80  }
0x137: {  	[spmem:s3] =	stream.indirect.scatter.add.f32 [tilespmem:s19], [sflag:$0xB], $0x80, s16, s15, $0xb8;
	[tilespmem:$0x1FF00] =	vst v63  }
0x138: {  	s7 =	sadd.s32 $0x0, s9  }
0x139: {  	[tilespmem:s15], [sflag:$0x2] =	stream.linear.gather [hbm4b:s7+s4], $0x80, $0x38;
	[tilespmem:$0x1FF00] =	vst v63  }
0x13a: {  	_ =	swait.ge [sflag:s18], $0x80  }
0x13b: {  	[sflag:s18] =	ssyncset.done $0x0  }
0x13c: {  	[sflag:s18] =	ssyncadd.s32 $0xFFFFFF80  }
0x13d: {  	_ =	swait.ge [sflag:s1], $0x4000  }
0x13e: {  	s11 =	rddreg [dreg:$0xb];
	[sflag:s1] =	ssyncset.done $0x0  }
0x13f: {  	[sflag:s1] =	ssyncadd.s32 $0xFFFFC000;
	s7 =	sadd.s32 $0x0, s11  }
0x140: {  	[tilespmem:s16], [sflag:$0x5] =	stream.linear.gather [hbm4b:s7+s4], $0x80, $0x38;
	[tilespmem:$0x1FF00] =	vst v63  }
0x141: {  	_ = 	snop  }
0x142: {  	[tilespmem:s19], [sflag:$0x8] =	stream.indirect.gather [hbm4b:s0+s15], $0x80, s15, s15, $0xb8;
	[tilespmem:$0x1FF00] =	vst v63  }
0x143: {  	_ =	swait.ge [sflag:s29], $0x4000  }
0x144: {  	[sflag:s29] =	ssyncset.done $0x0  }
0x145: {  	[sflag:s29] =	ssyncadd.s32 $0xFFFFC000  }
0x146: {  	_ =	swait.ge [sflag:s30], $0x80  }
0x147: {  	[sflag:s30] =	ssyncset.done $0x0  }
0x148: {  	s9 =	rddreg [dreg:$0xa];
	[sflag:s30] =	ssyncadd.s32 $0xFFFFFF80  }
0x149: {  	[spmem:s3] =	stream.indirect.scatter.add.f32 [tilespmem:s23], [sflag:$0xC], $0x80, s22, s15, $0xb8;
	[tilespmem:$0x1FF00] =	vst v63  }
0x14a: {  	s7 =	sadd.s32 $0x0, s9  }
0x14b: {  	[tilespmem:s20], [sflag:$0x3] =	stream.linear.gather [hbm4b:s7+s4], $0x80, $0x38;
	[tilespmem:$0x1FF00] =	vst v63  }
0x14c: {  	_ =	swait.ge [sflag:s21], $0x80  }
0x14d: {  	[sflag:s21] =	ssyncset.done $0x0  }
0x14e: {  	[sflag:s21] =	ssyncadd.s32 $0xFFFFFF80  }
0x14f: {  	_ =	swait.ge [sflag:s2], $0x4000  }
0x150: {  	s11 =	rddreg [dreg:$0x9];
	[sflag:s2] =	ssyncset.done $0x0  }
0x151: {  	[sflag:s2] =	ssyncadd.s32 $0xFFFFC000;
	s7 =	sadd.s32 $0x0, s11  }
0x152: {  	[tilespmem:s22], [sflag:$0x6] =	stream.linear.gather [hbm4b:s7+s4], $0x80, $0x38;
	[tilespmem:$0x1FF00] =	vst v63  }
0x153: {  	_ = 	snop  }
0x154: {  	[tilespmem:s23], [sflag:$0x9] =	stream.indirect.gather [hbm4b:s0+s15], $0x80, s20, s15, $0xb8;
	[tilespmem:$0x1FF00] =	vst v63  }
0x155: {  	_ =	swait.ge [sflag:s24], $0x4000  }
0x156: {  	[sflag:s24] =	ssyncset.done $0x0  }
0x157: {  	[sflag:s24] =	ssyncadd.s32 $0xFFFFC000  }
0x158: {  	_ =	swait.ge [sflag:s25], $0x80  }
0x159: {  	[sflag:s25] =	ssyncset.done $0x0  }
0x15a: {  	s9 =	rddreg [dreg:$0x8];
	[sflag:s25] =	ssyncadd.s32 $0xFFFFFF80  }
0x15b: {  	[spmem:s3] =	stream.indirect.scatter.add.f32 [tilespmem:s12], [sflag:$0xA], $0x80, s14, s15, $0xb8;
	[tilespmem:$0x1FF00] =	vst v63  }
0x15c: {  	s7 =	sadd.s32 $0x0, s9  }
0x15d: {  	[tilespmem:s4], [sflag:$0x1] =	stream.linear.gather [hbm4b:s7+s4], $0x80, $0x38;
	[tilespmem:$0x1FF00] =	vst v63  }
0x15e: {  	_ =	swait.ge [sflag:s17], $0x80  }
0x15f: {  	[sflag:s17] =	ssyncset.done $0x0  }
0x160: {  	[sflag:s17] =	ssyncadd.s32 $0xFFFFFF80  }
0x161: {  	_ =	swait.ge [sflag:s31], $0x4000  }
0x162: {  	s11 =	rddreg [dreg:$0x7];
	[sflag:s31] =	ssyncset.done $0x0  }
0x163: {  	[sflag:s31] =	ssyncadd.s32 $0xFFFFC000;
	s7 =	sadd.s32 $0x0, s11  }
0x164: {  	[tilespmem:s14], [sflag:$0x4] =	stream.linear.gather [hbm4b:s7+s4], $0x80, $0x38;
	[tilespmem:$0x1FF00] =	vst v63  }
0x165: {  	_ = 	snop  }
0x166: {  	[tilespmem:s12], [sflag:$0x7] =	stream.indirect.gather [hbm4b:s0+s15], $0x80, s4, s15, $0xb8;
	[tilespmem:$0x1FF00] =	vst v63  }
0x167: {  	_ =	swait.ge [sflag:s26], $0x4000  }
0x168: {  	[sflag:s26] =	ssyncset.done $0x0  }
0x169: {  	[sflag:s26] =	ssyncadd.s32 $0xFFFFC000  }
0x16a: {  	_ =	swait.ge [sflag:s28], $0x80  }
0x16b: {  	[sflag:s28] =	ssyncset.done $0x0  }
0x16c: {  	s9 =	rddreg [dreg:$0x6];
	[sflag:s28] =	ssyncadd.s32 $0xFFFFFF80  }
0x16d: {  	[spmem:s3] =	stream.indirect.scatter.add.f32 [tilespmem:s19], [sflag:$0xB], $0x80, s16, s15, $0xb8;
	[tilespmem:$0x1FF00] =	vst v63  }
0x16e: {  	s7 =	sadd.s32 $0x0, s9  }
0x16f: {  	[tilespmem:s15], [sflag:$0x2] =	stream.linear.gather [hbm4b:s7+s4], $0x80, $0x38;
	[tilespmem:$0x1FF00] =	vst v63  }
0x170: {  	_ =	swait.ge [sflag:s18], $0x80  }
0x171: {  	[sflag:s18] =	ssyncset.done $0x0  }
0x172: {  	[sflag:s18] =	ssyncadd.s32 $0xFFFFFF80  }
0x173: {  	_ =	swait.ge [sflag:s1], $0x4000  }
0x174: {  	s11 =	rddreg [dreg:$0x5];
	[sflag:s1] =	ssyncset.done $0x0  }
0x175: {  	[sflag:s1] =	ssyncadd.s32 $0xFFFFC000;
	s7 =	sadd.s32 $0x0, s11  }
0x176: {  	[tilespmem:s16], [sflag:$0x5] =	stream.linear.gather [hbm4b:s7+s4], $0x80, $0x38;
	[tilespmem:$0x1FF00] =	vst v63  }
0x177: {  	_ = 	snop  }
0x178: {  	[tilespmem:s19], [sflag:$0x8] =	stream.indirect.gather [hbm4b:s0+s15], $0x80, s15, s15, $0xb8;
	[tilespmem:$0x1FF00] =	vst v63  }
0x179: {  	_ =	swait.ge [sflag:s29], $0x4000  }
0x17a: {  	[sflag:s29] =	ssyncset.done $0x0  }
0x17b: {  	[sflag:s29] =	ssyncadd.s32 $0xFFFFC000  }
0x17c: {  	_ =	swait.ge [sflag:s30], $0x80  }
0x17d: {  	[sflag:s30] =	ssyncset.done $0x0  }
0x17e: {  	s8 =	sadd.s32 $0x230, s8;
	s7 =	simm.s32 $0xC0;
	[sflag:s30] =	ssyncadd.s32 $0xFFFFFF80  }
0x17f: {  	[spmem:s3] =	stream.indirect.scatter.add.f32 [tilespmem:s23], [sflag:$0xC], $0x80, s22, s15, $0xb8;
	[tilespmem:$0x1FF00] =	vst v63  }
.LBB2_4:
0x180: {  	[tilespmem:s20], [sflag:$0x3] =	stream.linear.gather [hbm4b:s8+s4], $0x80, $0x38;
	[tilespmem:$0x1FF00] =	vst v63  }
0x181: {  	_ =	swait.ge [sflag:s21], $0x80  }
0x182: {  	[sflag:s21] =	ssyncset.done $0x0  }
0x183: {  	[sflag:s21] =	ssyncadd.s32 $0xFFFFFF80  }
0x184: {  	_ =	swait.ge [sflag:s2], $0x4000  }
0x185: {  	s9 =	smov.u32 s7;
	s11 =	rddreg [dreg:$0xf]  }
0x186: {  	[sflag:s2] =	ssyncset.done $0x0;
	s8 =	sadd.s32 s9, s11  }
0x187: {  	[sflag:s2] =	ssyncadd.s32 $0xFFFFC000;
	s11 =	sadd.s32 $0x160, s8  }
0x188: {  	[tilespmem:s22], [sflag:$0x6] =	stream.linear.gather [hbm4b:s11+s4], $0x80, $0x38;
	[tilespmem:$0x1FF00] =	vst v63  }
0x189: {  	_ = 	snop  }
0x18a: {  	[tilespmem:s23], [sflag:$0x9] =	stream.indirect.gather [hbm4b:s0+s15], $0x80, s20, s15, $0xb8;
	[tilespmem:$0x1FF00] =	vst v63  }
0x18b: {  	_ =	swait.ge [sflag:s24], $0x4000  }
0x18c: {  	[sflag:s24] =	ssyncset.done $0x0  }
0x18d: {  	[sflag:s24] =	ssyncadd.s32 $0xFFFFC000  }
0x18e: {  	_ =	swait.ge [sflag:s25], $0x80  }
0x18f: {  	[sflag:s25] =	ssyncset.done $0x0  }
0x190: {  	s11 =	rddreg [dreg:$0xd];
	[sflag:s25] =	ssyncadd.s32 $0xFFFFFF80  }
0x191: {  	[spmem:s3] =	stream.indirect.scatter.add.f32 [tilespmem:s12], [sflag:$0xA], $0x80, s14, s15, $0xb8;
	[tilespmem:$0x1FF00] =	vst v63  }
0x192: {  	s11 =	sadd.s32 s9, s11  }
0x193: {  	[tilespmem:s4], [sflag:$0x1] =	stream.linear.gather [hbm4b:s11+s4], $0x80, $0x38;
	[tilespmem:$0x1FF00] =	vst v63  }
0x194: {  	_ =	swait.ge [sflag:s17], $0x80  }
0x195: {  	[sflag:s17] =	ssyncset.done $0x0  }
0x196: {  	[sflag:s17] =	ssyncadd.s32 $0xFFFFFF80  }
0x197: {  	_ =	swait.ge [sflag:s31], $0x4000  }
0x198: {  	s11 =	rddreg [dreg:$0xe];
	[sflag:s31] =	ssyncset.done $0x0  }
0x199: {  	[sflag:s31] =	ssyncadd.s32 $0xFFFFC000;
	s11 =	sadd.s32 s9, s11  }
0x19a: {  	[tilespmem:s14], [sflag:$0x4] =	stream.linear.gather [hbm4b:s11+s4], $0x80, $0x38;
	[tilespmem:$0x1FF00] =	vst v63  }
0x19b: {  	_ = 	snop  }
0x19c: {  	[tilespmem:s12], [sflag:$0x7] =	stream.indirect.gather [hbm4b:s0+s15], $0x80, s4, s15, $0xb8;
	[tilespmem:$0x1FF00] =	vst v63  }
0x19d: {  	_ =	swait.ge [sflag:s26], $0x4000  }
0x19e: {  	[sflag:s26] =	ssyncset.done $0x0  }
0x19f: {  	[sflag:s26] =	ssyncadd.s32 $0xFFFFC000  }
0x1a0: {  	_ =	swait.ge [sflag:s28], $0x80  }
0x1a1: {  	[sflag:s28] =	ssyncset.done $0x0  }
0x1a2: {  	s11 =	rddreg [dreg:$0xc];
	[sflag:s28] =	ssyncadd.s32 $0xFFFFFF80  }
0x1a3: {  	[spmem:s3] =	stream.indirect.scatter.add.f32 [tilespmem:s19], [sflag:$0xB], $0x80, s16, s15, $0xb8;
	[tilespmem:$0x1FF00] =	vst v63  }
0x1a4: {  	s11 =	sadd.s32 s9, s11  }
0x1a5: {  	[tilespmem:s15], [sflag:$0x2] =	stream.linear.gather [hbm4b:s11+s4], $0x80, $0x38;
	[tilespmem:$0x1FF00] =	vst v63  }
0x1a6: {  	_ =	swait.ge [sflag:s18], $0x80  }
0x1a7: {  	[sflag:s18] =	ssyncset.done $0x0  }
0x1a8: {  	[sflag:s18] =	ssyncadd.s32 $0xFFFFFF80  }
0x1a9: {  	_ =	swait.ge [sflag:s1], $0x4000  }
0x1aa: {  	s11 =	rddreg [dreg:$0xb];
	[sflag:s1] =	ssyncset.done $0x0  }
0x1ab: {  	[sflag:s1] =	ssyncadd.s32 $0xFFFFC000;
	s11 =	sadd.s32 s9, s11  }
0x1ac: {  	[tilespmem:s16], [sflag:$0x5] =	stream.linear.gather [hbm4b:s11+s4], $0x80, $0x38;
	[tilespmem:$0x1FF00] =	vst v63  }
0x1ad: {  	_ = 	snop  }
0x1ae: {  	[tilespmem:s19], [sflag:$0x8] =	stream.indirect.gather [hbm4b:s0+s15], $0x80, s15, s15, $0xb8;
	[tilespmem:$0x1FF00] =	vst v63  }
0x1af: {  	_ =	swait.ge [sflag:s29], $0x4000  }
0x1b0: {  	[sflag:s29] =	ssyncset.done $0x0  }
0x1b1: {  	[sflag:s29] =	ssyncadd.s32 $0xFFFFC000  }
0x1b2: {  	_ =	swait.ge [sflag:s30], $0x80  }
0x1b3: {  	[sflag:s30] =	ssyncset.done $0x0  }
0x1b4: {  	s11 =	rddreg [dreg:$0xa];
	[sflag:s30] =	ssyncadd.s32 $0xFFFFFF80  }
0x1b5: {  	[spmem:s3] =	stream.indirect.scatter.add.f32 [tilespmem:s23], [sflag:$0xC], $0x80, s22, s15, $0xb8;
	[tilespmem:$0x1FF00] =	vst v63  }
0x1b6: {  	s11 =	sadd.s32 s9, s11  }
0x1b7: {  	[tilespmem:s20], [sflag:$0x3] =	stream.linear.gather [hbm4b:s11+s4], $0x80, $0x38;
	[tilespmem:$0x1FF00] =	vst v63  }
0x1b8: {  	_ =	swait.ge [sflag:s21], $0x80  }
0x1b9: {  	[sflag:s21] =	ssyncset.done $0x0  }
0x1ba: {  	[sflag:s21] =	ssyncadd.s32 $0xFFFFFF80  }
0x1bb: {  	_ =	swait.ge [sflag:s2], $0x4000  }
0x1bc: {  	s11 =	rddreg [dreg:$0x9];
	[sflag:s2] =	ssyncset.done $0x0  }
0x1bd: {  	[sflag:s2] =	ssyncadd.s32 $0xFFFFC000;
	s11 =	sadd.s32 s9, s11  }
0x1be: {  	[tilespmem:s22], [sflag:$0x6] =	stream.linear.gather [hbm4b:s11+s4], $0x80, $0x38;
	[tilespmem:$0x1FF00] =	vst v63  }
0x1bf: {  	_ = 	snop  }
0x1c0: {  	[tilespmem:s23], [sflag:$0x9] =	stream.indirect.gather [hbm4b:s0+s15], $0x80, s20, s15, $0xb8;
	[tilespmem:$0x1FF00] =	vst v63  }
0x1c1: {  	_ =	swait.ge [sflag:s24], $0x4000  }
0x1c2: {  	[sflag:s24] =	ssyncset.done $0x0  }
0x1c3: {  	[sflag:s24] =	ssyncadd.s32 $0xFFFFC000  }
0x1c4: {  	_ =	swait.ge [sflag:s25], $0x80  }
0x1c5: {  	[sflag:s25] =	ssyncset.done $0x0  }
0x1c6: {  	s11 =	rddreg [dreg:$0x8];
	[sflag:s25] =	ssyncadd.s32 $0xFFFFFF80  }
0x1c7: {  	[spmem:s3] =	stream.indirect.scatter.add.f32 [tilespmem:s12], [sflag:$0xA], $0x80, s14, s15, $0xb8;
	[tilespmem:$0x1FF00] =	vst v63  }
0x1c8: {  	s11 =	sadd.s32 s9, s11  }
0x1c9: {  	[tilespmem:s4], [sflag:$0x1] =	stream.linear.gather [hbm4b:s11+s4], $0x80, $0x38;
	[tilespmem:$0x1FF00] =	vst v63  }
0x1ca: {  	_ =	swait.ge [sflag:s17], $0x80  }
0x1cb: {  	[sflag:s17] =	ssyncset.done $0x0  }
0x1cc: {  	[sflag:s17] =	ssyncadd.s32 $0xFFFFFF80  }
0x1cd: {  	_ =	swait.ge [sflag:s31], $0x4000  }
0x1ce: {  	s11 =	rddreg [dreg:$0x7];
	[sflag:s31] =	ssyncset.done $0x0  }
0x1cf: {  	[sflag:s31] =	ssyncadd.s32 $0xFFFFC000;
	s11 =	sadd.s32 s9, s11  }
0x1d0: {  	[tilespmem:s14], [sflag:$0x4] =	stream.linear.gather [hbm4b:s11+s4], $0x80, $0x38;
	[tilespmem:$0x1FF00] =	vst v63  }
0x1d1: {  	_ = 	snop  }
0x1d2: {  	[tilespmem:s12], [sflag:$0x7] =	stream.indirect.gather [hbm4b:s0+s15], $0x80, s4, s15, $0xb8;
	[tilespmem:$0x1FF00] =	vst v63  }
0x1d3: {  	_ =	swait.ge [sflag:s26], $0x4000  }
0x1d4: {  	[sflag:s26] =	ssyncset.done $0x0  }
0x1d5: {  	[sflag:s26] =	ssyncadd.s32 $0xFFFFC000  }
0x1d6: {  	_ =	swait.ge [sflag:s28], $0x80  }
0x1d7: {  	[sflag:s28] =	ssyncset.done $0x0  }
0x1d8: {  	s11 =	rddreg [dreg:$0x6];
	[sflag:s28] =	ssyncadd.s32 $0xFFFFFF80  }
0x1d9: {  	[spmem:s3] =	stream.indirect.scatter.add.f32 [tilespmem:s19], [sflag:$0xB], $0x80, s16, s15, $0xb8;
	[tilespmem:$0x1FF00] =	vst v63  }
0x1da: {  	s11 =	sadd.s32 s9, s11  }
0x1db: {  	[tilespmem:s15], [sflag:$0x2] =	stream.linear.gather [hbm4b:s11+s4], $0x80, $0x38;
	[tilespmem:$0x1FF00] =	vst v63  }
0x1dc: {  	_ =	swait.ge [sflag:s18], $0x80  }
0x1dd: {  	[sflag:s18] =	ssyncset.done $0x0  }
0x1de: {  	[sflag:s18] =	ssyncadd.s32 $0xFFFFFF80  }
0x1df: {  	_ =	swait.ge [sflag:s1], $0x4000  }
0x1e0: {  	s11 =	rddreg [dreg:$0x5];
	[sflag:s1] =	ssyncset.done $0x0  }
0x1e1: {  	[sflag:s1] =	ssyncadd.s32 $0xFFFFC000;
	s9 =	sadd.s32 s9, s11  }
0x1e2: {  	[tilespmem:s16], [sflag:$0x5] =	stream.linear.gather [hbm4b:s9+s4], $0x80, $0x38;
	[tilespmem:$0x1FF00] =	vst v63  }
0x1e3: {  	_ = 	snop  }
0x1e4: {  	[tilespmem:s19], [sflag:$0x8] =	stream.indirect.gather [hbm4b:s0+s15], $0x80, s15, s15, $0xb8;
	[tilespmem:$0x1FF00] =	vst v63  }
0x1e5: {  	_ =	swait.ge [sflag:s29], $0x4000  }
0x1e6: {  	p1 =	sne.s32 s7, $0x780;
	[sflag:s29] =	ssyncset.done $0x0  }
.Ltmp1:
0x1e7: {  	[sflag:s29] =	ssyncadd.s32 $0xFFFFC000;
	(pc) =	sbr.rel @p1 .LBB2_4-.Ltmp1, $4  }
0x1e8: {  	_ =	swait.ge [sflag:s30], $0x80  }
0x1e9: {  	[sflag:s30] =	ssyncset.done $0x0  }
0x1ea: {  	s7 =	sadd.s32 $0xC0, s7;
	s8 =	sadd.s32 $0x230, s8;
	[sflag:s30] =	ssyncadd.s32 $0xFFFFFF80  }
0x1eb: {  	[spmem:s3] =	stream.indirect.scatter.add.f32 [tilespmem:s23], [sflag:$0xC], $0x80, s22, s15, $0xb8;
	[tilespmem:$0x1FF00] =	vst v63  }
0x1ec: {  	[tilespmem:s20], [sflag:$0x3] =	stream.linear.gather [hbm4b:s8+s4], $0x80, $0x38;
	[tilespmem:$0x1FF00] =	vst v63  }
0x1ed: {  	_ =	swait.ge [sflag:s21], $0x80  }
0x1ee: {  	[sflag:s21] =	ssyncset.done $0x0  }
0x1ef: {  	[sflag:s21] =	ssyncadd.s32 $0xFFFFFF80  }
0x1f0: {  	_ =	swait.ge [sflag:s2], $0x4000  }
0x1f1: {  	s7 =	sld [smem:$0x7FD]  }
0x1f2: {  	[sflag:s2] =	ssyncset.done $0x0  }
0x1f3: {  	[sflag:s2] =	ssyncadd.s32 $0xFFFFC000  }
0x1f4: {  	[tilespmem:s22], [sflag:$0x6] =	stream.linear.gather [hbm4b:s7+s4], $0x80, $0x38;
	[tilespmem:$0x1FF00] =	vst v63  }
0x1f5: {  	_ = 	snop  }
0x1f6: {  	[tilespmem:s23], [sflag:$0x9] =	stream.indirect.gather [hbm4b:s0+s15], $0x80, s20, s15, $0xb8;
	[tilespmem:$0x1FF00] =	vst v63  }
0x1f7: {  	_ =	swait.ge [sflag:s24], $0x4000  }
0x1f8: {  	[sflag:s24] =	ssyncset.done $0x0  }
0x1f9: {  	[sflag:s24] =	ssyncadd.s32 $0xFFFFC000  }
0x1fa: {  	_ =	swait.ge [sflag:s25], $0x80  }
0x1fb: {  	[sflag:s25] =	ssyncset.done $0x0  }
0x1fc: {  	[sflag:s25] =	ssyncadd.s32 $0xFFFFFF80  }
0x1fd: {  	[spmem:s3] =	stream.indirect.scatter.add.f32 [tilespmem:s12], [sflag:$0xD], $0x80, s14, s15, $0xb8;
	[tilespmem:$0x1FF00] =	vst v63  }
0x1fe: {  	_ =	swait.ge [sflag:s13], $0x4000  }
0x1ff: {  	[sflag:s13] =	ssyncset.done $0x0  }
0x200: {  	[sflag:s13] =	ssyncadd.s32 $0xFFFFC000  }
0x201: {  	_ =	swait.ge [sflag:s26], $0x4000  }
0x202: {  	[sflag:s26] =	ssyncset.done $0x0  }
0x203: {  	[sflag:s26] =	ssyncadd.s32 $0xFFFFC000  }
0x204: {  	_ =	swait.ge [sflag:s28], $0x80  }
0x205: {  	[sflag:s28] =	ssyncset.done $0x0  }
0x206: {  	[sflag:s28] =	ssyncadd.s32 $0xFFFFFF80  }
0x207: {  	[spmem:s3] =	stream.indirect.scatter.add.f32 [tilespmem:s19], [sflag:$0xD], $0x80, s16, s15, $0xb8;
	[tilespmem:$0x1FF00] =	vst v63  }
0x208: {  	_ =	swait.ge [sflag:s13], $0x4000  }
0x209: {  	[sflag:s13] =	ssyncset.done $0x0  }
0x20a: {  	[sflag:s13] =	ssyncadd.s32 $0xFFFFC000  }
0x20b: {  	_ =	swait.ge [sflag:s29], $0x4000  }
0x20c: {  	[sflag:s29] =	ssyncset.done $0x0  }
0x20d: {  	[sflag:s29] =	ssyncadd.s32 $0xFFFFC000  }
0x20e: {  	_ =	swait.ge [sflag:s30], $0x80  }
0x20f: {  	[sflag:s30] =	ssyncset.done $0x0  }
0x210: {  	[sflag:s30] =	ssyncadd.s32 $0xFFFFFF80  }
0x211: {  	[spmem:s3] =	stream.indirect.scatter.add.f32 [tilespmem:s23], [sflag:$0xD], $0x80, s22, s15, $0xb8;
	[tilespmem:$0x1FF00] =	vst v63  }
0x212: {  	_ =	swait.ge [sflag:s13], $0x4000  }
0x213: {  	[sflag:s13] =	ssyncset.done $0x0;
	s8 =	rddreg [dreg:$0x1f]  }
0x214: {  	s7 =	simm.s32 @p0 $0x0;
	s9 =	sld [smem:$0x7EF];
	[sflag:s13] =	ssyncadd.s32 $0xFFFFC000  }
0x215: {  	[tilespmem:s7], [sflag:$0x1] =	stream.linear.gather @p0 [hbm4b:s8+s7], $0x80, $0x38;
	[tilespmem:$0x1FF00] =	vst v63  }
0x216: {  	s8 =	simm.s32 @p0 $0x180  }
0x217: {  	[tilespmem:s8], [sflag:$0x4] =	stream.linear.gather @p0 [hbm4b:s9+s7], $0x80, $0x38;
	[tilespmem:$0x1FF00] =	vst v63  }
0x218: {  	s9 =	simm.s32 @p0 $0x1  }
0x219: {  	_ =	swait.ge @p0 [sflag:s9], $0x80  }
0x21a: {  	[sflag:s9] =	ssyncset.done @p0 $0x0  }
0x21b: {  	[sflag:s9] =	ssyncadd.s32 @p0 $0xFFFFFF80;
	s9 =	simm.s32 @p0 $0x4  }
0x21c: {  	_ =	swait.ge @p0 [sflag:s9], $0x80  }
0x21d: {  	[sflag:s9] =	ssyncset.done @p0 $0x0  }
0x21e: {  	s11 =	simm.s32 @p0 $0x300;
	[sflag:s9] =	ssyncadd.s32 @p0 $0xFFFFFF80;
	s9 =	simm.s32 @p0 $0x80  }
0x21f: {  	[tilespmem:s11], [sflag:$0x7] =	stream.indirect.gather @p0 [hbm4b:s0+s9], $0x80, s7, s9, $0xb8;
	[tilespmem:$0x1FF00] =	vst v63  }
0x220: {  	s7 =	simm.s32 @p0 $0x7  }
0x221: {  	_ =	swait.ge @p0 [sflag:s7], $0x4000  }
0x222: {  	[sflag:s7] =	ssyncset.done @p0 $0x0  }
0x223: {  	[sflag:s7] =	ssyncadd.s32 @p0 $0xFFFFC000;
	s7 =	simm.s32 @p0 $0xD  }
0x224: {  	[spmem:s3] =	stream.indirect.scatter.add.f32 @p0 [tilespmem:s11], [sflag:$0xD], $0x80, s8, s9, $0xb8;
	[tilespmem:$0x1FF00] =	vst v63  }
0x225: {  	_ =	swait.ge @p0 [sflag:s7], $0x4000  }
0x226: {  	[sflag:s7] =	ssyncset.done @p0 $0x0  }
0x227: {  	[sflag:s7] =	ssyncadd.s32 @p0 $0xFFFFC000  }
0x228: {  	[bflag:$0x0] =	sbarrier.arrive $0xFFFF  }
0x229: {  	s8 =	stileid.u32;
	s11 =	sld [smem:$0x7F0]  }
0x22a: {  	s7 =	sshll.u32 s8, $0x6  }
0x22b: {  	s9 =	sshrl.u32 s5, $0x3;
	s7 =	sor.u32 $0x1C0D, s7  }
0x22c: {  	[hbm:s11], [sflag:s7] =	dma.local [spmem:s9], $0x2780  }
0x22d: {  	_ =	swait.ge [sflag:s13], $0x2780  }
0x22e: {  	s11 =	sld [smem:$0x7F1];
	_ =	sdelay $0x1  }
0x22f: {  	s6 =	sadd.s32 $0x1, s6  }
0x230: {  	p1 =	sne.s32 s6, s11  }
.Ltmp2:
0x231: {  	_ = 	snop;
	(pc) =	sbr.rel @p1 .LBB2_1-.Ltmp2, $3  }
0x232: {  	_ =	sdelay $0x1  }
0x233: {  	[sflag:s13] =	ssyncset.done $0x0  }
0x234: {  	[sflag:s13] =	ssyncadd.s32 $0xFFFFD880  }
0x235: {  	_ =	sfence.sel $0x180000  }
0x236: {  	[bflag:$0x0] =	sbarrier.arrive $0xFFFF  }
0x237: {  	_ =	strace $0x90000047  }
0x238: {  	s0 =	stileid.u32;
	[bflag:$0x2] =	sbarrier.arrive $0xFFFF  }
0x239: {  	p0 =	sne.s32 s0, $0x0;
	s0 =	rddreg [dreg:$0x4]  }
0x23a: {  	s0 =	sadd.s32 @!p0 $0x100000, s0  }
0x23b: {  	[sflag:s0] =	ssyncadd.tile.s32 @!p0 $0x1;
	_ =	shalt  }
.Lfunc_end2:
_tile_overlayer_lowered:
.L_overlay_start_2:
0x23c: {  	(tag) =	ssettag $0x2  }
0x23d: {  	s0 =	rddreg [dreg:$0x0];
	s2 =	stileid.u32  }
0x23e: {  	s1 =	rddreg [dreg:$0x1];
	p0 =	sne.s32 s2, $0x0  }
0x23f: {  	s3 =	rddreg [dreg:$0x2];
	[bflag:$0x3] =	sbarrier.arrive $0xFFFF;
	s2 =	simm.s32 @!p0 $0x1C0D  }
0x240: {  	[timem:s3], [sflag:s2] =	dma.local @!p0 [hbm:s0], s1  }
0x241: {  	s0 =	simm.s32 @!p0 $0xD  }
0x242: {  	_ =	swait.ge @!p0 [sflag:s0], s1  }
0x243: {  	s1 =	ssub.s32 @!p0 $0x0, s1;
	[sflag:s0] =	ssyncset.done @!p0 $0x0  }
0x244: {  	[sflag:s0] =	ssyncadd.s32 @!p0 s1  }
0x245: {  	[bflag:$0x3] =	sbarrier.arrive $0xFFFF  }
0x246: {  	_ =	shalt  }

</sc_bundles>
